<compile_context>
chip_gen: v7x
topology: tpu7x:2x2x1
jax: 0.10.2.dev20260603
libtpu: 0.0.44.dev20260713+nightly
codegen_flags: <defaults>
</compile_context>

<pallas_src>
import functools

import jax
import jax.numpy as jnp
from jax import lax
from jax.experimental import pallas as pl
from jax.experimental.pallas import tpu as pltpu
from jax.experimental.pallas import tpu_sc as plsc

NPTS = 524288
NCLS = 20
K = 2048
NC, NS, L = 2, 16, 16
NW = NC * NS
PPW = NPTS // NW
P = 2048
NCHUNK = PPW // P
GROUPS = P // L
HW = NCLS * K
LN2 = 0.6931471805599453


def _log_ge1(s):
    bits = plsc.bitcast(s, jnp.int32)
    e = ((bits >> 23) & 0xFF) - 127
    man = plsc.bitcast((bits & 0x007FFFFF) | 0x3F800000, jnp.float32)
    z = (man - 1.0) / (man + 1.0)
    z2 = z * z
    p = jnp.float32(1.0 / 9.0)
    p = p * z2 + jnp.float32(1.0 / 7.0)
    p = p * z2 + jnp.float32(1.0 / 5.0)
    p = p * z2 + jnp.float32(1.0 / 3.0)
    p = p * z2 + jnp.float32(1.0)
    return e.astype(jnp.float32) * jnp.float32(LN2) + jnp.float32(2.0) * z * p


def _hist_body(outs_ref, tgts_ref, hist_out, ce_out, hist, buf, tbuf, cebuf):
    cid = lax.axis_index("c")
    sid = lax.axis_index("s")
    wid = sid * NC + cid
    base = wid * PPW
    iota = lax.broadcasted_iota(jnp.int32, (L,), 0)
    zero16i = jnp.zeros((L,), jnp.int32)

    def zbody(i, _):
        hist[pl.ds(i * L, L)] = zero16i
        return 0

    lax.fori_loop(0, HW // L, zbody, 0)

    def chunk_body(ci, carry):
        off = base + ci * P
        pltpu.sync_copy(outs_ref.at[pl.ds(off * NCLS, P * NCLS)], buf)
        pltpu.sync_copy(tgts_ref.at[pl.ds(off, P)], tbuf)

        def group_body(g, carry2):
            ce_a, vc_a = carry2
            rows = (g * L + iota) * NCLS
            tgt = tbuf[pl.ds(g * L, L)]
            vals = [plsc.load_gather(buf, [rows + c]) for c in range(NCLS)]
            m = vals[0]
            for c in range(1, NCLS):
                m = jnp.maximum(m, vals[c])
            es = [jnp.exp(v - m) for v in vals]
            s = es[0]
            for c in range(1, NCLS):
                s = s + es[c]
            o_t = plsc.load_gather(buf, [rows + tgt])
            validf = jnp.where(tgt != 0, jnp.float32(1.0), jnp.float32(0.0))
            nll = m + _log_ge1(s) - o_t
            ce_a = ce_a + nll * validf
            vc_a = vc_a + validf
            rinv = jnp.float32(K) / s
            kcap = jnp.full((L,), K - 1, jnp.int32)
            vbg = jnp.full((L,), 65536, jnp.int32)
            for c in range(NCLS):
                kb = jnp.minimum((es[c] * rinv).astype(jnp.int32), kcap)
                plsc.addupdate_scatter(hist, [kb + (c * K)], vbg)
            x_t = jnp.exp(o_t - m) * rinv
            kb_bg = jnp.minimum(x_t.astype(jnp.int32), kcap)
            kb_fg = jnp.minimum((jnp.float32(K) - x_t).astype(jnp.int32), kcap)
            tbase = tgt * K
            plsc.addupdate_scatter(hist, [tbase + kb_bg], -vbg)
            plsc.addupdate_scatter(hist, [tbase + kb_fg], vbg + 1)
            return ce_a, vc_a

        return lax.fori_loop(0, GROUPS, group_body, carry)

    zf = jnp.zeros((L,), jnp.float32)
    ce_acc, vc_acc = lax.fori_loop(0, NCHUNK, chunk_body, (zf, zf))
    cebuf[pl.ds(0, L)] = ce_acc
    cebuf[pl.ds(L, L)] = vc_acc
    pltpu.sync_copy(hist, hist_out.at[pl.ds(wid * HW, HW)])
    pltpu.sync_copy(cebuf, ce_out.at[pl.ds(wid * 2 * L, 2 * L)])


def _finish_body(hist_in, ce_in, out_hbm, hsl, accn, accfg, cebuf, outbuf, sem):
    cid = lax.axis_index("c")
    sid = lax.axis_index("s")
    wid = sid * NC + cid
    iota = lax.broadcasted_iota(jnp.int32, (L,), 0)
    zero16i = jnp.zeros((L,), jnp.int32)

    @pl.when(wid < NCLS)
    def _class_work():
        c = wid
        cps = [
            pltpu.async_copy(
                hist_in.at[pl.ds(t * HW + c * K, K)],
                hsl.at[pl.ds(t * K, K)], sem)
            for t in range(NW)
        ]
        for cp in cps:
            cp.wait()

        def merge_body(j, gacc):
            vn = zero16i
            vf = zero16i
            for t in range(NW):
                v = hsl[pl.ds(t * K + j * L, L)]
                vn = vn + (v >> 16)
                vf = vf + (v & 0xFFFF)
            accn[pl.ds(j * L, L)] = vn
            accfg[pl.ds(j * L, L)] = vf
            return gacc + vf

        gacc = lax.fori_loop(0, K // L, merge_body, zero16i)
        g_i = jnp.sum(gacc)
        gf = g_i.astype(jnp.float32)

        def cum_body(t, carry):
            cb_c, cB_c, lacc = carry
            j = (K // L - 1) - t
            rn = jnp.flip(accn[pl.ds(j * L, L)], 0)
            rf = jnp.flip(accfg[pl.ds(j * L, L)], 0)
            cb = plsc.cumsum(rn) + cb_c
            cB = plsc.cumsum(rf) + cB_c
            b = cb.astype(jnp.float32)
            B = cB.astype(jnp.float32)
            a = b - rn.astype(jnp.float32)
            A = B - rf.astype(jnp.float32)
            jb = 1.0 - (gf - B) / (gf + b - B)
            ja = 1.0 - (gf - A) / (gf + a - A)
            krev = (j * L + (L - 1)) - iota
            ebar = (krev.astype(jnp.float32) + 0.5) * jnp.float32(1.0 / K)
            lacc = lacc + ebar * (jb - ja)
            return jnp.max(cb), jnp.max(cB), lacc

        _, _, lacc = lax.fori_loop(
            0, K // L, cum_body,
            (jnp.int32(0), jnp.int32(0), jnp.zeros((L,), jnp.float32)))
        loss = jnp.sum(lacc)
        present = g_i > 0
        loss_m = jnp.where(present, loss, jnp.float32(0.0))
        presf = jnp.where(present, jnp.float32(1.0), jnp.float32(0.0))
        w = jnp.where(iota == 0, loss_m,
                      jnp.where(iota == 1, presf, jnp.float32(0.0)))
        outbuf[pl.ds(0, L)] = w
        pltpu.sync_copy(outbuf, out_hbm.at[pl.ds(c * L, L)])

    @pl.when(wid == NCLS)
    def _ce_work():
        pltpu.sync_copy(ce_in, cebuf)
        zf = jnp.zeros((L,), jnp.float32)

        def sum_body(t, carry):
            ca, va = carry
            return (ca + cebuf[pl.ds(t * 2 * L, L)],
                    va + cebuf[pl.ds(t * 2 * L + L, L)])

        ca, va = lax.fori_loop(0, NW, sum_body, (zf, zf))
        outbuf[pl.ds(0, L)] = ca
        pltpu.sync_copy(outbuf, out_hbm.at[pl.ds(NCLS * L, L)])
        outbuf[pl.ds(0, L)] = va
        pltpu.sync_copy(outbuf, out_hbm.at[pl.ds((NCLS + 1) * L, L)])


_mesh = plsc.VectorSubcoreMesh(
    core_axis_name="c", subcore_axis_name="s", num_cores=NC, num_subcores=NS)

_params = pltpu.CompilerParams(needs_layout_passes=False)

_hist_kernel = pl.kernel(
    _hist_body,
    out_type=(
        jax.ShapeDtypeStruct((NW * HW,), jnp.int32),
        jax.ShapeDtypeStruct((NW * 2 * L,), jnp.float32),
    ),
    mesh=_mesh,
    compiler_params=_params,
    scratch_types=(
        pltpu.VMEM((HW,), jnp.int32),
        pltpu.VMEM((P * NCLS,), jnp.float32),
        pltpu.VMEM((P,), jnp.int32),
        pltpu.VMEM((2 * L,), jnp.float32),
    ),
)

_finish_kernel = pl.kernel(
    _finish_body,
    out_type=jax.ShapeDtypeStruct(((NCLS + 2) * L,), jnp.float32),
    mesh=_mesh,
    compiler_params=_params,
    scratch_types=(
        pltpu.VMEM((NW * K,), jnp.int32),
        pltpu.VMEM((K,), jnp.int32),
        pltpu.VMEM((K,), jnp.int32),
        pltpu.VMEM((NW * 2 * L,), jnp.float32),
        pltpu.VMEM((L,), jnp.float32),
        pltpu.SemaphoreType.DMA,
    ),
)


def kernel(outputs, targets):
    hist, cestat = _hist_kernel(
        outputs.reshape(-1), targets.astype(jnp.int32))
    out = _finish_kernel(hist, cestat).reshape(NCLS + 2, L)
    loss = out[:NCLS, 0]
    cnt = out[:NCLS, 1].sum()
    lovasz = jnp.where(cnt > 0, loss.sum() / jnp.maximum(cnt, 1.0),
                       jnp.float32(0.0))
    ce = out[NCLS].sum() / out[NCLS + 1].sum()
    return (ce, lovasz)

# --- scband reference (transcript-rebuilt; emitter-appended) ---
"""Pipeline reference for scband-sem-loss-45990509805976 (READ-ONLY COPY).

The authoritative reference and input builder live on the scoring server;
editing this copy changes nothing except your own understanding.
"""

import jax, jax.numpy as jnp
import numpy as np

CE_W = 1.0
LOV_W = 1.0
N = 524288
C = 20


def lovasz_grad(gt_sorted):
    gts = gt_sorted.sum()
    intersection = gts - jnp.cumsum(gt_sorted)
    union = gts + jnp.cumsum(1.0 - gt_sorted)
    jaccard = 1.0 - intersection / union
    jaccard = jnp.concatenate([jaccard[:1], jaccard[1:] - jaccard[:-1]])
    return jaccard


def setup_inputs(seed: int = 0) -> dict:
    key = jax.random.key(seed)
    k1, k2 = jax.random.split(key)
    outputs = jax.random.normal(k1, (N, C), dtype=jnp.float32)
    targets = jax.random.randint(k2, (N,), 0, C, dtype=jnp.int32)
    return {"outputs": outputs, "targets": targets}


def reference(outputs, targets):
    # CrossEntropyLoss with ignore_index=0 (mean over valid elements)
    logp = jax.nn.log_softmax(outputs, axis=1)
    nll = -jnp.take_along_axis(logp, targets[:, None].astype(jnp.int32), axis=1)[:, 0]
    valid = (targets != 0).astype(jnp.float32)
    ce = jnp.sum(nll * valid) / jnp.sum(valid)

    # Lovasz-Softmax on softmax probabilities, classes='present', no ignore
    probas = jax.nn.softmax(outputs, axis=1)
    acc = jnp.float32(0.0)
    cnt = jnp.float32(0.0)
    for c in range(C):
        fg = (targets == c).astype(jnp.float32)
        present = jnp.any(targets == c)
        errors = jnp.abs(fg - probas[:, c])
        perm = jnp.argsort(-errors)
        errors_sorted = errors[perm]
        fg_sorted = fg[perm]
        loss_c = jnp.dot(errors_sorted, lovasz_grad(fg_sorted))
        acc = acc + jnp.where(present, loss_c, jnp.float32(0.0))
        cnt = cnt + present.astype(jnp.float32)
    lovasz = jnp.where(cnt > 0, acc / jnp.maximum(cnt, jnp.float32(1.0)), jnp.float32(0.0))
    return (CE_W * ce, LOV_W * lovasz)

if __name__ == "__main__":
    import jax
    _d = setup_inputs()
    print(jax.jit(kernel)(*tuple(_d.values())))

</pallas_src>

<mosaic_0001>
#map = affine_map<(d0, d1) -> (0)>
module attributes {stable_mosaic.version = 14 : i64} {
  func.func @_hist_body(%arg0: i32, %arg1: i32, %arg2: memref<10485760xf32, #tpu.memory_space<hbm>>, %arg3: memref<524288xi32, #tpu.memory_space<hbm>>, %arg4: memref<1310720xi32, #tpu.memory_space<hbm>>, %arg5: memref<1024xf32, #tpu.memory_space<hbm>>, %arg6: memref<40960xi32, #tpu.memory_space<vmem>>, %arg7: memref<40960xf32, #tpu.memory_space<vmem>>, %arg8: memref<2048xi32, #tpu.memory_space<vmem>>, %arg9: memref<32xf32, #tpu.memory_space<vmem>>) attributes {dimension_semantics = [#tpu.dimension_semantics<core_parallel>, #tpu.dimension_semantics<subcore_parallel>], iteration_bounds = array<i64: 2, 16>, scalar_prefetch = 0 : i64, scratch_operands = 4 : i64, tpu.core_type = #tpu.core_type<sc_vector_subcore>, window_params = [{transform_indices = #map}, {transform_indices = #map}, {transform_indices = #map}, {transform_indices = #map}]} {
    %mul3A = arith.constant 2 : i32
    %mul3A_0 = arith.muli %arg1, %mul3A : i32
    %add3A = arith.addi %mul3A_0, %arg0 : i32
    %mul3A_1 = arith.constant 16384 : i32
    %mul3A_2 = arith.muli %add3A, %mul3A_1 : i32
    %iota3A = tpu.iota {dimensions = array<i32: 0>} : vector<16xi32>
    %broadcast_in_dim3A = arith.constant 0 : i32
    %broadcast_in_dim3A_3 = vector.broadcast %broadcast_in_dim3A : i32 to vector<16xi32>
    %scan3A = arith.constant 0 : i32
    %scan3A_4 = arith.constant 0 : i32
    %scan3A_5 = arith.constant 2560 : i32
    %scan3A_6 = arith.addi %scan3A_4, %scan3A_5 : i32
    %scan3A_7 = arith.constant 1 : i32
    %scan3A_8 = scf.for %scan3A_27 = %scan3A_4 to %scan3A_6 step %scan3A_7 iter_args(%scan3A_28 = %scan3A) -> (i32)  : i32 {
      %mul3A_29 = arith.constant 16 : i32
      %mul3A_30 = arith.muli %scan3A_27, %mul3A_29 : i32
      %swap3A_31 = arith.index_cast %mul3A_30 : i32 to index
      %swap3A_32 = tpu.vector_load %arg6[%swap3A_31] {strides = array<i32>} : memref<40960xi32, #tpu.memory_space<vmem>>, vector<16xi32>,
      tpu.vector_store %arg6[%swap3A_31], %broadcast_in_dim3A_3 {strides = array<i32>} : memref<40960xi32, #tpu.memory_space<vmem>>, vector<16xi32>,
      %scan3A_33 = arith.constant 0 : i32
      scf.yield %scan3A_33 : i32
    }
    %scan3A_9 = arith.constant 2560 : i32
    %broadcast_in_dim3A_10 = arith.constant 0.000000e+00 : f32
    %broadcast_in_dim3A_11 = vector.broadcast %broadcast_in_dim3A_10 : f32 to vector<16xf32>
    %scan3A_12 = arith.constant 0 : i32
    %scan3A_13 = arith.constant 8 : i32
    %scan3A_14 = arith.addi %scan3A_12, %scan3A_13 : i32
    %scan3A_15 = arith.constant 1 : i32
    %scan3A_16:2 = scf.for %scan3A_27 = %scan3A_12 to %scan3A_14 step %scan3A_15 iter_args(%scan3A_28 = %broadcast_in_dim3A_11, %scan3A_29 = %broadcast_in_dim3A_11) -> (vector<16xf32>, vector<16xf32>)  : i32 {
      %mul3A_30 = arith.constant 2048 : i32
      %mul3A_31 = arith.muli %scan3A_27, %mul3A_30 : i32
      %add3A_32 = arith.addi %mul3A_2, %mul3A_31 : i32
      %mul3A_33 = arith.constant 20 : i32
      %mul3A_34 = arith.muli %add3A_32, %mul3A_33 : i32
      "tpu.region"() ({
        %run_scoped3A = tpu.sem_alloc : memref<!tpu.dma_semaphore, #tpu.memory_space<semaphore_mem>>
        %dma_start3A = tpu.memref_slice %arg2[%mul3A_34] : memref<10485760xf32, #tpu.memory_space<hbm>> -> memref<40960xf32, #tpu.memory_space<hbm>>
        %dma_start3A_41 = tpu.memref_slice %arg2[%mul3A_34] : memref<10485760xf32, #tpu.memory_space<hbm>> -> memref<40960xf32, #tpu.memory_space<hbm>>
        tpu.enqueue_dma source(%dma_start3A_41 : memref<40960xf32, #tpu.memory_space<hbm>>) target(%arg7 : memref<40960xf32, #tpu.memory_space<vmem>>) target_semaphore(%run_scoped3A : memref<!tpu.dma_semaphore, #tpu.memory_space<semaphore_mem>>)
        %dma_wait3A = tpu.memref_slice %arg2[%mul3A_34] : memref<10485760xf32, #tpu.memory_space<hbm>> -> memref<40960xf32, #tpu.memory_space<hbm>>
        %dma_wait3A_42 = tpu.memref_slice %arg2[%mul3A_34] : memref<10485760xf32, #tpu.memory_space<hbm>> -> memref<40960xf32, #tpu.memory_space<hbm>>
        tpu.wait_dma2 semaphore(%run_scoped3A : memref<!tpu.dma_semaphore, #tpu.memory_space<semaphore_mem>>) src(%dma_wait3A_42 : memref<40960xf32, #tpu.memory_space<hbm>>) dst(%arg7 : memref<40960xf32, #tpu.memory_space<vmem>>)
        tpu.yield
      }) : () -> ()
      "tpu.region"() ({
        %run_scoped3A = tpu.sem_alloc : memref<!tpu.dma_semaphore, #tpu.memory_space<semaphore_mem>>
        %dma_start3A = tpu.memref_slice %arg3[%add3A_32] : memref<524288xi32, #tpu.memory_space<hbm>> -> memref<2048xi32, #tpu.memory_space<hbm>>
        %dma_start3A_41 = tpu.memref_slice %arg3[%add3A_32] : memref<524288xi32, #tpu.memory_space<hbm>> -> memref<2048xi32, #tpu.memory_space<hbm>>
        tpu.enqueue_dma source(%dma_start3A_41 : memref<2048xi32, #tpu.memory_space<hbm>>) target(%arg8 : memref<2048xi32, #tpu.memory_space<vmem>>) target_semaphore(%run_scoped3A : memref<!tpu.dma_semaphore, #tpu.memory_space<semaphore_mem>>)
        %dma_wait3A = tpu.memref_slice %arg3[%add3A_32] : memref<524288xi32, #tpu.memory_space<hbm>> -> memref<2048xi32, #tpu.memory_space<hbm>>
        %dma_wait3A_42 = tpu.memref_slice %arg3[%add3A_32] : memref<524288xi32, #tpu.memory_space<hbm>> -> memref<2048xi32, #tpu.memory_space<hbm>>
        tpu.wait_dma2 semaphore(%run_scoped3A : memref<!tpu.dma_semaphore, #tpu.memory_space<semaphore_mem>>) src(%dma_wait3A_42 : memref<2048xi32, #tpu.memory_space<hbm>>) dst(%arg8 : memref<2048xi32, #tpu.memory_space<vmem>>)
        tpu.yield
      }) : () -> ()
      %scan3A_35 = arith.constant 0 : i32
      %scan3A_36 = arith.constant 128 : i32
      %scan3A_37 = arith.addi %scan3A_35, %scan3A_36 : i32
      %scan3A_38 = arith.constant 1 : i32
      %scan3A_39:2 = scf.for %scan3A_41 = %scan3A_35 to %scan3A_37 step %scan3A_38 iter_args(%scan3A_42 = %scan3A_28, %scan3A_43 = %scan3A_29) -> (vector<16xf32>, vector<16xf32>)  : i32 {
        %mul3A_44 = arith.constant 16 : i32
        %mul3A_45 = arith.muli %scan3A_41, %mul3A_44 : i32
        %add3A_46 = vector.broadcast %mul3A_45 : i32 to vector<16xi32>
        %add3A_47 = arith.addi %add3A_46, %iota3A : vector<16xi32>
        %mul3A_48 = arith.constant 20 : i32
        %mul3A_49 = vector.broadcast %mul3A_48 : i32 to vector<16xi32>
        %mul3A_50 = arith.muli %add3A_47, %mul3A_49 : vector<16xi32>
        %mul3A_51 = arith.constant 16 : i32
        %mul3A_52 = arith.muli %scan3A_41, %mul3A_51 : i32
        %get3A = arith.index_cast %mul3A_52 : i32 to index
        %get3A_53 = tpu.vector_load %arg8[%get3A] {strides = array<i32>} : memref<2048xi32, #tpu.memory_space<vmem>>, vector<16xi32>,
        %add3A_54 = arith.constant 0 : i32
        %add3A_55 = vector.broadcast %add3A_54 : i32 to vector<16xi32>
        %add3A_56 = arith.addi %mul3A_50, %add3A_55 : vector<16xi32>
        %gather3A = tpu.vector_load_idx %arg7[%add3A_56] : memref<40960xf32, #tpu.memory_space<vmem>>[vector<16xi32>], vector<16xf32>,
        %add3A_57 = arith.constant 1 : i32
        %add3A_58 = vector.broadcast %add3A_57 : i32 to vector<16xi32>
        %add3A_59 = arith.addi %mul3A_50, %add3A_58 : vector<16xi32>
        %gather3A_60 = tpu.vector_load_idx %arg7[%add3A_59] : memref<40960xf32, #tpu.memory_space<vmem>>[vector<16xi32>], vector<16xf32>,
        %add3A_61 = arith.constant 2 : i32
        %add3A_62 = vector.broadcast %add3A_61 : i32 to vector<16xi32>
        %add3A_63 = arith.addi %mul3A_50, %add3A_62 : vector<16xi32>
        %gather3A_64 = tpu.vector_load_idx %arg7[%add3A_63] : memref<40960xf32, #tpu.memory_space<vmem>>[vector<16xi32>], vector<16xf32>,
        %add3A_65 = arith.constant 3 : i32
        %add3A_66 = vector.broadcast %add3A_65 : i32 to vector<16xi32>
        %add3A_67 = arith.addi %mul3A_50, %add3A_66 : vector<16xi32>
        %gather3A_68 = tpu.vector_load_idx %arg7[%add3A_67] : memref<40960xf32, #tpu.memory_space<vmem>>[vector<16xi32>], vector<16xf32>,
        %add3A_69 = arith.constant 4 : i32
        %add3A_70 = vector.broadcast %add3A_69 : i32 to vector<16xi32>
        %add3A_71 = arith.addi %mul3A_50, %add3A_70 : vector<16xi32>
        %gather3A_72 = tpu.vector_load_idx %arg7[%add3A_71] : memref<40960xf32, #tpu.memory_space<vmem>>[vector<16xi32>], vector<16xf32>,
        %add3A_73 = arith.constant 5 : i32
        %add3A_74 = vector.broadcast %add3A_73 : i32 to vector<16xi32>
        %add3A_75 = arith.addi %mul3A_50, %add3A_74 : vector<16xi32>
        %gather3A_76 = tpu.vector_load_idx %arg7[%add3A_75] : memref<40960xf32, #tpu.memory_space<vmem>>[vector<16xi32>], vector<16xf32>,
        %add3A_77 = arith.constant 6 : i32
        %add3A_78 = vector.broadcast %add3A_77 : i32 to vector<16xi32>
        %add3A_79 = arith.addi %mul3A_50, %add3A_78 : vector<16xi32>
        %gather3A_80 = tpu.vector_load_idx %arg7[%add3A_79] : memref<40960xf32, #tpu.memory_space<vmem>>[vector<16xi32>], vector<16xf32>,
        %add3A_81 = arith.constant 7 : i32
        %add3A_82 = vector.broadcast %add3A_81 : i32 to vector<16xi32>
        %add3A_83 = arith.addi %mul3A_50, %add3A_82 : vector<16xi32>
        %gather3A_84 = tpu.vector_load_idx %arg7[%add3A_83] : memref<40960xf32, #tpu.memory_space<vmem>>[vector<16xi32>], vector<16xf32>,
        %add3A_85 = arith.constant 8 : i32
        %add3A_86 = vector.broadcast %add3A_85 : i32 to vector<16xi32>
        %add3A_87 = arith.addi %mul3A_50, %add3A_86 : vector<16xi32>
        %gather3A_88 = tpu.vector_load_idx %arg7[%add3A_87] : memref<40960xf32, #tpu.memory_space<vmem>>[vector<16xi32>], vector<16xf32>,
        %add3A_89 = arith.constant 9 : i32
        %add3A_90 = vector.broadcast %add3A_89 : i32 to vector<16xi32>
        %add3A_91 = arith.addi %mul3A_50, %add3A_90 : vector<16xi32>
        %gather3A_92 = tpu.vector_load_idx %arg7[%add3A_91] : memref<40960xf32, #tpu.memory_space<vmem>>[vector<16xi32>], vector<16xf32>,
        %add3A_93 = arith.constant 10 : i32
        %add3A_94 = vector.broadcast %add3A_93 : i32 to vector<16xi32>
        %add3A_95 = arith.addi %mul3A_50, %add3A_94 : vector<16xi32>
        %gather3A_96 = tpu.vector_load_idx %arg7[%add3A_95] : memref<40960xf32, #tpu.memory_space<vmem>>[vector<16xi32>], vector<16xf32>,
        %add3A_97 = arith.constant 11 : i32
        %add3A_98 = vector.broadcast %add3A_97 : i32 to vector<16xi32>
        %add3A_99 = arith.addi %mul3A_50, %add3A_98 : vector<16xi32>
        %gather3A_100 = tpu.vector_load_idx %arg7[%add3A_99] : memref<40960xf32, #tpu.memory_space<vmem>>[vector<16xi32>], vector<16xf32>,
        %add3A_101 = arith.constant 12 : i32
        %add3A_102 = vector.broadcast %add3A_101 : i32 to vector<16xi32>
        %add3A_103 = arith.addi %mul3A_50, %add3A_102 : vector<16xi32>
        %gather3A_104 = tpu.vector_load_idx %arg7[%add3A_103] : memref<40960xf32, #tpu.memory_space<vmem>>[vector<16xi32>], vector<16xf32>,
        %add3A_105 = arith.constant 13 : i32
        %add3A_106 = vector.broadcast %add3A_105 : i32 to vector<16xi32>
        %add3A_107 = arith.addi %mul3A_50, %add3A_106 : vector<16xi32>
        %gather3A_108 = tpu.vector_load_idx %arg7[%add3A_107] : memref<40960xf32, #tpu.memory_space<vmem>>[vector<16xi32>], vector<16xf32>,
        %add3A_109 = arith.constant 14 : i32
        %add3A_110 = vector.broadcast %add3A_109 : i32 to vector<16xi32>
        %add3A_111 = arith.addi %mul3A_50, %add3A_110 : vector<16xi32>
        %gather3A_112 = tpu.vector_load_idx %arg7[%add3A_111] : memref<40960xf32, #tpu.memory_space<vmem>>[vector<16xi32>], vector<16xf32>,
        %add3A_113 = arith.constant 15 : i32
        %add3A_114 = vector.broadcast %add3A_113 : i32 to vector<16xi32>
        %add3A_115 = arith.addi %mul3A_50, %add3A_114 : vector<16xi32>
        %gather3A_116 = tpu.vector_load_idx %arg7[%add3A_115] : memref<40960xf32, #tpu.memory_space<vmem>>[vector<16xi32>], vector<16xf32>,
        %add3A_117 = arith.constant 16 : i32
        %add3A_118 = vector.broadcast %add3A_117 : i32 to vector<16xi32>
        %add3A_119 = arith.addi %mul3A_50, %add3A_118 : vector<16xi32>
        %gather3A_120 = tpu.vector_load_idx %arg7[%add3A_119] : memref<40960xf32, #tpu.memory_space<vmem>>[vector<16xi32>], vector<16xf32>,
        %add3A_121 = arith.constant 17 : i32
        %add3A_122 = vector.broadcast %add3A_121 : i32 to vector<16xi32>
        %add3A_123 = arith.addi %mul3A_50, %add3A_122 : vector<16xi32>
        %gather3A_124 = tpu.vector_load_idx %arg7[%add3A_123] : memref<40960xf32, #tpu.memory_space<vmem>>[vector<16xi32>], vector<16xf32>,
        %add3A_125 = arith.constant 18 : i32
        %add3A_126 = vector.broadcast %add3A_125 : i32 to vector<16xi32>
        %add3A_127 = arith.addi %mul3A_50, %add3A_126 : vector<16xi32>
        %gather3A_128 = tpu.vector_load_idx %arg7[%add3A_127] : memref<40960xf32, #tpu.memory_space<vmem>>[vector<16xi32>], vector<16xf32>,
        %add3A_129 = arith.constant 19 : i32
        %add3A_130 = vector.broadcast %add3A_129 : i32 to vector<16xi32>
        %add3A_131 = arith.addi %mul3A_50, %add3A_130 : vector<16xi32>
        %gather3A_132 = tpu.vector_load_idx %arg7[%add3A_131] : memref<40960xf32, #tpu.memory_space<vmem>>[vector<16xi32>], vector<16xf32>,
        %max3A = arith.maximumf %gather3A, %gather3A_60 : vector<16xf32>
        %max3A_133 = arith.maximumf %max3A, %gather3A_64 : vector<16xf32>
        %max3A_134 = arith.maximumf %max3A_133, %gather3A_68 : vector<16xf32>
        %max3A_135 = arith.maximumf %max3A_134, %gather3A_72 : vector<16xf32>
        %max3A_136 = arith.maximumf %max3A_135, %gather3A_76 : vector<16xf32>
        %max3A_137 = arith.maximumf %max3A_136, %gather3A_80 : vector<16xf32>
        %max3A_138 = arith.maximumf %max3A_137, %gather3A_84 : vector<16xf32>
        %max3A_139 = arith.maximumf %max3A_138, %gather3A_88 : vector<16xf32>
        %max3A_140 = arith.maximumf %max3A_139, %gather3A_92 : vector<16xf32>
        %max3A_141 = arith.maximumf %max3A_140, %gather3A_96 : vector<16xf32>
        %max3A_142 = arith.maximumf %max3A_141, %gather3A_100 : vector<16xf32>
        %max3A_143 = arith.maximumf %max3A_142, %gather3A_104 : vector<16xf32>
        %max3A_144 = arith.maximumf %max3A_143, %gather3A_108 : vector<16xf32>
        %max3A_145 = arith.maximumf %max3A_144, %gather3A_112 : vector<16xf32>
        %max3A_146 = arith.maximumf %max3A_145, %gather3A_116 : vector<16xf32>
        %max3A_147 = arith.maximumf %max3A_146, %gather3A_120 : vector<16xf32>
        %max3A_148 = arith.maximumf %max3A_147, %gather3A_124 : vector<16xf32>
        %max3A_149 = arith.maximumf %max3A_148, %gather3A_128 : vector<16xf32>
        %max3A_150 = arith.maximumf %max3A_149, %gather3A_132 : vector<16xf32>
        %sub3A = arith.subf %gather3A, %max3A_150 : vector<16xf32>
        %exp3A = math.exp %sub3A : vector<16xf32>
        %sub3A_151 = arith.subf %gather3A_60, %max3A_150 : vector<16xf32>
        %exp3A_152 = math.exp %sub3A_151 : vector<16xf32>
        %sub3A_153 = arith.subf %gather3A_64, %max3A_150 : vector<16xf32>
        %exp3A_154 = math.exp %sub3A_153 : vector<16xf32>
        %sub3A_155 = arith.subf %gather3A_68, %max3A_150 : vector<16xf32>
        %exp3A_156 = math.exp %sub3A_155 : vector<16xf32>
        %sub3A_157 = arith.subf %gather3A_72, %max3A_150 : vector<16xf32>
        %exp3A_158 = math.exp %sub3A_157 : vector<16xf32>
        %sub3A_159 = arith.subf %gather3A_76, %max3A_150 : vector<16xf32>
        %exp3A_160 = math.exp %sub3A_159 : vector<16xf32>
        %sub3A_161 = arith.subf %gather3A_80, %max3A_150 : vector<16xf32>
        %exp3A_162 = math.exp %sub3A_161 : vector<16xf32>
        %sub3A_163 = arith.subf %gather3A_84, %max3A_150 : vector<16xf32>
        %exp3A_164 = math.exp %sub3A_163 : vector<16xf32>
        %sub3A_165 = arith.subf %gather3A_88, %max3A_150 : vector<16xf32>
        %exp3A_166 = math.exp %sub3A_165 : vector<16xf32>
        %sub3A_167 = arith.subf %gather3A_92, %max3A_150 : vector<16xf32>
        %exp3A_168 = math.exp %sub3A_167 : vector<16xf32>
        %sub3A_169 = arith.subf %gather3A_96, %max3A_150 : vector<16xf32>
        %exp3A_170 = math.exp %sub3A_169 : vector<16xf32>
        %sub3A_171 = arith.subf %gather3A_100, %max3A_150 : vector<16xf32>
        %exp3A_172 = math.exp %sub3A_171 : vector<16xf32>
        %sub3A_173 = arith.subf %gather3A_104, %max3A_150 : vector<16xf32>
        %exp3A_174 = math.exp %sub3A_173 : vector<16xf32>
        %sub3A_175 = arith.subf %gather3A_108, %max3A_150 : vector<16xf32>
        %exp3A_176 = math.exp %sub3A_175 : vector<16xf32>
        %sub3A_177 = arith.subf %gather3A_112, %max3A_150 : vector<16xf32>
        %exp3A_178 = math.exp %sub3A_177 : vector<16xf32>
        %sub3A_179 = arith.subf %gather3A_116, %max3A_150 : vector<16xf32>
        %exp3A_180 = math.exp %sub3A_179 : vector<16xf32>
        %sub3A_181 = arith.subf %gather3A_120, %max3A_150 : vector<16xf32>
        %exp3A_182 = math.exp %sub3A_181 : vector<16xf32>
        %sub3A_183 = arith.subf %gather3A_124, %max3A_150 : vector<16xf32>
        %exp3A_184 = math.exp %sub3A_183 : vector<16xf32>
        %sub3A_185 = arith.subf %gather3A_128, %max3A_150 : vector<16xf32>
        %exp3A_186 = math.exp %sub3A_185 : vector<16xf32>
        %sub3A_187 = arith.subf %gather3A_132, %max3A_150 : vector<16xf32>
        %exp3A_188 = math.exp %sub3A_187 : vector<16xf32>
        %add3A_189 = arith.addf %exp3A, %exp3A_152 : vector<16xf32>
        %add3A_190 = arith.addf %add3A_189, %exp3A_154 : vector<16xf32>
        %add3A_191 = arith.addf %add3A_190, %exp3A_156 : vector<16xf32>
        %add3A_192 = arith.addf %add3A_191, %exp3A_158 : vector<16xf32>
        %add3A_193 = arith.addf %add3A_192, %exp3A_160 : vector<16xf32>
        %add3A_194 = arith.addf %add3A_193, %exp3A_162 : vector<16xf32>
        %add3A_195 = arith.addf %add3A_194, %exp3A_164 : vector<16xf32>
        %add3A_196 = arith.addf %add3A_195, %exp3A_166 : vector<16xf32>
        %add3A_197 = arith.addf %add3A_196, %exp3A_168 : vector<16xf32>
        %add3A_198 = arith.addf %add3A_197, %exp3A_170 : vector<16xf32>
        %add3A_199 = arith.addf %add3A_198, %exp3A_172 : vector<16xf32>
        %add3A_200 = arith.addf %add3A_199, %exp3A_174 : vector<16xf32>
        %add3A_201 = arith.addf %add3A_200, %exp3A_176 : vector<16xf32>
        %add3A_202 = arith.addf %add3A_201, %exp3A_178 : vector<16xf32>
        %add3A_203 = arith.addf %add3A_202, %exp3A_180 : vector<16xf32>
        %add3A_204 = arith.addf %add3A_203, %exp3A_182 : vector<16xf32>
        %add3A_205 = arith.addf %add3A_204, %exp3A_184 : vector<16xf32>
        %add3A_206 = arith.addf %add3A_205, %exp3A_186 : vector<16xf32>
        %add3A_207 = arith.addf %add3A_206, %exp3A_188 : vector<16xf32>
        %add3A_208 = arith.addi %mul3A_50, %get3A_53 : vector<16xi32>
        %gather3A_209 = tpu.vector_load_idx %arg7[%add3A_208] : memref<40960xf32, #tpu.memory_space<vmem>>[vector<16xi32>], vector<16xf32>,
        %ne3A = arith.constant 0 : i32
        %ne3A_210 = vector.broadcast %ne3A : i32 to vector<16xi32>
        %ne3A_211 = arith.cmpi ne, %get3A_53, %ne3A_210 : vector<16xi32>
        %jit3A = arith.constant 1.000000e+00 : f32
        %jit3A_212 = arith.constant 0.000000e+00 : f32
        %broadcast_in_dim3A_213 = vector.broadcast %jit3A : f32 to vector<16xf32>
        %broadcast_in_dim3A_214 = vector.broadcast %jit3A_212 : f32 to vector<16xf32>
        %select_n3A = arith.select %ne3A_211, %broadcast_in_dim3A_213, %broadcast_in_dim3A_214 : vector<16xi1>, vector<16xf32>
        %bitcast3A = vector.bitcast %add3A_207 : vector<16xf32> to vector<16xi32>
        %shift_right_arithmetic3A = arith.constant 23 : i32
        %shift_right_arithmetic3A_215 = vector.broadcast %shift_right_arithmetic3A : i32 to vector<16xi32>
        %shift_right_arithmetic3A_216 = arith.shrsi %bitcast3A, %shift_right_arithmetic3A_215 : vector<16xi32>
        %and3A = arith.constant 255 : i32
        %and3A_217 = vector.broadcast %and3A : i32 to vector<16xi32>
        %and3A_218 = arith.andi %shift_right_arithmetic3A_216, %and3A_217 : vector<16xi32>
        %sub3A_219 = arith.constant 127 : i32
        %sub3A_220 = vector.broadcast %sub3A_219 : i32 to vector<16xi32>
        %sub3A_221 = arith.subi %and3A_218, %sub3A_220 : vector<16xi32>
        %and3A_222 = arith.constant 8388607 : i32
        %and3A_223 = vector.broadcast %and3A_222 : i32 to vector<16xi32>
        %and3A_224 = arith.andi %bitcast3A, %and3A_223 : vector<16xi32>
        %or3A = arith.constant 1065353216 : i32
        %or3A_225 = vector.broadcast %or3A : i32 to vector<16xi32>
        %or3A_226 = arith.ori %and3A_224, %or3A_225 : vector<16xi32>
        %bitcast3A_227 = vector.bitcast %or3A_226 : vector<16xi32> to vector<16xf32>
        %sub3A_228 = arith.constant 1.000000e+00 : f32
        %sub3A_229 = vector.broadcast %sub3A_228 : f32 to vector<16xf32>
        %sub3A_230 = arith.subf %bitcast3A_227, %sub3A_229 : vector<16xf32>
        %add3A_231 = arith.constant 1.000000e+00 : f32
        %add3A_232 = vector.broadcast %add3A_231 : f32 to vector<16xf32>
        %add3A_233 = arith.addf %bitcast3A_227, %add3A_232 : vector<16xf32>
        %div3A = arith.divf %sub3A_230, %add3A_233 : vector<16xf32>
        %mul3A_234 = arith.mulf %div3A, %div3A : vector<16xf32>
        %mul3A_235 = arith.constant 0.111111112 : f32
        %mul3A_236 = vector.broadcast %mul3A_235 : f32 to vector<16xf32>
        %mul3A_237 = arith.mulf %mul3A_236, %mul3A_234 : vector<16xf32>
        %add3A_238 = arith.constant 0.142857149 : f32
        %add3A_239 = vector.broadcast %add3A_238 : f32 to vector<16xf32>
        %add3A_240 = arith.addf %mul3A_237, %add3A_239 : vector<16xf32>
        %mul3A_241 = arith.mulf %add3A_240, %mul3A_234 : vector<16xf32>
        %add3A_242 = arith.constant 2.000000e-01 : f32
        %add3A_243 = vector.broadcast %add3A_242 : f32 to vector<16xf32>
        %add3A_244 = arith.addf %mul3A_241, %add3A_243 : vector<16xf32>
        %mul3A_245 = arith.mulf %add3A_244, %mul3A_234 : vector<16xf32>
        %add3A_246 = arith.constant 0.333333343 : f32
        %add3A_247 = vector.broadcast %add3A_246 : f32 to vector<16xf32>
        %add3A_248 = arith.addf %mul3A_245, %add3A_247 : vector<16xf32>
        %mul3A_249 = arith.mulf %add3A_248, %mul3A_234 : vector<16xf32>
        %add3A_250 = arith.constant 1.000000e+00 : f32
        %add3A_251 = vector.broadcast %add3A_250 : f32 to vector<16xf32>
        %add3A_252 = arith.addf %mul3A_249, %add3A_251 : vector<16xf32>
        %convert_element_type3A = arith.sitofp %sub3A_221 : vector<16xi32> to vector<16xf32>
        %mul3A_253 = arith.constant 0.693147182 : f32
        %mul3A_254 = vector.broadcast %mul3A_253 : f32 to vector<16xf32>
        %mul3A_255 = arith.mulf %convert_element_type3A, %mul3A_254 : vector<16xf32>
        %mul3A_256 = arith.constant 2.000000e+00 : f32
        %mul3A_257 = vector.broadcast %mul3A_256 : f32 to vector<16xf32>
        %mul3A_258 = arith.mulf %mul3A_257, %div3A : vector<16xf32>
        %mul3A_259 = arith.mulf %mul3A_258, %add3A_252 : vector<16xf32>
        %add3A_260 = arith.addf %mul3A_255, %mul3A_259 : vector<16xf32>
        %add3A_261 = arith.addf %max3A_150, %add3A_260 : vector<16xf32>
        %sub3A_262 = arith.subf %add3A_261, %gather3A_209 : vector<16xf32>
        %mul3A_263 = arith.mulf %sub3A_262, %select_n3A : vector<16xf32>
        %add3A_264 = arith.addf %scan3A_42, %mul3A_263 : vector<16xf32>
        %add3A_265 = arith.addf %scan3A_43, %select_n3A : vector<16xf32>
        %div3A_266 = arith.constant 2.048000e+03 : f32
        %div3A_267 = vector.broadcast %div3A_266 : f32 to vector<16xf32>
        %div3A_268 = arith.divf %div3A_267, %add3A_207 : vector<16xf32>
        %broadcast_in_dim3A_269 = arith.constant 2047 : i32
        %broadcast_in_dim3A_270 = vector.broadcast %broadcast_in_dim3A_269 : i32 to vector<16xi32>
        %broadcast_in_dim3A_271 = arith.constant 65536 : i32
        %broadcast_in_dim3A_272 = vector.broadcast %broadcast_in_dim3A_271 : i32 to vector<16xi32>
        %mul3A_273 = arith.mulf %exp3A, %div3A_268 : vector<16xf32>
        %convert_element_type3A_274 = arith.fptosi %mul3A_273 : vector<16xf32> to vector<16xi32>
        %min3A = arith.minsi %convert_element_type3A_274, %broadcast_in_dim3A_270 : vector<16xi32>
        %add3A_275 = arith.constant 0 : i32
        %add3A_276 = vector.broadcast %add3A_275 : i32 to vector<16xi32>
        %add3A_277 = arith.addi %min3A, %add3A_276 : vector<16xi32>
        tpu.vector_store_idx %arg6[%add3A_277], %broadcast_in_dim3A_272 {add = true} : memref<40960xi32, #tpu.memory_space<vmem>>[vector<16xi32>], vector<16xi32>,
        %mul3A_278 = arith.mulf %exp3A_152, %div3A_268 : vector<16xf32>
        %convert_element_type3A_279 = arith.fptosi %mul3A_278 : vector<16xf32> to vector<16xi32>
        %min3A_280 = arith.minsi %convert_element_type3A_279, %broadcast_in_dim3A_270 : vector<16xi32>
        %add3A_281 = arith.constant 2048 : i32
        %add3A_282 = vector.broadcast %add3A_281 : i32 to vector<16xi32>
        %add3A_283 = arith.addi %min3A_280, %add3A_282 : vector<16xi32>
        tpu.vector_store_idx %arg6[%add3A_283], %broadcast_in_dim3A_272 {add = true} : memref<40960xi32, #tpu.memory_space<vmem>>[vector<16xi32>], vector<16xi32>,
        %mul3A_284 = arith.mulf %exp3A_154, %div3A_268 : vector<16xf32>
        %convert_element_type3A_285 = arith.fptosi %mul3A_284 : vector<16xf32> to vector<16xi32>
        %min3A_286 = arith.minsi %convert_element_type3A_285, %broadcast_in_dim3A_270 : vector<16xi32>
        %add3A_287 = arith.constant 4096 : i32
        %add3A_288 = vector.broadcast %add3A_287 : i32 to vector<16xi32>
        %add3A_289 = arith.addi %min3A_286, %add3A_288 : vector<16xi32>
        tpu.vector_store_idx %arg6[%add3A_289], %broadcast_in_dim3A_272 {add = true} : memref<40960xi32, #tpu.memory_space<vmem>>[vector<16xi32>], vector<16xi32>,
        %mul3A_290 = arith.mulf %exp3A_156, %div3A_268 : vector<16xf32>
        %convert_element_type3A_291 = arith.fptosi %mul3A_290 : vector<16xf32> to vector<16xi32>
        %min3A_292 = arith.minsi %convert_element_type3A_291, %broadcast_in_dim3A_270 : vector<16xi32>
        %add3A_293 = arith.constant 6144 : i32
        %add3A_294 = vector.broadcast %add3A_293 : i32 to vector<16xi32>
        %add3A_295 = arith.addi %min3A_292, %add3A_294 : vector<16xi32>
        tpu.vector_store_idx %arg6[%add3A_295], %broadcast_in_dim3A_272 {add = true} : memref<40960xi32, #tpu.memory_space<vmem>>[vector<16xi32>], vector<16xi32>,
        %mul3A_296 = arith.mulf %exp3A_158, %div3A_268 : vector<16xf32>
        %convert_element_type3A_297 = arith.fptosi %mul3A_296 : vector<16xf32> to vector<16xi32>
        %min3A_298 = arith.minsi %convert_element_type3A_297, %broadcast_in_dim3A_270 : vector<16xi32>
        %add3A_299 = arith.constant 8192 : i32
        %add3A_300 = vector.broadcast %add3A_299 : i32 to vector<16xi32>
        %add3A_301 = arith.addi %min3A_298, %add3A_300 : vector<16xi32>
        tpu.vector_store_idx %arg6[%add3A_301], %broadcast_in_dim3A_272 {add = true} : memref<40960xi32, #tpu.memory_space<vmem>>[vector<16xi32>], vector<16xi32>,
        %mul3A_302 = arith.mulf %exp3A_160, %div3A_268 : vector<16xf32>
        %convert_element_type3A_303 = arith.fptosi %mul3A_302 : vector<16xf32> to vector<16xi32>
        %min3A_304 = arith.minsi %convert_element_type3A_303, %broadcast_in_dim3A_270 : vector<16xi32>
        %add3A_305 = arith.constant 10240 : i32
        %add3A_306 = vector.broadcast %add3A_305 : i32 to vector<16xi32>
        %add3A_307 = arith.addi %min3A_304, %add3A_306 : vector<16xi32>
        tpu.vector_store_idx %arg6[%add3A_307], %broadcast_in_dim3A_272 {add = true} : memref<40960xi32, #tpu.memory_space<vmem>>[vector<16xi32>], vector<16xi32>,
        %mul3A_308 = arith.mulf %exp3A_162, %div3A_268 : vector<16xf32>
        %convert_element_type3A_309 = arith.fptosi %mul3A_308 : vector<16xf32> to vector<16xi32>
        %min3A_310 = arith.minsi %convert_element_type3A_309, %broadcast_in_dim3A_270 : vector<16xi32>
        %add3A_311 = arith.constant 12288 : i32
        %add3A_312 = vector.broadcast %add3A_311 : i32 to vector<16xi32>
        %add3A_313 = arith.addi %min3A_310, %add3A_312 : vector<16xi32>
        tpu.vector_store_idx %arg6[%add3A_313], %broadcast_in_dim3A_272 {add = true} : memref<40960xi32, #tpu.memory_space<vmem>>[vector<16xi32>], vector<16xi32>,
        %mul3A_314 = arith.mulf %exp3A_164, %div3A_268 : vector<16xf32>
        %convert_element_type3A_315 = arith.fptosi %mul3A_314 : vector<16xf32> to vector<16xi32>
        %min3A_316 = arith.minsi %convert_element_type3A_315, %broadcast_in_dim3A_270 : vector<16xi32>
        %add3A_317 = arith.constant 14336 : i32
        %add3A_318 = vector.broadcast %add3A_317 : i32 to vector<16xi32>
        %add3A_319 = arith.addi %min3A_316, %add3A_318 : vector<16xi32>
        tpu.vector_store_idx %arg6[%add3A_319], %broadcast_in_dim3A_272 {add = true} : memref<40960xi32, #tpu.memory_space<vmem>>[vector<16xi32>], vector<16xi32>,
        %mul3A_320 = arith.mulf %exp3A_166, %div3A_268 : vector<16xf32>
        %convert_element_type3A_321 = arith.fptosi %mul3A_320 : vector<16xf32> to vector<16xi32>
        %min3A_322 = arith.minsi %convert_element_type3A_321, %broadcast_in_dim3A_270 : vector<16xi32>
        %add3A_323 = arith.constant 16384 : i32
        %add3A_324 = vector.broadcast %add3A_323 : i32 to vector<16xi32>
        %add3A_325 = arith.addi %min3A_322, %add3A_324 : vector<16xi32>
        tpu.vector_store_idx %arg6[%add3A_325], %broadcast_in_dim3A_272 {add = true} : memref<40960xi32, #tpu.memory_space<vmem>>[vector<16xi32>], vector<16xi32>,
        %mul3A_326 = arith.mulf %exp3A_168, %div3A_268 : vector<16xf32>
        %convert_element_type3A_327 = arith.fptosi %mul3A_326 : vector<16xf32> to vector<16xi32>
        %min3A_328 = arith.minsi %convert_element_type3A_327, %broadcast_in_dim3A_270 : vector<16xi32>
        %add3A_329 = arith.constant 18432 : i32
        %add3A_330 = vector.broadcast %add3A_329 : i32 to vector<16xi32>
        %add3A_331 = arith.addi %min3A_328, %add3A_330 : vector<16xi32>
        tpu.vector_store_idx %arg6[%add3A_331], %broadcast_in_dim3A_272 {add = true} : memref<40960xi32, #tpu.memory_space<vmem>>[vector<16xi32>], vector<16xi32>,
        %mul3A_332 = arith.mulf %exp3A_170, %div3A_268 : vector<16xf32>
        %convert_element_type3A_333 = arith.fptosi %mul3A_332 : vector<16xf32> to vector<16xi32>
        %min3A_334 = arith.minsi %convert_element_type3A_333, %broadcast_in_dim3A_270 : vector<16xi32>
        %add3A_335 = arith.constant 20480 : i32
        %add3A_336 = vector.broadcast %add3A_335 : i32 to vector<16xi32>
        %add3A_337 = arith.addi %min3A_334, %add3A_336 : vector<16xi32>
        tpu.vector_store_idx %arg6[%add3A_337], %broadcast_in_dim3A_272 {add = true} : memref<40960xi32, #tpu.memory_space<vmem>>[vector<16xi32>], vector<16xi32>,
        %mul3A_338 = arith.mulf %exp3A_172, %div3A_268 : vector<16xf32>
        %convert_element_type3A_339 = arith.fptosi %mul3A_338 : vector<16xf32> to vector<16xi32>
        %min3A_340 = arith.minsi %convert_element_type3A_339, %broadcast_in_dim3A_270 : vector<16xi32>
        %add3A_341 = arith.constant 22528 : i32
        %add3A_342 = vector.broadcast %add3A_341 : i32 to vector<16xi32>
        %add3A_343 = arith.addi %min3A_340, %add3A_342 : vector<16xi32>
        tpu.vector_store_idx %arg6[%add3A_343], %broadcast_in_dim3A_272 {add = true} : memref<40960xi32, #tpu.memory_space<vmem>>[vector<16xi32>], vector<16xi32>,
        %mul3A_344 = arith.mulf %exp3A_174, %div3A_268 : vector<16xf32>
        %convert_element_type3A_345 = arith.fptosi %mul3A_344 : vector<16xf32> to vector<16xi32>
        %min3A_346 = arith.minsi %convert_element_type3A_345, %broadcast_in_dim3A_270 : vector<16xi32>
        %add3A_347 = arith.constant 24576 : i32
        %add3A_348 = vector.broadcast %add3A_347 : i32 to vector<16xi32>
        %add3A_349 = arith.addi %min3A_346, %add3A_348 : vector<16xi32>
        tpu.vector_store_idx %arg6[%add3A_349], %broadcast_in_dim3A_272 {add = true} : memref<40960xi32, #tpu.memory_space<vmem>>[vector<16xi32>], vector<16xi32>,
        %mul3A_350 = arith.mulf %exp3A_176, %div3A_268 : vector<16xf32>
        %convert_element_type3A_351 = arith.fptosi %mul3A_350 : vector<16xf32> to vector<16xi32>
        %min3A_352 = arith.minsi %convert_element_type3A_351, %broadcast_in_dim3A_270 : vector<16xi32>
        %add3A_353 = arith.constant 26624 : i32
        %add3A_354 = vector.broadcast %add3A_353 : i32 to vector<16xi32>
        %add3A_355 = arith.addi %min3A_352, %add3A_354 : vector<16xi32>
        tpu.vector_store_idx %arg6[%add3A_355], %broadcast_in_dim3A_272 {add = true} : memref<40960xi32, #tpu.memory_space<vmem>>[vector<16xi32>], vector<16xi32>,
        %mul3A_356 = arith.mulf %exp3A_178, %div3A_268 : vector<16xf32>
        %convert_element_type3A_357 = arith.fptosi %mul3A_356 : vector<16xf32> to vector<16xi32>
        %min3A_358 = arith.minsi %convert_element_type3A_357, %broadcast_in_dim3A_270 : vector<16xi32>
        %add3A_359 = arith.constant 28672 : i32
        %add3A_360 = vector.broadcast %add3A_359 : i32 to vector<16xi32>
        %add3A_361 = arith.addi %min3A_358, %add3A_360 : vector<16xi32>
        tpu.vector_store_idx %arg6[%add3A_361], %broadcast_in_dim3A_272 {add = true} : memref<40960xi32, #tpu.memory_space<vmem>>[vector<16xi32>], vector<16xi32>,
        %mul3A_362 = arith.mulf %exp3A_180, %div3A_268 : vector<16xf32>
        %convert_element_type3A_363 = arith.fptosi %mul3A_362 : vector<16xf32> to vector<16xi32>
        %min3A_364 = arith.minsi %convert_element_type3A_363, %broadcast_in_dim3A_270 : vector<16xi32>
        %add3A_365 = arith.constant 30720 : i32
        %add3A_366 = vector.broadcast %add3A_365 : i32 to vector<16xi32>
        %add3A_367 = arith.addi %min3A_364, %add3A_366 : vector<16xi32>
        tpu.vector_store_idx %arg6[%add3A_367], %broadcast_in_dim3A_272 {add = true} : memref<40960xi32, #tpu.memory_space<vmem>>[vector<16xi32>], vector<16xi32>,
        %mul3A_368 = arith.mulf %exp3A_182, %div3A_268 : vector<16xf32>
        %convert_element_type3A_369 = arith.fptosi %mul3A_368 : vector<16xf32> to vector<16xi32>
        %min3A_370 = arith.minsi %convert_element_type3A_369, %broadcast_in_dim3A_270 : vector<16xi32>
        %add3A_371 = arith.constant 32768 : i32
        %add3A_372 = vector.broadcast %add3A_371 : i32 to vector<16xi32>
        %add3A_373 = arith.addi %min3A_370, %add3A_372 : vector<16xi32>
        tpu.vector_store_idx %arg6[%add3A_373], %broadcast_in_dim3A_272 {add = true} : memref<40960xi32, #tpu.memory_space<vmem>>[vector<16xi32>], vector<16xi32>,
        %mul3A_374 = arith.mulf %exp3A_184, %div3A_268 : vector<16xf32>
        %convert_element_type3A_375 = arith.fptosi %mul3A_374 : vector<16xf32> to vector<16xi32>
        %min3A_376 = arith.minsi %convert_element_type3A_375, %broadcast_in_dim3A_270 : vector<16xi32>
        %add3A_377 = arith.constant 34816 : i32
        %add3A_378 = vector.broadcast %add3A_377 : i32 to vector<16xi32>
        %add3A_379 = arith.addi %min3A_376, %add3A_378 : vector<16xi32>
        tpu.vector_store_idx %arg6[%add3A_379], %broadcast_in_dim3A_272 {add = true} : memref<40960xi32, #tpu.memory_space<vmem>>[vector<16xi32>], vector<16xi32>,
        %mul3A_380 = arith.mulf %exp3A_186, %div3A_268 : vector<16xf32>
        %convert_element_type3A_381 = arith.fptosi %mul3A_380 : vector<16xf32> to vector<16xi32>
        %min3A_382 = arith.minsi %convert_element_type3A_381, %broadcast_in_dim3A_270 : vector<16xi32>
        %add3A_383 = arith.constant 36864 : i32
        %add3A_384 = vector.broadcast %add3A_383 : i32 to vector<16xi32>
        %add3A_385 = arith.addi %min3A_382, %add3A_384 : vector<16xi32>
        tpu.vector_store_idx %arg6[%add3A_385], %broadcast_in_dim3A_272 {add = true} : memref<40960xi32, #tpu.memory_space<vmem>>[vector<16xi32>], vector<16xi32>,
        %mul3A_386 = arith.mulf %exp3A_188, %div3A_268 : vector<16xf32>
        %convert_element_type3A_387 = arith.fptosi %mul3A_386 : vector<16xf32> to vector<16xi32>
        %min3A_388 = arith.minsi %convert_element_type3A_387, %broadcast_in_dim3A_270 : vector<16xi32>
        %add3A_389 = arith.constant 38912 : i32
        %add3A_390 = vector.broadcast %add3A_389 : i32 to vector<16xi32>
        %add3A_391 = arith.addi %min3A_388, %add3A_390 : vector<16xi32>
        tpu.vector_store_idx %arg6[%add3A_391], %broadcast_in_dim3A_272 {add = true} : memref<40960xi32, #tpu.memory_space<vmem>>[vector<16xi32>], vector<16xi32>,
        %sub3A_392 = arith.subf %gather3A_209, %max3A_150 : vector<16xf32>
        %exp3A_393 = math.exp %sub3A_392 : vector<16xf32>
        %mul3A_394 = arith.mulf %exp3A_393, %div3A_268 : vector<16xf32>
        %convert_element_type3A_395 = arith.fptosi %mul3A_394 : vector<16xf32> to vector<16xi32>
        %min3A_396 = arith.minsi %convert_element_type3A_395, %broadcast_in_dim3A_270 : vector<16xi32>
        %sub3A_397 = arith.constant 2.048000e+03 : f32
        %sub3A_398 = vector.broadcast %sub3A_397 : f32 to vector<16xf32>
        %sub3A_399 = arith.subf %sub3A_398, %mul3A_394 : vector<16xf32>
        %convert_element_type3A_400 = arith.fptosi %sub3A_399 : vector<16xf32> to vector<16xi32>
        %min3A_401 = arith.minsi %convert_element_type3A_400, %broadcast_in_dim3A_270 : vector<16xi32>
        %mul3A_402 = arith.constant 2048 : i32
        %mul3A_403 = vector.broadcast %mul3A_402 : i32 to vector<16xi32>
        %mul3A_404 = arith.muli %get3A_53, %mul3A_403 : vector<16xi32>
        %add3A_405 = arith.addi %mul3A_404, %min3A_396 : vector<16xi32>
        %neg3A = arith.constant 0 : i32
        %neg3A_406 = vector.broadcast %neg3A : i32 to vector<16xi32>
        %neg3A_407 = arith.subi %neg3A_406, %broadcast_in_dim3A_272 : vector<16xi32>
        tpu.vector_store_idx %arg6[%add3A_405], %neg3A_407 {add = true} : memref<40960xi32, #tpu.memory_space<vmem>>[vector<16xi32>], vector<16xi32>,
        %add3A_408 = arith.addi %mul3A_404, %min3A_401 : vector<16xi32>
        %add3A_409 = arith.constant 1 : i32
        %add3A_410 = vector.broadcast %add3A_409 : i32 to vector<16xi32>
        %add3A_411 = arith.addi %broadcast_in_dim3A_272, %add3A_410 : vector<16xi32>
        tpu.vector_store_idx %arg6[%add3A_408], %add3A_411 {add = true} : memref<40960xi32, #tpu.memory_space<vmem>>[vector<16xi32>], vector<16xi32>,
        scf.yield %add3A_264, %add3A_265 : vector<16xf32>, vector<16xf32>
      }
      %scan3A_40 = arith.constant 128 : i32
      scf.yield %scan3A_39#0, %scan3A_39#1 : vector<16xf32>, vector<16xf32>
    }
    %scan3A_17 = arith.constant 8 : i32
    %swap3A = arith.constant 0 : index
    %swap3A_18 = tpu.vector_load %arg9[%swap3A] {strides = array<i32>} : memref<32xf32, #tpu.memory_space<vmem>>, vector<16xf32>,
    tpu.vector_store %arg9[%swap3A], %scan3A_16#0 {strides = array<i32>} : memref<32xf32, #tpu.memory_space<vmem>>, vector<16xf32>,
    %swap3A_19 = arith.constant 16 : index
    %swap3A_20 = tpu.vector_load %arg9[%swap3A_19] {strides = array<i32>} : memref<32xf32, #tpu.memory_space<vmem>>, vector<16xf32>,
    tpu.vector_store %arg9[%swap3A_19], %scan3A_16#1 {strides = array<i32>} : memref<32xf32, #tpu.memory_space<vmem>>, vector<16xf32>,
    %mul3A_21 = arith.constant 40960 : i32
    %mul3A_22 = arith.muli %add3A, %mul3A_21 : i32
    "tpu.region"() ({
      %run_scoped3A = tpu.sem_alloc : memref<!tpu.dma_semaphore, #tpu.memory_space<semaphore_mem>>
      %dma_start3A = tpu.memref_slice %arg4[%mul3A_22] : memref<1310720xi32, #tpu.memory_space<hbm>> -> memref<40960xi32, #tpu.memory_space<hbm>>
      %dma_start3A_27 = tpu.memref_slice %arg4[%mul3A_22] : memref<1310720xi32, #tpu.memory_space<hbm>> -> memref<40960xi32, #tpu.memory_space<hbm>>
      tpu.enqueue_dma source(%arg6 : memref<40960xi32, #tpu.memory_space<vmem>>) target(%dma_start3A_27 : memref<40960xi32, #tpu.memory_space<hbm>>) target_semaphore(%run_scoped3A : memref<!tpu.dma_semaphore, #tpu.memory_space<semaphore_mem>>)
      %dma_wait3A = tpu.memref_slice %arg4[%mul3A_22] : memref<1310720xi32, #tpu.memory_space<hbm>> -> memref<40960xi32, #tpu.memory_space<hbm>>
      %dma_wait3A_28 = tpu.memref_slice %arg4[%mul3A_22] : memref<1310720xi32, #tpu.memory_space<hbm>> -> memref<40960xi32, #tpu.memory_space<hbm>>
      tpu.wait_dma2 semaphore(%run_scoped3A : memref<!tpu.dma_semaphore, #tpu.memory_space<semaphore_mem>>) src(%arg6 : memref<40960xi32, #tpu.memory_space<vmem>>) dst(%dma_wait3A_28 : memref<40960xi32, #tpu.memory_space<hbm>>)
      tpu.yield
    }) : () -> ()
    %mul3A_23 = arith.constant 2 : i32
    %mul3A_24 = arith.muli %add3A, %mul3A_23 : i32
    %mul3A_25 = arith.constant 16 : i32
    %mul3A_26 = arith.muli %mul3A_24, %mul3A_25 : i32
    "tpu.region"() ({
      %run_scoped3A = tpu.sem_alloc : memref<!tpu.dma_semaphore, #tpu.memory_space<semaphore_mem>>
      %dma_start3A = tpu.memref_slice %arg5[%mul3A_26] : memref<1024xf32, #tpu.memory_space<hbm>> -> memref<32xf32, #tpu.memory_space<hbm>>
      %dma_start3A_27 = tpu.memref_slice %arg5[%mul3A_26] : memref<1024xf32, #tpu.memory_space<hbm>> -> memref<32xf32, #tpu.memory_space<hbm>>
      tpu.enqueue_dma source(%arg9 : memref<32xf32, #tpu.memory_space<vmem>>) target(%dma_start3A_27 : memref<32xf32, #tpu.memory_space<hbm>>) target_semaphore(%run_scoped3A : memref<!tpu.dma_semaphore, #tpu.memory_space<semaphore_mem>>)
      %dma_wait3A = tpu.memref_slice %arg5[%mul3A_26] : memref<1024xf32, #tpu.memory_space<hbm>> -> memref<32xf32, #tpu.memory_space<hbm>>
      %dma_wait3A_28 = tpu.memref_slice %arg5[%mul3A_26] : memref<1024xf32, #tpu.memory_space<hbm>> -> memref<32xf32, #tpu.memory_space<hbm>>
      tpu.wait_dma2 semaphore(%run_scoped3A : memref<!tpu.dma_semaphore, #tpu.memory_space<semaphore_mem>>) src(%arg9 : memref<32xf32, #tpu.memory_space<vmem>>) dst(%dma_wait3A_28 : memref<32xf32, #tpu.memory_space<hbm>>)
      tpu.yield
    }) : () -> ()
    return
  }
}

#map = affine_map<(d0, d1) -> (0)>
module attributes {stable_mosaic.version = 14 : i64} {
  func.func @_finish_body(%arg0: i32, %arg1: i32, %arg2: memref<1310720xi32, #tpu.memory_space<hbm>>, %arg3: memref<1024xf32, #tpu.memory_space<hbm>>, %arg4: memref<352xf32, #tpu.memory_space<hbm>>, %arg5: memref<65536xi32, #tpu.memory_space<vmem>>, %arg6: memref<2048xi32, #tpu.memory_space<vmem>>, %arg7: memref<2048xi32, #tpu.memory_space<vmem>>, %arg8: memref<1024xf32, #tpu.memory_space<vmem>>, %arg9: memref<16xf32, #tpu.memory_space<vmem>>, %arg10: memref<!tpu.dma_semaphore, #tpu.memory_space<semaphore_mem>>) attributes {dimension_semantics = [#tpu.dimension_semantics<core_parallel>, #tpu.dimension_semantics<subcore_parallel>], iteration_bounds = array<i64: 2, 16>, scalar_prefetch = 0 : i64, scratch_operands = 6 : i64, tpu.core_type = #tpu.core_type<sc_vector_subcore>, window_params = [{transform_indices = #map}, {transform_indices = #map}, {transform_indices = #map}]} {
    %mul3A = arith.constant 2 : i32
    %mul3A_0 = arith.muli %arg1, %mul3A : i32
    %add3A = arith.addi %mul3A_0, %arg0 : i32
    %iota3A = tpu.iota {dimensions = array<i32: 0>} : vector<16xi32>
    %broadcast_in_dim3A = arith.constant 0 : i32
    %broadcast_in_dim3A_1 = vector.broadcast %broadcast_in_dim3A : i32 to vector<16xi32>
    %lt3A = arith.constant 20 : i32
    %lt3A_2 = arith.cmpi slt, %add3A, %lt3A : i32
    %convert_element_type3A = arith.extui %lt3A_2 : i1 to i32
    %cond3A = arith.constant 0 : i32
    %cond3A_3 = arith.cmpi ne, %convert_element_type3A, %cond3A : i32
    scf.if %cond3A_3 {
      %mul3A_8 = arith.constant 2048 : i32
      %mul3A_9 = arith.muli %add3A, %mul3A_8 : i32
      %add3A_10 = arith.constant 0 : i32
      %add3A_11 = arith.addi %add3A_10, %mul3A_9 : i32
      %dma_start3A = arith.constant 0 : i32
      %dma_start3A_12 = tpu.memref_slice %arg5[%dma_start3A] : memref<65536xi32, #tpu.memory_space<vmem>> -> memref<2048xi32, #tpu.memory_space<vmem>>
      %dma_start3A_13 = tpu.memref_slice %arg2[%add3A_11] : memref<1310720xi32, #tpu.memory_space<hbm>> -> memref<2048xi32, #tpu.memory_space<hbm>>
      %dma_start3A_14 = arith.constant 0 : i32
      %dma_start3A_15 = tpu.memref_slice %arg5[%dma_start3A_14] : memref<65536xi32, #tpu.memory_space<vmem>> -> memref<2048xi32, #tpu.memory_space<vmem>>
      %dma_start3A_16 = tpu.memref_slice %arg2[%add3A_11] : memref<1310720xi32, #tpu.memory_space<hbm>> -> memref<2048xi32, #tpu.memory_space<hbm>>
      tpu.enqueue_dma source(%dma_start3A_16 : memref<2048xi32, #tpu.memory_space<hbm>>) target(%dma_start3A_15 : memref<2048xi32, #tpu.memory_space<vmem>>) target_semaphore(%arg10 : memref<!tpu.dma_semaphore, #tpu.memory_space<semaphore_mem>>)
      %mul3A_17 = arith.constant 2048 : i32
      %mul3A_18 = arith.muli %add3A, %mul3A_17 : i32
      %add3A_19 = arith.constant 40960 : i32
      %add3A_20 = arith.addi %add3A_19, %mul3A_18 : i32
      %dma_start3A_21 = arith.constant 2048 : i32
      %dma_start3A_22 = tpu.memref_slice %arg5[%dma_start3A_21] : memref<65536xi32, #tpu.memory_space<vmem>> -> memref<2048xi32, #tpu.memory_space<vmem>>
      %dma_start3A_23 = tpu.memref_slice %arg2[%add3A_20] : memref<1310720xi32, #tpu.memory_space<hbm>> -> memref<2048xi32, #tpu.memory_space<hbm>>
      %dma_start3A_24 = arith.constant 2048 : i32
      %dma_start3A_25 = tpu.memref_slice %arg5[%dma_start3A_24] : memref<65536xi32, #tpu.memory_space<vmem>> -> memref<2048xi32, #tpu.memory_space<vmem>>
      %dma_start3A_26 = tpu.memref_slice %arg2[%add3A_20] : memref<1310720xi32, #tpu.memory_space<hbm>> -> memref<2048xi32, #tpu.memory_space<hbm>>
      tpu.enqueue_dma source(%dma_start3A_26 : memref<2048xi32, #tpu.memory_space<hbm>>) target(%dma_start3A_25 : memref<2048xi32, #tpu.memory_space<vmem>>) target_semaphore(%arg10 : memref<!tpu.dma_semaphore, #tpu.memory_space<semaphore_mem>>)
      %mul3A_27 = arith.constant 2048 : i32
      %mul3A_28 = arith.muli %add3A, %mul3A_27 : i32
      %add3A_29 = arith.constant 81920 : i32
      %add3A_30 = arith.addi %add3A_29, %mul3A_28 : i32
      %dma_start3A_31 = arith.constant 4096 : i32
      %dma_start3A_32 = tpu.memref_slice %arg5[%dma_start3A_31] : memref<65536xi32, #tpu.memory_space<vmem>> -> memref<2048xi32, #tpu.memory_space<vmem>>
      %dma_start3A_33 = tpu.memref_slice %arg2[%add3A_30] : memref<1310720xi32, #tpu.memory_space<hbm>> -> memref<2048xi32, #tpu.memory_space<hbm>>
      %dma_start3A_34 = arith.constant 4096 : i32
      %dma_start3A_35 = tpu.memref_slice %arg5[%dma_start3A_34] : memref<65536xi32, #tpu.memory_space<vmem>> -> memref<2048xi32, #tpu.memory_space<vmem>>
      %dma_start3A_36 = tpu.memref_slice %arg2[%add3A_30] : memref<1310720xi32, #tpu.memory_space<hbm>> -> memref<2048xi32, #tpu.memory_space<hbm>>
      tpu.enqueue_dma source(%dma_start3A_36 : memref<2048xi32, #tpu.memory_space<hbm>>) target(%dma_start3A_35 : memref<2048xi32, #tpu.memory_space<vmem>>) target_semaphore(%arg10 : memref<!tpu.dma_semaphore, #tpu.memory_space<semaphore_mem>>)
      %mul3A_37 = arith.constant 2048 : i32
      %mul3A_38 = arith.muli %add3A, %mul3A_37 : i32
      %add3A_39 = arith.constant 122880 : i32
      %add3A_40 = arith.addi %add3A_39, %mul3A_38 : i32
      %dma_start3A_41 = arith.constant 6144 : i32
      %dma_start3A_42 = tpu.memref_slice %arg5[%dma_start3A_41] : memref<65536xi32, #tpu.memory_space<vmem>> -> memref<2048xi32, #tpu.memory_space<vmem>>
      %dma_start3A_43 = tpu.memref_slice %arg2[%add3A_40] : memref<1310720xi32, #tpu.memory_space<hbm>> -> memref<2048xi32, #tpu.memory_space<hbm>>
      %dma_start3A_44 = arith.constant 6144 : i32
      %dma_start3A_45 = tpu.memref_slice %arg5[%dma_start3A_44] : memref<65536xi32, #tpu.memory_space<vmem>> -> memref<2048xi32, #tpu.memory_space<vmem>>
      %dma_start3A_46 = tpu.memref_slice %arg2[%add3A_40] : memref<1310720xi32, #tpu.memory_space<hbm>> -> memref<2048xi32, #tpu.memory_space<hbm>>
      tpu.enqueue_dma source(%dma_start3A_46 : memref<2048xi32, #tpu.memory_space<hbm>>) target(%dma_start3A_45 : memref<2048xi32, #tpu.memory_space<vmem>>) target_semaphore(%arg10 : memref<!tpu.dma_semaphore, #tpu.memory_space<semaphore_mem>>)
      %mul3A_47 = arith.constant 2048 : i32
      %mul3A_48 = arith.muli %add3A, %mul3A_47 : i32
      %add3A_49 = arith.constant 163840 : i32
      %add3A_50 = arith.addi %add3A_49, %mul3A_48 : i32
      %dma_start3A_51 = arith.constant 8192 : i32
      %dma_start3A_52 = tpu.memref_slice %arg5[%dma_start3A_51] : memref<65536xi32, #tpu.memory_space<vmem>> -> memref<2048xi32, #tpu.memory_space<vmem>>
      %dma_start3A_53 = tpu.memref_slice %arg2[%add3A_50] : memref<1310720xi32, #tpu.memory_space<hbm>> -> memref<2048xi32, #tpu.memory_space<hbm>>
      %dma_start3A_54 = arith.constant 8192 : i32
      %dma_start3A_55 = tpu.memref_slice %arg5[%dma_start3A_54] : memref<65536xi32, #tpu.memory_space<vmem>> -> memref<2048xi32, #tpu.memory_space<vmem>>
      %dma_start3A_56 = tpu.memref_slice %arg2[%add3A_50] : memref<1310720xi32, #tpu.memory_space<hbm>> -> memref<2048xi32, #tpu.memory_space<hbm>>
      tpu.enqueue_dma source(%dma_start3A_56 : memref<2048xi32, #tpu.memory_space<hbm>>) target(%dma_start3A_55 : memref<2048xi32, #tpu.memory_space<vmem>>) target_semaphore(%arg10 : memref<!tpu.dma_semaphore, #tpu.memory_space<semaphore_mem>>)
      %mul3A_57 = arith.constant 2048 : i32
      %mul3A_58 = arith.muli %add3A, %mul3A_57 : i32
      %add3A_59 = arith.constant 204800 : i32
      %add3A_60 = arith.addi %add3A_59, %mul3A_58 : i32
      %dma_start3A_61 = arith.constant 10240 : i32
      %dma_start3A_62 = tpu.memref_slice %arg5[%dma_start3A_61] : memref<65536xi32, #tpu.memory_space<vmem>> -> memref<2048xi32, #tpu.memory_space<vmem>>
      %dma_start3A_63 = tpu.memref_slice %arg2[%add3A_60] : memref<1310720xi32, #tpu.memory_space<hbm>> -> memref<2048xi32, #tpu.memory_space<hbm>>
      %dma_start3A_64 = arith.constant 10240 : i32
      %dma_start3A_65 = tpu.memref_slice %arg5[%dma_start3A_64] : memref<65536xi32, #tpu.memory_space<vmem>> -> memref<2048xi32, #tpu.memory_space<vmem>>
      %dma_start3A_66 = tpu.memref_slice %arg2[%add3A_60] : memref<1310720xi32, #tpu.memory_space<hbm>> -> memref<2048xi32, #tpu.memory_space<hbm>>
      tpu.enqueue_dma source(%dma_start3A_66 : memref<2048xi32, #tpu.memory_space<hbm>>) target(%dma_start3A_65 : memref<2048xi32, #tpu.memory_space<vmem>>) target_semaphore(%arg10 : memref<!tpu.dma_semaphore, #tpu.memory_space<semaphore_mem>>)
      %mul3A_67 = arith.constant 2048 : i32
      %mul3A_68 = arith.muli %add3A, %mul3A_67 : i32
      %add3A_69 = arith.constant 245760 : i32
      %add3A_70 = arith.addi %add3A_69, %mul3A_68 : i32
      %dma_start3A_71 = arith.constant 12288 : i32
      %dma_start3A_72 = tpu.memref_slice %arg5[%dma_start3A_71] : memref<65536xi32, #tpu.memory_space<vmem>> -> memref<2048xi32, #tpu.memory_space<vmem>>
      %dma_start3A_73 = tpu.memref_slice %arg2[%add3A_70] : memref<1310720xi32, #tpu.memory_space<hbm>> -> memref<2048xi32, #tpu.memory_space<hbm>>
      %dma_start3A_74 = arith.constant 12288 : i32
      %dma_start3A_75 = tpu.memref_slice %arg5[%dma_start3A_74] : memref<65536xi32, #tpu.memory_space<vmem>> -> memref<2048xi32, #tpu.memory_space<vmem>>
      %dma_start3A_76 = tpu.memref_slice %arg2[%add3A_70] : memref<1310720xi32, #tpu.memory_space<hbm>> -> memref<2048xi32, #tpu.memory_space<hbm>>
      tpu.enqueue_dma source(%dma_start3A_76 : memref<2048xi32, #tpu.memory_space<hbm>>) target(%dma_start3A_75 : memref<2048xi32, #tpu.memory_space<vmem>>) target_semaphore(%arg10 : memref<!tpu.dma_semaphore, #tpu.memory_space<semaphore_mem>>)
      %mul3A_77 = arith.constant 2048 : i32
      %mul3A_78 = arith.muli %add3A, %mul3A_77 : i32
      %add3A_79 = arith.constant 286720 : i32
      %add3A_80 = arith.addi %add3A_79, %mul3A_78 : i32
      %dma_start3A_81 = arith.constant 14336 : i32
      %dma_start3A_82 = tpu.memref_slice %arg5[%dma_start3A_81] : memref<65536xi32, #tpu.memory_space<vmem>> -> memref<2048xi32, #tpu.memory_space<vmem>>
      %dma_start3A_83 = tpu.memref_slice %arg2[%add3A_80] : memref<1310720xi32, #tpu.memory_space<hbm>> -> memref<2048xi32, #tpu.memory_space<hbm>>
      %dma_start3A_84 = arith.constant 14336 : i32
      %dma_start3A_85 = tpu.memref_slice %arg5[%dma_start3A_84] : memref<65536xi32, #tpu.memory_space<vmem>> -> memref<2048xi32, #tpu.memory_space<vmem>>
      %dma_start3A_86 = tpu.memref_slice %arg2[%add3A_80] : memref<1310720xi32, #tpu.memory_space<hbm>> -> memref<2048xi32, #tpu.memory_space<hbm>>
      tpu.enqueue_dma source(%dma_start3A_86 : memref<2048xi32, #tpu.memory_space<hbm>>) target(%dma_start3A_85 : memref<2048xi32, #tpu.memory_space<vmem>>) target_semaphore(%arg10 : memref<!tpu.dma_semaphore, #tpu.memory_space<semaphore_mem>>)
      %mul3A_87 = arith.constant 2048 : i32
      %mul3A_88 = arith.muli %add3A, %mul3A_87 : i32
      %add3A_89 = arith.constant 327680 : i32
      %add3A_90 = arith.addi %add3A_89, %mul3A_88 : i32
      %dma_start3A_91 = arith.constant 16384 : i32
      %dma_start3A_92 = tpu.memref_slice %arg5[%dma_start3A_91] : memref<65536xi32, #tpu.memory_space<vmem>> -> memref<2048xi32, #tpu.memory_space<vmem>>
      %dma_start3A_93 = tpu.memref_slice %arg2[%add3A_90] : memref<1310720xi32, #tpu.memory_space<hbm>> -> memref<2048xi32, #tpu.memory_space<hbm>>
      %dma_start3A_94 = arith.constant 16384 : i32
      %dma_start3A_95 = tpu.memref_slice %arg5[%dma_start3A_94] : memref<65536xi32, #tpu.memory_space<vmem>> -> memref<2048xi32, #tpu.memory_space<vmem>>
      %dma_start3A_96 = tpu.memref_slice %arg2[%add3A_90] : memref<1310720xi32, #tpu.memory_space<hbm>> -> memref<2048xi32, #tpu.memory_space<hbm>>
      tpu.enqueue_dma source(%dma_start3A_96 : memref<2048xi32, #tpu.memory_space<hbm>>) target(%dma_start3A_95 : memref<2048xi32, #tpu.memory_space<vmem>>) target_semaphore(%arg10 : memref<!tpu.dma_semaphore, #tpu.memory_space<semaphore_mem>>)
      %mul3A_97 = arith.constant 2048 : i32
      %mul3A_98 = arith.muli %add3A, %mul3A_97 : i32
      %add3A_99 = arith.constant 368640 : i32
      %add3A_100 = arith.addi %add3A_99, %mul3A_98 : i32
      %dma_start3A_101 = arith.constant 18432 : i32
      %dma_start3A_102 = tpu.memref_slice %arg5[%dma_start3A_101] : memref<65536xi32, #tpu.memory_space<vmem>> -> memref<2048xi32, #tpu.memory_space<vmem>>
      %dma_start3A_103 = tpu.memref_slice %arg2[%add3A_100] : memref<1310720xi32, #tpu.memory_space<hbm>> -> memref<2048xi32, #tpu.memory_space<hbm>>
      %dma_start3A_104 = arith.constant 18432 : i32
      %dma_start3A_105 = tpu.memref_slice %arg5[%dma_start3A_104] : memref<65536xi32, #tpu.memory_space<vmem>> -> memref<2048xi32, #tpu.memory_space<vmem>>
      %dma_start3A_106 = tpu.memref_slice %arg2[%add3A_100] : memref<1310720xi32, #tpu.memory_space<hbm>> -> memref<2048xi32, #tpu.memory_space<hbm>>
      tpu.enqueue_dma source(%dma_start3A_106 : memref<2048xi32, #tpu.memory_space<hbm>>) target(%dma_start3A_105 : memref<2048xi32, #tpu.memory_space<vmem>>) target_semaphore(%arg10 : memref<!tpu.dma_semaphore, #tpu.memory_space<semaphore_mem>>)
      %mul3A_107 = arith.constant 2048 : i32
      %mul3A_108 = arith.muli %add3A, %mul3A_107 : i32
      %add3A_109 = arith.constant 409600 : i32
      %add3A_110 = arith.addi %add3A_109, %mul3A_108 : i32
      %dma_start3A_111 = arith.constant 20480 : i32
      %dma_start3A_112 = tpu.memref_slice %arg5[%dma_start3A_111] : memref<65536xi32, #tpu.memory_space<vmem>> -> memref<2048xi32, #tpu.memory_space<vmem>>
      %dma_start3A_113 = tpu.memref_slice %arg2[%add3A_110] : memref<1310720xi32, #tpu.memory_space<hbm>> -> memref<2048xi32, #tpu.memory_space<hbm>>
      %dma_start3A_114 = arith.constant 20480 : i32
      %dma_start3A_115 = tpu.memref_slice %arg5[%dma_start3A_114] : memref<65536xi32, #tpu.memory_space<vmem>> -> memref<2048xi32, #tpu.memory_space<vmem>>
      %dma_start3A_116 = tpu.memref_slice %arg2[%add3A_110] : memref<1310720xi32, #tpu.memory_space<hbm>> -> memref<2048xi32, #tpu.memory_space<hbm>>
      tpu.enqueue_dma source(%dma_start3A_116 : memref<2048xi32, #tpu.memory_space<hbm>>) target(%dma_start3A_115 : memref<2048xi32, #tpu.memory_space<vmem>>) target_semaphore(%arg10 : memref<!tpu.dma_semaphore, #tpu.memory_space<semaphore_mem>>)
      %mul3A_117 = arith.constant 2048 : i32
      %mul3A_118 = arith.muli %add3A, %mul3A_117 : i32
      %add3A_119 = arith.constant 450560 : i32
      %add3A_120 = arith.addi %add3A_119, %mul3A_118 : i32
      %dma_start3A_121 = arith.constant 22528 : i32
      %dma_start3A_122 = tpu.memref_slice %arg5[%dma_start3A_121] : memref<65536xi32, #tpu.memory_space<vmem>> -> memref<2048xi32, #tpu.memory_space<vmem>>
      %dma_start3A_123 = tpu.memref_slice %arg2[%add3A_120] : memref<1310720xi32, #tpu.memory_space<hbm>> -> memref<2048xi32, #tpu.memory_space<hbm>>
      %dma_start3A_124 = arith.constant 22528 : i32
      %dma_start3A_125 = tpu.memref_slice %arg5[%dma_start3A_124] : memref<65536xi32, #tpu.memory_space<vmem>> -> memref<2048xi32, #tpu.memory_space<vmem>>
      %dma_start3A_126 = tpu.memref_slice %arg2[%add3A_120] : memref<1310720xi32, #tpu.memory_space<hbm>> -> memref<2048xi32, #tpu.memory_space<hbm>>
      tpu.enqueue_dma source(%dma_start3A_126 : memref<2048xi32, #tpu.memory_space<hbm>>) target(%dma_start3A_125 : memref<2048xi32, #tpu.memory_space<vmem>>) target_semaphore(%arg10 : memref<!tpu.dma_semaphore, #tpu.memory_space<semaphore_mem>>)
      %mul3A_127 = arith.constant 2048 : i32
      %mul3A_128 = arith.muli %add3A, %mul3A_127 : i32
      %add3A_129 = arith.constant 491520 : i32
      %add3A_130 = arith.addi %add3A_129, %mul3A_128 : i32
      %dma_start3A_131 = arith.constant 24576 : i32
      %dma_start3A_132 = tpu.memref_slice %arg5[%dma_start3A_131] : memref<65536xi32, #tpu.memory_space<vmem>> -> memref<2048xi32, #tpu.memory_space<vmem>>
      %dma_start3A_133 = tpu.memref_slice %arg2[%add3A_130] : memref<1310720xi32, #tpu.memory_space<hbm>> -> memref<2048xi32, #tpu.memory_space<hbm>>
      %dma_start3A_134 = arith.constant 24576 : i32
      %dma_start3A_135 = tpu.memref_slice %arg5[%dma_start3A_134] : memref<65536xi32, #tpu.memory_space<vmem>> -> memref<2048xi32, #tpu.memory_space<vmem>>
      %dma_start3A_136 = tpu.memref_slice %arg2[%add3A_130] : memref<1310720xi32, #tpu.memory_space<hbm>> -> memref<2048xi32, #tpu.memory_space<hbm>>
      tpu.enqueue_dma source(%dma_start3A_136 : memref<2048xi32, #tpu.memory_space<hbm>>) target(%dma_start3A_135 : memref<2048xi32, #tpu.memory_space<vmem>>) target_semaphore(%arg10 : memref<!tpu.dma_semaphore, #tpu.memory_space<semaphore_mem>>)
      %mul3A_137 = arith.constant 2048 : i32
      %mul3A_138 = arith.muli %add3A, %mul3A_137 : i32
      %add3A_139 = arith.constant 532480 : i32
      %add3A_140 = arith.addi %add3A_139, %mul3A_138 : i32
      %dma_start3A_141 = arith.constant 26624 : i32
      %dma_start3A_142 = tpu.memref_slice %arg5[%dma_start3A_141] : memref<65536xi32, #tpu.memory_space<vmem>> -> memref<2048xi32, #tpu.memory_space<vmem>>
      %dma_start3A_143 = tpu.memref_slice %arg2[%add3A_140] : memref<1310720xi32, #tpu.memory_space<hbm>> -> memref<2048xi32, #tpu.memory_space<hbm>>
      %dma_start3A_144 = arith.constant 26624 : i32
      %dma_start3A_145 = tpu.memref_slice %arg5[%dma_start3A_144] : memref<65536xi32, #tpu.memory_space<vmem>> -> memref<2048xi32, #tpu.memory_space<vmem>>
      %dma_start3A_146 = tpu.memref_slice %arg2[%add3A_140] : memref<1310720xi32, #tpu.memory_space<hbm>> -> memref<2048xi32, #tpu.memory_space<hbm>>
      tpu.enqueue_dma source(%dma_start3A_146 : memref<2048xi32, #tpu.memory_space<hbm>>) target(%dma_start3A_145 : memref<2048xi32, #tpu.memory_space<vmem>>) target_semaphore(%arg10 : memref<!tpu.dma_semaphore, #tpu.memory_space<semaphore_mem>>)
      %mul3A_147 = arith.constant 2048 : i32
      %mul3A_148 = arith.muli %add3A, %mul3A_147 : i32
      %add3A_149 = arith.constant 573440 : i32
      %add3A_150 = arith.addi %add3A_149, %mul3A_148 : i32
      %dma_start3A_151 = arith.constant 28672 : i32
      %dma_start3A_152 = tpu.memref_slice %arg5[%dma_start3A_151] : memref<65536xi32, #tpu.memory_space<vmem>> -> memref<2048xi32, #tpu.memory_space<vmem>>
      %dma_start3A_153 = tpu.memref_slice %arg2[%add3A_150] : memref<1310720xi32, #tpu.memory_space<hbm>> -> memref<2048xi32, #tpu.memory_space<hbm>>
      %dma_start3A_154 = arith.constant 28672 : i32
      %dma_start3A_155 = tpu.memref_slice %arg5[%dma_start3A_154] : memref<65536xi32, #tpu.memory_space<vmem>> -> memref<2048xi32, #tpu.memory_space<vmem>>
      %dma_start3A_156 = tpu.memref_slice %arg2[%add3A_150] : memref<1310720xi32, #tpu.memory_space<hbm>> -> memref<2048xi32, #tpu.memory_space<hbm>>
      tpu.enqueue_dma source(%dma_start3A_156 : memref<2048xi32, #tpu.memory_space<hbm>>) target(%dma_start3A_155 : memref<2048xi32, #tpu.memory_space<vmem>>) target_semaphore(%arg10 : memref<!tpu.dma_semaphore, #tpu.memory_space<semaphore_mem>>)
      %mul3A_157 = arith.constant 2048 : i32
      %mul3A_158 = arith.muli %add3A, %mul3A_157 : i32
      %add3A_159 = arith.constant 614400 : i32
      %add3A_160 = arith.addi %add3A_159, %mul3A_158 : i32
      %dma_start3A_161 = arith.constant 30720 : i32
      %dma_start3A_162 = tpu.memref_slice %arg5[%dma_start3A_161] : memref<65536xi32, #tpu.memory_space<vmem>> -> memref<2048xi32, #tpu.memory_space<vmem>>
      %dma_start3A_163 = tpu.memref_slice %arg2[%add3A_160] : memref<1310720xi32, #tpu.memory_space<hbm>> -> memref<2048xi32, #tpu.memory_space<hbm>>
      %dma_start3A_164 = arith.constant 30720 : i32
      %dma_start3A_165 = tpu.memref_slice %arg5[%dma_start3A_164] : memref<65536xi32, #tpu.memory_space<vmem>> -> memref<2048xi32, #tpu.memory_space<vmem>>
      %dma_start3A_166 = tpu.memref_slice %arg2[%add3A_160] : memref<1310720xi32, #tpu.memory_space<hbm>> -> memref<2048xi32, #tpu.memory_space<hbm>>
      tpu.enqueue_dma source(%dma_start3A_166 : memref<2048xi32, #tpu.memory_space<hbm>>) target(%dma_start3A_165 : memref<2048xi32, #tpu.memory_space<vmem>>) target_semaphore(%arg10 : memref<!tpu.dma_semaphore, #tpu.memory_space<semaphore_mem>>)
      %mul3A_167 = arith.constant 2048 : i32
      %mul3A_168 = arith.muli %add3A, %mul3A_167 : i32
      %add3A_169 = arith.constant 655360 : i32
      %add3A_170 = arith.addi %add3A_169, %mul3A_168 : i32
      %dma_start3A_171 = arith.constant 32768 : i32
      %dma_start3A_172 = tpu.memref_slice %arg5[%dma_start3A_171] : memref<65536xi32, #tpu.memory_space<vmem>> -> memref<2048xi32, #tpu.memory_space<vmem>>
      %dma_start3A_173 = tpu.memref_slice %arg2[%add3A_170] : memref<1310720xi32, #tpu.memory_space<hbm>> -> memref<2048xi32, #tpu.memory_space<hbm>>
      %dma_start3A_174 = arith.constant 32768 : i32
      %dma_start3A_175 = tpu.memref_slice %arg5[%dma_start3A_174] : memref<65536xi32, #tpu.memory_space<vmem>> -> memref<2048xi32, #tpu.memory_space<vmem>>
      %dma_start3A_176 = tpu.memref_slice %arg2[%add3A_170] : memref<1310720xi32, #tpu.memory_space<hbm>> -> memref<2048xi32, #tpu.memory_space<hbm>>
      tpu.enqueue_dma source(%dma_start3A_176 : memref<2048xi32, #tpu.memory_space<hbm>>) target(%dma_start3A_175 : memref<2048xi32, #tpu.memory_space<vmem>>) target_semaphore(%arg10 : memref<!tpu.dma_semaphore, #tpu.memory_space<semaphore_mem>>)
      %mul3A_177 = arith.constant 2048 : i32
      %mul3A_178 = arith.muli %add3A, %mul3A_177 : i32
      %add3A_179 = arith.constant 696320 : i32
      %add3A_180 = arith.addi %add3A_179, %mul3A_178 : i32
      %dma_start3A_181 = arith.constant 34816 : i32
      %dma_start3A_182 = tpu.memref_slice %arg5[%dma_start3A_181] : memref<65536xi32, #tpu.memory_space<vmem>> -> memref<2048xi32, #tpu.memory_space<vmem>>
      %dma_start3A_183 = tpu.memref_slice %arg2[%add3A_180] : memref<1310720xi32, #tpu.memory_space<hbm>> -> memref<2048xi32, #tpu.memory_space<hbm>>
      %dma_start3A_184 = arith.constant 34816 : i32
      %dma_start3A_185 = tpu.memref_slice %arg5[%dma_start3A_184] : memref<65536xi32, #tpu.memory_space<vmem>> -> memref<2048xi32, #tpu.memory_space<vmem>>
      %dma_start3A_186 = tpu.memref_slice %arg2[%add3A_180] : memref<1310720xi32, #tpu.memory_space<hbm>> -> memref<2048xi32, #tpu.memory_space<hbm>>
      tpu.enqueue_dma source(%dma_start3A_186 : memref<2048xi32, #tpu.memory_space<hbm>>) target(%dma_start3A_185 : memref<2048xi32, #tpu.memory_space<vmem>>) target_semaphore(%arg10 : memref<!tpu.dma_semaphore, #tpu.memory_space<semaphore_mem>>)
      %mul3A_187 = arith.constant 2048 : i32
      %mul3A_188 = arith.muli %add3A, %mul3A_187 : i32
      %add3A_189 = arith.constant 737280 : i32
      %add3A_190 = arith.addi %add3A_189, %mul3A_188 : i32
      %dma_start3A_191 = arith.constant 36864 : i32
      %dma_start3A_192 = tpu.memref_slice %arg5[%dma_start3A_191] : memref<65536xi32, #tpu.memory_space<vmem>> -> memref<2048xi32, #tpu.memory_space<vmem>>
      %dma_start3A_193 = tpu.memref_slice %arg2[%add3A_190] : memref<1310720xi32, #tpu.memory_space<hbm>> -> memref<2048xi32, #tpu.memory_space<hbm>>
      %dma_start3A_194 = arith.constant 36864 : i32
      %dma_start3A_195 = tpu.memref_slice %arg5[%dma_start3A_194] : memref<65536xi32, #tpu.memory_space<vmem>> -> memref<2048xi32, #tpu.memory_space<vmem>>
      %dma_start3A_196 = tpu.memref_slice %arg2[%add3A_190] : memref<1310720xi32, #tpu.memory_space<hbm>> -> memref<2048xi32, #tpu.memory_space<hbm>>
      tpu.enqueue_dma source(%dma_start3A_196 : memref<2048xi32, #tpu.memory_space<hbm>>) target(%dma_start3A_195 : memref<2048xi32, #tpu.memory_space<vmem>>) target_semaphore(%arg10 : memref<!tpu.dma_semaphore, #tpu.memory_space<semaphore_mem>>)
      %mul3A_197 = arith.constant 2048 : i32
      %mul3A_198 = arith.muli %add3A, %mul3A_197 : i32
      %add3A_199 = arith.constant 778240 : i32
      %add3A_200 = arith.addi %add3A_199, %mul3A_198 : i32
      %dma_start3A_201 = arith.constant 38912 : i32
      %dma_start3A_202 = tpu.memref_slice %arg5[%dma_start3A_201] : memref<65536xi32, #tpu.memory_space<vmem>> -> memref<2048xi32, #tpu.memory_space<vmem>>
      %dma_start3A_203 = tpu.memref_slice %arg2[%add3A_200] : memref<1310720xi32, #tpu.memory_space<hbm>> -> memref<2048xi32, #tpu.memory_space<hbm>>
      %dma_start3A_204 = arith.constant 38912 : i32
      %dma_start3A_205 = tpu.memref_slice %arg5[%dma_start3A_204] : memref<65536xi32, #tpu.memory_space<vmem>> -> memref<2048xi32, #tpu.memory_space<vmem>>
      %dma_start3A_206 = tpu.memref_slice %arg2[%add3A_200] : memref<1310720xi32, #tpu.memory_space<hbm>> -> memref<2048xi32, #tpu.memory_space<hbm>>
      tpu.enqueue_dma source(%dma_start3A_206 : memref<2048xi32, #tpu.memory_space<hbm>>) target(%dma_start3A_205 : memref<2048xi32, #tpu.memory_space<vmem>>) target_semaphore(%arg10 : memref<!tpu.dma_semaphore, #tpu.memory_space<semaphore_mem>>)
      %mul3A_207 = arith.constant 2048 : i32
      %mul3A_208 = arith.muli %add3A, %mul3A_207 : i32
      %add3A_209 = arith.constant 819200 : i32
      %add3A_210 = arith.addi %add3A_209, %mul3A_208 : i32
      %dma_start3A_211 = arith.constant 40960 : i32
      %dma_start3A_212 = tpu.memref_slice %arg5[%dma_start3A_211] : memref<65536xi32, #tpu.memory_space<vmem>> -> memref<2048xi32, #tpu.memory_space<vmem>>
      %dma_start3A_213 = tpu.memref_slice %arg2[%add3A_210] : memref<1310720xi32, #tpu.memory_space<hbm>> -> memref<2048xi32, #tpu.memory_space<hbm>>
      %dma_start3A_214 = arith.constant 40960 : i32
      %dma_start3A_215 = tpu.memref_slice %arg5[%dma_start3A_214] : memref<65536xi32, #tpu.memory_space<vmem>> -> memref<2048xi32, #tpu.memory_space<vmem>>
      %dma_start3A_216 = tpu.memref_slice %arg2[%add3A_210] : memref<1310720xi32, #tpu.memory_space<hbm>> -> memref<2048xi32, #tpu.memory_space<hbm>>
      tpu.enqueue_dma source(%dma_start3A_216 : memref<2048xi32, #tpu.memory_space<hbm>>) target(%dma_start3A_215 : memref<2048xi32, #tpu.memory_space<vmem>>) target_semaphore(%arg10 : memref<!tpu.dma_semaphore, #tpu.memory_space<semaphore_mem>>)
      %mul3A_217 = arith.constant 2048 : i32
      %mul3A_218 = arith.muli %add3A, %mul3A_217 : i32
      %add3A_219 = arith.constant 860160 : i32
      %add3A_220 = arith.addi %add3A_219, %mul3A_218 : i32
      %dma_start3A_221 = arith.constant 43008 : i32
      %dma_start3A_222 = tpu.memref_slice %arg5[%dma_start3A_221] : memref<65536xi32, #tpu.memory_space<vmem>> -> memref<2048xi32, #tpu.memory_space<vmem>>
      %dma_start3A_223 = tpu.memref_slice %arg2[%add3A_220] : memref<1310720xi32, #tpu.memory_space<hbm>> -> memref<2048xi32, #tpu.memory_space<hbm>>
      %dma_start3A_224 = arith.constant 43008 : i32
      %dma_start3A_225 = tpu.memref_slice %arg5[%dma_start3A_224] : memref<65536xi32, #tpu.memory_space<vmem>> -> memref<2048xi32, #tpu.memory_space<vmem>>
      %dma_start3A_226 = tpu.memref_slice %arg2[%add3A_220] : memref<1310720xi32, #tpu.memory_space<hbm>> -> memref<2048xi32, #tpu.memory_space<hbm>>
      tpu.enqueue_dma source(%dma_start3A_226 : memref<2048xi32, #tpu.memory_space<hbm>>) target(%dma_start3A_225 : memref<2048xi32, #tpu.memory_space<vmem>>) target_semaphore(%arg10 : memref<!tpu.dma_semaphore, #tpu.memory_space<semaphore_mem>>)
      %mul3A_227 = arith.constant 2048 : i32
      %mul3A_228 = arith.muli %add3A, %mul3A_227 : i32
      %add3A_229 = arith.constant 901120 : i32
      %add3A_230 = arith.addi %add3A_229, %mul3A_228 : i32
      %dma_start3A_231 = arith.constant 45056 : i32
      %dma_start3A_232 = tpu.memref_slice %arg5[%dma_start3A_231] : memref<65536xi32, #tpu.memory_space<vmem>> -> memref<2048xi32, #tpu.memory_space<vmem>>
      %dma_start3A_233 = tpu.memref_slice %arg2[%add3A_230] : memref<1310720xi32, #tpu.memory_space<hbm>> -> memref<2048xi32, #tpu.memory_space<hbm>>
      %dma_start3A_234 = arith.constant 45056 : i32
      %dma_start3A_235 = tpu.memref_slice %arg5[%dma_start3A_234] : memref<65536xi32, #tpu.memory_space<vmem>> -> memref<2048xi32, #tpu.memory_space<vmem>>
      %dma_start3A_236 = tpu.memref_slice %arg2[%add3A_230] : memref<1310720xi32, #tpu.memory_space<hbm>> -> memref<2048xi32, #tpu.memory_space<hbm>>
      tpu.enqueue_dma source(%dma_start3A_236 : memref<2048xi32, #tpu.memory_space<hbm>>) target(%dma_start3A_235 : memref<2048xi32, #tpu.memory_space<vmem>>) target_semaphore(%arg10 : memref<!tpu.dma_semaphore, #tpu.memory_space<semaphore_mem>>)
      %mul3A_237 = arith.constant 2048 : i32
      %mul3A_238 = arith.muli %add3A, %mul3A_237 : i32
      %add3A_239 = arith.constant 942080 : i32
      %add3A_240 = arith.addi %add3A_239, %mul3A_238 : i32
      %dma_start3A_241 = arith.constant 47104 : i32
      %dma_start3A_242 = tpu.memref_slice %arg5[%dma_start3A_241] : memref<65536xi32, #tpu.memory_space<vmem>> -> memref<2048xi32, #tpu.memory_space<vmem>>
      %dma_start3A_243 = tpu.memref_slice %arg2[%add3A_240] : memref<1310720xi32, #tpu.memory_space<hbm>> -> memref<2048xi32, #tpu.memory_space<hbm>>
      %dma_start3A_244 = arith.constant 47104 : i32
      %dma_start3A_245 = tpu.memref_slice %arg5[%dma_start3A_244] : memref<65536xi32, #tpu.memory_space<vmem>> -> memref<2048xi32, #tpu.memory_space<vmem>>
      %dma_start3A_246 = tpu.memref_slice %arg2[%add3A_240] : memref<1310720xi32, #tpu.memory_space<hbm>> -> memref<2048xi32, #tpu.memory_space<hbm>>
      tpu.enqueue_dma source(%dma_start3A_246 : memref<2048xi32, #tpu.memory_space<hbm>>) target(%dma_start3A_245 : memref<2048xi32, #tpu.memory_space<vmem>>) target_semaphore(%arg10 : memref<!tpu.dma_semaphore, #tpu.memory_space<semaphore_mem>>)
      %mul3A_247 = arith.constant 2048 : i32
      %mul3A_248 = arith.muli %add3A, %mul3A_247 : i32
      %add3A_249 = arith.constant 983040 : i32
      %add3A_250 = arith.addi %add3A_249, %mul3A_248 : i32
      %dma_start3A_251 = arith.constant 49152 : i32
      %dma_start3A_252 = tpu.memref_slice %arg5[%dma_start3A_251] : memref<65536xi32, #tpu.memory_space<vmem>> -> memref<2048xi32, #tpu.memory_space<vmem>>
      %dma_start3A_253 = tpu.memref_slice %arg2[%add3A_250] : memref<1310720xi32, #tpu.memory_space<hbm>> -> memref<2048xi32, #tpu.memory_space<hbm>>
      %dma_start3A_254 = arith.constant 49152 : i32
      %dma_start3A_255 = tpu.memref_slice %arg5[%dma_start3A_254] : memref<65536xi32, #tpu.memory_space<vmem>> -> memref<2048xi32, #tpu.memory_space<vmem>>
      %dma_start3A_256 = tpu.memref_slice %arg2[%add3A_250] : memref<1310720xi32, #tpu.memory_space<hbm>> -> memref<2048xi32, #tpu.memory_space<hbm>>
      tpu.enqueue_dma source(%dma_start3A_256 : memref<2048xi32, #tpu.memory_space<hbm>>) target(%dma_start3A_255 : memref<2048xi32, #tpu.memory_space<vmem>>) target_semaphore(%arg10 : memref<!tpu.dma_semaphore, #tpu.memory_space<semaphore_mem>>)
      %mul3A_257 = arith.constant 2048 : i32
      %mul3A_258 = arith.muli %add3A, %mul3A_257 : i32
      %add3A_259 = arith.constant 1024000 : i32
      %add3A_260 = arith.addi %add3A_259, %mul3A_258 : i32
      %dma_start3A_261 = arith.constant 51200 : i32
      %dma_start3A_262 = tpu.memref_slice %arg5[%dma_start3A_261] : memref<65536xi32, #tpu.memory_space<vmem>> -> memref<2048xi32, #tpu.memory_space<vmem>>
      %dma_start3A_263 = tpu.memref_slice %arg2[%add3A_260] : memref<1310720xi32, #tpu.memory_space<hbm>> -> memref<2048xi32, #tpu.memory_space<hbm>>
      %dma_start3A_264 = arith.constant 51200 : i32
      %dma_start3A_265 = tpu.memref_slice %arg5[%dma_start3A_264] : memref<65536xi32, #tpu.memory_space<vmem>> -> memref<2048xi32, #tpu.memory_space<vmem>>
      %dma_start3A_266 = tpu.memref_slice %arg2[%add3A_260] : memref<1310720xi32, #tpu.memory_space<hbm>> -> memref<2048xi32, #tpu.memory_space<hbm>>
      tpu.enqueue_dma source(%dma_start3A_266 : memref<2048xi32, #tpu.memory_space<hbm>>) target(%dma_start3A_265 : memref<2048xi32, #tpu.memory_space<vmem>>) target_semaphore(%arg10 : memref<!tpu.dma_semaphore, #tpu.memory_space<semaphore_mem>>)
      %mul3A_267 = arith.constant 2048 : i32
      %mul3A_268 = arith.muli %add3A, %mul3A_267 : i32
      %add3A_269 = arith.constant 1064960 : i32
      %add3A_270 = arith.addi %add3A_269, %mul3A_268 : i32
      %dma_start3A_271 = arith.constant 53248 : i32
      %dma_start3A_272 = tpu.memref_slice %arg5[%dma_start3A_271] : memref<65536xi32, #tpu.memory_space<vmem>> -> memref<2048xi32, #tpu.memory_space<vmem>>
      %dma_start3A_273 = tpu.memref_slice %arg2[%add3A_270] : memref<1310720xi32, #tpu.memory_space<hbm>> -> memref<2048xi32, #tpu.memory_space<hbm>>
      %dma_start3A_274 = arith.constant 53248 : i32
      %dma_start3A_275 = tpu.memref_slice %arg5[%dma_start3A_274] : memref<65536xi32, #tpu.memory_space<vmem>> -> memref<2048xi32, #tpu.memory_space<vmem>>
      %dma_start3A_276 = tpu.memref_slice %arg2[%add3A_270] : memref<1310720xi32, #tpu.memory_space<hbm>> -> memref<2048xi32, #tpu.memory_space<hbm>>
      tpu.enqueue_dma source(%dma_start3A_276 : memref<2048xi32, #tpu.memory_space<hbm>>) target(%dma_start3A_275 : memref<2048xi32, #tpu.memory_space<vmem>>) target_semaphore(%arg10 : memref<!tpu.dma_semaphore, #tpu.memory_space<semaphore_mem>>)
      %mul3A_277 = arith.constant 2048 : i32
      %mul3A_278 = arith.muli %add3A, %mul3A_277 : i32
      %add3A_279 = arith.constant 1105920 : i32
      %add3A_280 = arith.addi %add3A_279, %mul3A_278 : i32
      %dma_start3A_281 = arith.constant 55296 : i32
      %dma_start3A_282 = tpu.memref_slice %arg5[%dma_start3A_281] : memref<65536xi32, #tpu.memory_space<vmem>> -> memref<2048xi32, #tpu.memory_space<vmem>>
      %dma_start3A_283 = tpu.memref_slice %arg2[%add3A_280] : memref<1310720xi32, #tpu.memory_space<hbm>> -> memref<2048xi32, #tpu.memory_space<hbm>>
      %dma_start3A_284 = arith.constant 55296 : i32
      %dma_start3A_285 = tpu.memref_slice %arg5[%dma_start3A_284] : memref<65536xi32, #tpu.memory_space<vmem>> -> memref<2048xi32, #tpu.memory_space<vmem>>
      %dma_start3A_286 = tpu.memref_slice %arg2[%add3A_280] : memref<1310720xi32, #tpu.memory_space<hbm>> -> memref<2048xi32, #tpu.memory_space<hbm>>
      tpu.enqueue_dma source(%dma_start3A_286 : memref<2048xi32, #tpu.memory_space<hbm>>) target(%dma_start3A_285 : memref<2048xi32, #tpu.memory_space<vmem>>) target_semaphore(%arg10 : memref<!tpu.dma_semaphore, #tpu.memory_space<semaphore_mem>>)
      %mul3A_287 = arith.constant 2048 : i32
      %mul3A_288 = arith.muli %add3A, %mul3A_287 : i32
      %add3A_289 = arith.constant 1146880 : i32
      %add3A_290 = arith.addi %add3A_289, %mul3A_288 : i32
      %dma_start3A_291 = arith.constant 57344 : i32
      %dma_start3A_292 = tpu.memref_slice %arg5[%dma_start3A_291] : memref<65536xi32, #tpu.memory_space<vmem>> -> memref<2048xi32, #tpu.memory_space<vmem>>
      %dma_start3A_293 = tpu.memref_slice %arg2[%add3A_290] : memref<1310720xi32, #tpu.memory_space<hbm>> -> memref<2048xi32, #tpu.memory_space<hbm>>
      %dma_start3A_294 = arith.constant 57344 : i32
      %dma_start3A_295 = tpu.memref_slice %arg5[%dma_start3A_294] : memref<65536xi32, #tpu.memory_space<vmem>> -> memref<2048xi32, #tpu.memory_space<vmem>>
      %dma_start3A_296 = tpu.memref_slice %arg2[%add3A_290] : memref<1310720xi32, #tpu.memory_space<hbm>> -> memref<2048xi32, #tpu.memory_space<hbm>>
      tpu.enqueue_dma source(%dma_start3A_296 : memref<2048xi32, #tpu.memory_space<hbm>>) target(%dma_start3A_295 : memref<2048xi32, #tpu.memory_space<vmem>>) target_semaphore(%arg10 : memref<!tpu.dma_semaphore, #tpu.memory_space<semaphore_mem>>)
      %mul3A_297 = arith.constant 2048 : i32
      %mul3A_298 = arith.muli %add3A, %mul3A_297 : i32
      %add3A_299 = arith.constant 1187840 : i32
      %add3A_300 = arith.addi %add3A_299, %mul3A_298 : i32
      %dma_start3A_301 = arith.constant 59392 : i32
      %dma_start3A_302 = tpu.memref_slice %arg5[%dma_start3A_301] : memref<65536xi32, #tpu.memory_space<vmem>> -> memref<2048xi32, #tpu.memory_space<vmem>>
      %dma_start3A_303 = tpu.memref_slice %arg2[%add3A_300] : memref<1310720xi32, #tpu.memory_space<hbm>> -> memref<2048xi32, #tpu.memory_space<hbm>>
      %dma_start3A_304 = arith.constant 59392 : i32
      %dma_start3A_305 = tpu.memref_slice %arg5[%dma_start3A_304] : memref<65536xi32, #tpu.memory_space<vmem>> -> memref<2048xi32, #tpu.memory_space<vmem>>
      %dma_start3A_306 = tpu.memref_slice %arg2[%add3A_300] : memref<1310720xi32, #tpu.memory_space<hbm>> -> memref<2048xi32, #tpu.memory_space<hbm>>
      tpu.enqueue_dma source(%dma_start3A_306 : memref<2048xi32, #tpu.memory_space<hbm>>) target(%dma_start3A_305 : memref<2048xi32, #tpu.memory_space<vmem>>) target_semaphore(%arg10 : memref<!tpu.dma_semaphore, #tpu.memory_space<semaphore_mem>>)
      %mul3A_307 = arith.constant 2048 : i32
      %mul3A_308 = arith.muli %add3A, %mul3A_307 : i32
      %add3A_309 = arith.constant 1228800 : i32
      %add3A_310 = arith.addi %add3A_309, %mul3A_308 : i32
      %dma_start3A_311 = arith.constant 61440 : i32
      %dma_start3A_312 = tpu.memref_slice %arg5[%dma_start3A_311] : memref<65536xi32, #tpu.memory_space<vmem>> -> memref<2048xi32, #tpu.memory_space<vmem>>
      %dma_start3A_313 = tpu.memref_slice %arg2[%add3A_310] : memref<1310720xi32, #tpu.memory_space<hbm>> -> memref<2048xi32, #tpu.memory_space<hbm>>
      %dma_start3A_314 = arith.constant 61440 : i32
      %dma_start3A_315 = tpu.memref_slice %arg5[%dma_start3A_314] : memref<65536xi32, #tpu.memory_space<vmem>> -> memref<2048xi32, #tpu.memory_space<vmem>>
      %dma_start3A_316 = tpu.memref_slice %arg2[%add3A_310] : memref<1310720xi32, #tpu.memory_space<hbm>> -> memref<2048xi32, #tpu.memory_space<hbm>>
      tpu.enqueue_dma source(%dma_start3A_316 : memref<2048xi32, #tpu.memory_space<hbm>>) target(%dma_start3A_315 : memref<2048xi32, #tpu.memory_space<vmem>>) target_semaphore(%arg10 : memref<!tpu.dma_semaphore, #tpu.memory_space<semaphore_mem>>)
      %mul3A_317 = arith.constant 2048 : i32
      %mul3A_318 = arith.muli %add3A, %mul3A_317 : i32
      %add3A_319 = arith.constant 1269760 : i32
      %add3A_320 = arith.addi %add3A_319, %mul3A_318 : i32
      %dma_start3A_321 = arith.constant 63488 : i32
      %dma_start3A_322 = tpu.memref_slice %arg5[%dma_start3A_321] : memref<65536xi32, #tpu.memory_space<vmem>> -> memref<2048xi32, #tpu.memory_space<vmem>>
      %dma_start3A_323 = tpu.memref_slice %arg2[%add3A_320] : memref<1310720xi32, #tpu.memory_space<hbm>> -> memref<2048xi32, #tpu.memory_space<hbm>>
      %dma_start3A_324 = arith.constant 63488 : i32
      %dma_start3A_325 = tpu.memref_slice %arg5[%dma_start3A_324] : memref<65536xi32, #tpu.memory_space<vmem>> -> memref<2048xi32, #tpu.memory_space<vmem>>
      %dma_start3A_326 = tpu.memref_slice %arg2[%add3A_320] : memref<1310720xi32, #tpu.memory_space<hbm>> -> memref<2048xi32, #tpu.memory_space<hbm>>
      tpu.enqueue_dma source(%dma_start3A_326 : memref<2048xi32, #tpu.memory_space<hbm>>) target(%dma_start3A_325 : memref<2048xi32, #tpu.memory_space<vmem>>) target_semaphore(%arg10 : memref<!tpu.dma_semaphore, #tpu.memory_space<semaphore_mem>>)
      %dma_wait3A = arith.constant 0 : i32
      %dma_wait3A_327 = tpu.memref_slice %arg5[%dma_wait3A] : memref<65536xi32, #tpu.memory_space<vmem>> -> memref<2048xi32, #tpu.memory_space<vmem>>
      %dma_wait3A_328 = tpu.memref_slice %arg2[%add3A_11] : memref<1310720xi32, #tpu.memory_space<hbm>> -> memref<2048xi32, #tpu.memory_space<hbm>>
      %dma_wait3A_329 = arith.constant 0 : i32
      %dma_wait3A_330 = tpu.memref_slice %arg5[%dma_wait3A_329] : memref<65536xi32, #tpu.memory_space<vmem>> -> memref<2048xi32, #tpu.memory_space<vmem>>
      %dma_wait3A_331 = tpu.memref_slice %arg2[%add3A_11] : memref<1310720xi32, #tpu.memory_space<hbm>> -> memref<2048xi32, #tpu.memory_space<hbm>>
      tpu.wait_dma2 semaphore(%arg10 : memref<!tpu.dma_semaphore, #tpu.memory_space<semaphore_mem>>) src(%dma_wait3A_331 : memref<2048xi32, #tpu.memory_space<hbm>>) dst(%dma_wait3A_330 : memref<2048xi32, #tpu.memory_space<vmem>>)
      %dma_wait3A_332 = arith.constant 2048 : i32
      %dma_wait3A_333 = tpu.memref_slice %arg5[%dma_wait3A_332] : memref<65536xi32, #tpu.memory_space<vmem>> -> memref<2048xi32, #tpu.memory_space<vmem>>
      %dma_wait3A_334 = tpu.memref_slice %arg2[%add3A_20] : memref<1310720xi32, #tpu.memory_space<hbm>> -> memref<2048xi32, #tpu.memory_space<hbm>>
      %dma_wait3A_335 = arith.constant 2048 : i32
      %dma_wait3A_336 = tpu.memref_slice %arg5[%dma_wait3A_335] : memref<65536xi32, #tpu.memory_space<vmem>> -> memref<2048xi32, #tpu.memory_space<vmem>>
      %dma_wait3A_337 = tpu.memref_slice %arg2[%add3A_20] : memref<1310720xi32, #tpu.memory_space<hbm>> -> memref<2048xi32, #tpu.memory_space<hbm>>
      tpu.wait_dma2 semaphore(%arg10 : memref<!tpu.dma_semaphore, #tpu.memory_space<semaphore_mem>>) src(%dma_wait3A_337 : memref<2048xi32, #tpu.memory_space<hbm>>) dst(%dma_wait3A_336 : memref<2048xi32, #tpu.memory_space<vmem>>)
      %dma_wait3A_338 = arith.constant 4096 : i32
      %dma_wait3A_339 = tpu.memref_slice %arg5[%dma_wait3A_338] : memref<65536xi32, #tpu.memory_space<vmem>> -> memref<2048xi32, #tpu.memory_space<vmem>>
      %dma_wait3A_340 = tpu.memref_slice %arg2[%add3A_30] : memref<1310720xi32, #tpu.memory_space<hbm>> -> memref<2048xi32, #tpu.memory_space<hbm>>
      %dma_wait3A_341 = arith.constant 4096 : i32
      %dma_wait3A_342 = tpu.memref_slice %arg5[%dma_wait3A_341] : memref<65536xi32, #tpu.memory_space<vmem>> -> memref<2048xi32, #tpu.memory_space<vmem>>
      %dma_wait3A_343 = tpu.memref_slice %arg2[%add3A_30] : memref<1310720xi32, #tpu.memory_space<hbm>> -> memref<2048xi32, #tpu.memory_space<hbm>>
      tpu.wait_dma2 semaphore(%arg10 : memref<!tpu.dma_semaphore, #tpu.memory_space<semaphore_mem>>) src(%dma_wait3A_343 : memref<2048xi32, #tpu.memory_space<hbm>>) dst(%dma_wait3A_342 : memref<2048xi32, #tpu.memory_space<vmem>>)
      %dma_wait3A_344 = arith.constant 6144 : i32
      %dma_wait3A_345 = tpu.memref_slice %arg5[%dma_wait3A_344] : memref<65536xi32, #tpu.memory_space<vmem>> -> memref<2048xi32, #tpu.memory_space<vmem>>
      %dma_wait3A_346 = tpu.memref_slice %arg2[%add3A_40] : memref<1310720xi32, #tpu.memory_space<hbm>> -> memref<2048xi32, #tpu.memory_space<hbm>>
      %dma_wait3A_347 = arith.constant 6144 : i32
      %dma_wait3A_348 = tpu.memref_slice %arg5[%dma_wait3A_347] : memref<65536xi32, #tpu.memory_space<vmem>> -> memref<2048xi32, #tpu.memory_space<vmem>>
      %dma_wait3A_349 = tpu.memref_slice %arg2[%add3A_40] : memref<1310720xi32, #tpu.memory_space<hbm>> -> memref<2048xi32, #tpu.memory_space<hbm>>
      tpu.wait_dma2 semaphore(%arg10 : memref<!tpu.dma_semaphore, #tpu.memory_space<semaphore_mem>>) src(%dma_wait3A_349 : memref<2048xi32, #tpu.memory_space<hbm>>) dst(%dma_wait3A_348 : memref<2048xi32, #tpu.memory_space<vmem>>)
      %dma_wait3A_350 = arith.constant 8192 : i32
      %dma_wait3A_351 = tpu.memref_slice %arg5[%dma_wait3A_350] : memref<65536xi32, #tpu.memory_space<vmem>> -> memref<2048xi32, #tpu.memory_space<vmem>>
      %dma_wait3A_352 = tpu.memref_slice %arg2[%add3A_50] : memref<1310720xi32, #tpu.memory_space<hbm>> -> memref<2048xi32, #tpu.memory_space<hbm>>
      %dma_wait3A_353 = arith.constant 8192 : i32
      %dma_wait3A_354 = tpu.memref_slice %arg5[%dma_wait3A_353] : memref<65536xi32, #tpu.memory_space<vmem>> -> memref<2048xi32, #tpu.memory_space<vmem>>
      %dma_wait3A_355 = tpu.memref_slice %arg2[%add3A_50] : memref<1310720xi32, #tpu.memory_space<hbm>> -> memref<2048xi32, #tpu.memory_space<hbm>>
      tpu.wait_dma2 semaphore(%arg10 : memref<!tpu.dma_semaphore, #tpu.memory_space<semaphore_mem>>) src(%dma_wait3A_355 : memref<2048xi32, #tpu.memory_space<hbm>>) dst(%dma_wait3A_354 : memref<2048xi32, #tpu.memory_space<vmem>>)
      %dma_wait3A_356 = arith.constant 10240 : i32
      %dma_wait3A_357 = tpu.memref_slice %arg5[%dma_wait3A_356] : memref<65536xi32, #tpu.memory_space<vmem>> -> memref<2048xi32, #tpu.memory_space<vmem>>
      %dma_wait3A_358 = tpu.memref_slice %arg2[%add3A_60] : memref<1310720xi32, #tpu.memory_space<hbm>> -> memref<2048xi32, #tpu.memory_space<hbm>>
      %dma_wait3A_359 = arith.constant 10240 : i32
      %dma_wait3A_360 = tpu.memref_slice %arg5[%dma_wait3A_359] : memref<65536xi32, #tpu.memory_space<vmem>> -> memref<2048xi32, #tpu.memory_space<vmem>>
      %dma_wait3A_361 = tpu.memref_slice %arg2[%add3A_60] : memref<1310720xi32, #tpu.memory_space<hbm>> -> memref<2048xi32, #tpu.memory_space<hbm>>
      tpu.wait_dma2 semaphore(%arg10 : memref<!tpu.dma_semaphore, #tpu.memory_space<semaphore_mem>>) src(%dma_wait3A_361 : memref<2048xi32, #tpu.memory_space<hbm>>) dst(%dma_wait3A_360 : memref<2048xi32, #tpu.memory_space<vmem>>)
      %dma_wait3A_362 = arith.constant 12288 : i32
      %dma_wait3A_363 = tpu.memref_slice %arg5[%dma_wait3A_362] : memref<65536xi32, #tpu.memory_space<vmem>> -> memref<2048xi32, #tpu.memory_space<vmem>>
      %dma_wait3A_364 = tpu.memref_slice %arg2[%add3A_70] : memref<1310720xi32, #tpu.memory_space<hbm>> -> memref<2048xi32, #tpu.memory_space<hbm>>
      %dma_wait3A_365 = arith.constant 12288 : i32
      %dma_wait3A_366 = tpu.memref_slice %arg5[%dma_wait3A_365] : memref<65536xi32, #tpu.memory_space<vmem>> -> memref<2048xi32, #tpu.memory_space<vmem>>
      %dma_wait3A_367 = tpu.memref_slice %arg2[%add3A_70] : memref<1310720xi32, #tpu.memory_space<hbm>> -> memref<2048xi32, #tpu.memory_space<hbm>>
      tpu.wait_dma2 semaphore(%arg10 : memref<!tpu.dma_semaphore, #tpu.memory_space<semaphore_mem>>) src(%dma_wait3A_367 : memref<2048xi32, #tpu.memory_space<hbm>>) dst(%dma_wait3A_366 : memref<2048xi32, #tpu.memory_space<vmem>>)
      %dma_wait3A_368 = arith.constant 14336 : i32
      %dma_wait3A_369 = tpu.memref_slice %arg5[%dma_wait3A_368] : memref<65536xi32, #tpu.memory_space<vmem>> -> memref<2048xi32, #tpu.memory_space<vmem>>
      %dma_wait3A_370 = tpu.memref_slice %arg2[%add3A_80] : memref<1310720xi32, #tpu.memory_space<hbm>> -> memref<2048xi32, #tpu.memory_space<hbm>>
      %dma_wait3A_371 = arith.constant 14336 : i32
      %dma_wait3A_372 = tpu.memref_slice %arg5[%dma_wait3A_371] : memref<65536xi32, #tpu.memory_space<vmem>> -> memref<2048xi32, #tpu.memory_space<vmem>>
      %dma_wait3A_373 = tpu.memref_slice %arg2[%add3A_80] : memref<1310720xi32, #tpu.memory_space<hbm>> -> memref<2048xi32, #tpu.memory_space<hbm>>
      tpu.wait_dma2 semaphore(%arg10 : memref<!tpu.dma_semaphore, #tpu.memory_space<semaphore_mem>>) src(%dma_wait3A_373 : memref<2048xi32, #tpu.memory_space<hbm>>) dst(%dma_wait3A_372 : memref<2048xi32, #tpu.memory_space<vmem>>)
      %dma_wait3A_374 = arith.constant 16384 : i32
      %dma_wait3A_375 = tpu.memref_slice %arg5[%dma_wait3A_374] : memref<65536xi32, #tpu.memory_space<vmem>> -> memref<2048xi32, #tpu.memory_space<vmem>>
      %dma_wait3A_376 = tpu.memref_slice %arg2[%add3A_90] : memref<1310720xi32, #tpu.memory_space<hbm>> -> memref<2048xi32, #tpu.memory_space<hbm>>
      %dma_wait3A_377 = arith.constant 16384 : i32
      %dma_wait3A_378 = tpu.memref_slice %arg5[%dma_wait3A_377] : memref<65536xi32, #tpu.memory_space<vmem>> -> memref<2048xi32, #tpu.memory_space<vmem>>
      %dma_wait3A_379 = tpu.memref_slice %arg2[%add3A_90] : memref<1310720xi32, #tpu.memory_space<hbm>> -> memref<2048xi32, #tpu.memory_space<hbm>>
      tpu.wait_dma2 semaphore(%arg10 : memref<!tpu.dma_semaphore, #tpu.memory_space<semaphore_mem>>) src(%dma_wait3A_379 : memref<2048xi32, #tpu.memory_space<hbm>>) dst(%dma_wait3A_378 : memref<2048xi32, #tpu.memory_space<vmem>>)
      %dma_wait3A_380 = arith.constant 18432 : i32
      %dma_wait3A_381 = tpu.memref_slice %arg5[%dma_wait3A_380] : memref<65536xi32, #tpu.memory_space<vmem>> -> memref<2048xi32, #tpu.memory_space<vmem>>
      %dma_wait3A_382 = tpu.memref_slice %arg2[%add3A_100] : memref<1310720xi32, #tpu.memory_space<hbm>> -> memref<2048xi32, #tpu.memory_space<hbm>>
      %dma_wait3A_383 = arith.constant 18432 : i32
      %dma_wait3A_384 = tpu.memref_slice %arg5[%dma_wait3A_383] : memref<65536xi32, #tpu.memory_space<vmem>> -> memref<2048xi32, #tpu.memory_space<vmem>>
      %dma_wait3A_385 = tpu.memref_slice %arg2[%add3A_100] : memref<1310720xi32, #tpu.memory_space<hbm>> -> memref<2048xi32, #tpu.memory_space<hbm>>
      tpu.wait_dma2 semaphore(%arg10 : memref<!tpu.dma_semaphore, #tpu.memory_space<semaphore_mem>>) src(%dma_wait3A_385 : memref<2048xi32, #tpu.memory_space<hbm>>) dst(%dma_wait3A_384 : memref<2048xi32, #tpu.memory_space<vmem>>)
      %dma_wait3A_386 = arith.constant 20480 : i32
      %dma_wait3A_387 = tpu.memref_slice %arg5[%dma_wait3A_386] : memref<65536xi32, #tpu.memory_space<vmem>> -> memref<2048xi32, #tpu.memory_space<vmem>>
      %dma_wait3A_388 = tpu.memref_slice %arg2[%add3A_110] : memref<1310720xi32, #tpu.memory_space<hbm>> -> memref<2048xi32, #tpu.memory_space<hbm>>
      %dma_wait3A_389 = arith.constant 20480 : i32
      %dma_wait3A_390 = tpu.memref_slice %arg5[%dma_wait3A_389] : memref<65536xi32, #tpu.memory_space<vmem>> -> memref<2048xi32, #tpu.memory_space<vmem>>
      %dma_wait3A_391 = tpu.memref_slice %arg2[%add3A_110] : memref<1310720xi32, #tpu.memory_space<hbm>> -> memref<2048xi32, #tpu.memory_space<hbm>>
      tpu.wait_dma2 semaphore(%arg10 : memref<!tpu.dma_semaphore, #tpu.memory_space<semaphore_mem>>) src(%dma_wait3A_391 : memref<2048xi32, #tpu.memory_space<hbm>>) dst(%dma_wait3A_390 : memref<2048xi32, #tpu.memory_space<vmem>>)
      %dma_wait3A_392 = arith.constant 22528 : i32
      %dma_wait3A_393 = tpu.memref_slice %arg5[%dma_wait3A_392] : memref<65536xi32, #tpu.memory_space<vmem>> -> memref<2048xi32, #tpu.memory_space<vmem>>
      %dma_wait3A_394 = tpu.memref_slice %arg2[%add3A_120] : memref<1310720xi32, #tpu.memory_space<hbm>> -> memref<2048xi32, #tpu.memory_space<hbm>>
      %dma_wait3A_395 = arith.constant 22528 : i32
      %dma_wait3A_396 = tpu.memref_slice %arg5[%dma_wait3A_395] : memref<65536xi32, #tpu.memory_space<vmem>> -> memref<2048xi32, #tpu.memory_space<vmem>>
      %dma_wait3A_397 = tpu.memref_slice %arg2[%add3A_120] : memref<1310720xi32, #tpu.memory_space<hbm>> -> memref<2048xi32, #tpu.memory_space<hbm>>
      tpu.wait_dma2 semaphore(%arg10 : memref<!tpu.dma_semaphore, #tpu.memory_space<semaphore_mem>>) src(%dma_wait3A_397 : memref<2048xi32, #tpu.memory_space<hbm>>) dst(%dma_wait3A_396 : memref<2048xi32, #tpu.memory_space<vmem>>)
      %dma_wait3A_398 = arith.constant 24576 : i32
      %dma_wait3A_399 = tpu.memref_slice %arg5[%dma_wait3A_398] : memref<65536xi32, #tpu.memory_space<vmem>> -> memref<2048xi32, #tpu.memory_space<vmem>>
      %dma_wait3A_400 = tpu.memref_slice %arg2[%add3A_130] : memref<1310720xi32, #tpu.memory_space<hbm>> -> memref<2048xi32, #tpu.memory_space<hbm>>
      %dma_wait3A_401 = arith.constant 24576 : i32
      %dma_wait3A_402 = tpu.memref_slice %arg5[%dma_wait3A_401] : memref<65536xi32, #tpu.memory_space<vmem>> -> memref<2048xi32, #tpu.memory_space<vmem>>
      %dma_wait3A_403 = tpu.memref_slice %arg2[%add3A_130] : memref<1310720xi32, #tpu.memory_space<hbm>> -> memref<2048xi32, #tpu.memory_space<hbm>>
      tpu.wait_dma2 semaphore(%arg10 : memref<!tpu.dma_semaphore, #tpu.memory_space<semaphore_mem>>) src(%dma_wait3A_403 : memref<2048xi32, #tpu.memory_space<hbm>>) dst(%dma_wait3A_402 : memref<2048xi32, #tpu.memory_space<vmem>>)
      %dma_wait3A_404 = arith.constant 26624 : i32
      %dma_wait3A_405 = tpu.memref_slice %arg5[%dma_wait3A_404] : memref<65536xi32, #tpu.memory_space<vmem>> -> memref<2048xi32, #tpu.memory_space<vmem>>
      %dma_wait3A_406 = tpu.memref_slice %arg2[%add3A_140] : memref<1310720xi32, #tpu.memory_space<hbm>> -> memref<2048xi32, #tpu.memory_space<hbm>>
      %dma_wait3A_407 = arith.constant 26624 : i32
      %dma_wait3A_408 = tpu.memref_slice %arg5[%dma_wait3A_407] : memref<65536xi32, #tpu.memory_space<vmem>> -> memref<2048xi32, #tpu.memory_space<vmem>>
      %dma_wait3A_409 = tpu.memref_slice %arg2[%add3A_140] : memref<1310720xi32, #tpu.memory_space<hbm>> -> memref<2048xi32, #tpu.memory_space<hbm>>
      tpu.wait_dma2 semaphore(%arg10 : memref<!tpu.dma_semaphore, #tpu.memory_space<semaphore_mem>>) src(%dma_wait3A_409 : memref<2048xi32, #tpu.memory_space<hbm>>) dst(%dma_wait3A_408 : memref<2048xi32, #tpu.memory_space<vmem>>)
      %dma_wait3A_410 = arith.constant 28672 : i32
      %dma_wait3A_411 = tpu.memref_slice %arg5[%dma_wait3A_410] : memref<65536xi32, #tpu.memory_space<vmem>> -> memref<2048xi32, #tpu.memory_space<vmem>>
      %dma_wait3A_412 = tpu.memref_slice %arg2[%add3A_150] : memref<1310720xi32, #tpu.memory_space<hbm>> -> memref<2048xi32, #tpu.memory_space<hbm>>
      %dma_wait3A_413 = arith.constant 28672 : i32
      %dma_wait3A_414 = tpu.memref_slice %arg5[%dma_wait3A_413] : memref<65536xi32, #tpu.memory_space<vmem>> -> memref<2048xi32, #tpu.memory_space<vmem>>
      %dma_wait3A_415 = tpu.memref_slice %arg2[%add3A_150] : memref<1310720xi32, #tpu.memory_space<hbm>> -> memref<2048xi32, #tpu.memory_space<hbm>>
      tpu.wait_dma2 semaphore(%arg10 : memref<!tpu.dma_semaphore, #tpu.memory_space<semaphore_mem>>) src(%dma_wait3A_415 : memref<2048xi32, #tpu.memory_space<hbm>>) dst(%dma_wait3A_414 : memref<2048xi32, #tpu.memory_space<vmem>>)
      %dma_wait3A_416 = arith.constant 30720 : i32
      %dma_wait3A_417 = tpu.memref_slice %arg5[%dma_wait3A_416] : memref<65536xi32, #tpu.memory_space<vmem>> -> memref<2048xi32, #tpu.memory_space<vmem>>
      %dma_wait3A_418 = tpu.memref_slice %arg2[%add3A_160] : memref<1310720xi32, #tpu.memory_space<hbm>> -> memref<2048xi32, #tpu.memory_space<hbm>>
      %dma_wait3A_419 = arith.constant 30720 : i32
      %dma_wait3A_420 = tpu.memref_slice %arg5[%dma_wait3A_419] : memref<65536xi32, #tpu.memory_space<vmem>> -> memref<2048xi32, #tpu.memory_space<vmem>>
      %dma_wait3A_421 = tpu.memref_slice %arg2[%add3A_160] : memref<1310720xi32, #tpu.memory_space<hbm>> -> memref<2048xi32, #tpu.memory_space<hbm>>
      tpu.wait_dma2 semaphore(%arg10 : memref<!tpu.dma_semaphore, #tpu.memory_space<semaphore_mem>>) src(%dma_wait3A_421 : memref<2048xi32, #tpu.memory_space<hbm>>) dst(%dma_wait3A_420 : memref<2048xi32, #tpu.memory_space<vmem>>)
      %dma_wait3A_422 = arith.constant 32768 : i32
      %dma_wait3A_423 = tpu.memref_slice %arg5[%dma_wait3A_422] : memref<65536xi32, #tpu.memory_space<vmem>> -> memref<2048xi32, #tpu.memory_space<vmem>>
      %dma_wait3A_424 = tpu.memref_slice %arg2[%add3A_170] : memref<1310720xi32, #tpu.memory_space<hbm>> -> memref<2048xi32, #tpu.memory_space<hbm>>
      %dma_wait3A_425 = arith.constant 32768 : i32
      %dma_wait3A_426 = tpu.memref_slice %arg5[%dma_wait3A_425] : memref<65536xi32, #tpu.memory_space<vmem>> -> memref<2048xi32, #tpu.memory_space<vmem>>
      %dma_wait3A_427 = tpu.memref_slice %arg2[%add3A_170] : memref<1310720xi32, #tpu.memory_space<hbm>> -> memref<2048xi32, #tpu.memory_space<hbm>>
      tpu.wait_dma2 semaphore(%arg10 : memref<!tpu.dma_semaphore, #tpu.memory_space<semaphore_mem>>) src(%dma_wait3A_427 : memref<2048xi32, #tpu.memory_space<hbm>>) dst(%dma_wait3A_426 : memref<2048xi32, #tpu.memory_space<vmem>>)
      %dma_wait3A_428 = arith.constant 34816 : i32
      %dma_wait3A_429 = tpu.memref_slice %arg5[%dma_wait3A_428] : memref<65536xi32, #tpu.memory_space<vmem>> -> memref<2048xi32, #tpu.memory_space<vmem>>
      %dma_wait3A_430 = tpu.memref_slice %arg2[%add3A_180] : memref<1310720xi32, #tpu.memory_space<hbm>> -> memref<2048xi32, #tpu.memory_space<hbm>>
      %dma_wait3A_431 = arith.constant 34816 : i32
      %dma_wait3A_432 = tpu.memref_slice %arg5[%dma_wait3A_431] : memref<65536xi32, #tpu.memory_space<vmem>> -> memref<2048xi32, #tpu.memory_space<vmem>>
      %dma_wait3A_433 = tpu.memref_slice %arg2[%add3A_180] : memref<1310720xi32, #tpu.memory_space<hbm>> -> memref<2048xi32, #tpu.memory_space<hbm>>
      tpu.wait_dma2 semaphore(%arg10 : memref<!tpu.dma_semaphore, #tpu.memory_space<semaphore_mem>>) src(%dma_wait3A_433 : memref<2048xi32, #tpu.memory_space<hbm>>) dst(%dma_wait3A_432 : memref<2048xi32, #tpu.memory_space<vmem>>)
      %dma_wait3A_434 = arith.constant 36864 : i32
      %dma_wait3A_435 = tpu.memref_slice %arg5[%dma_wait3A_434] : memref<65536xi32, #tpu.memory_space<vmem>> -> memref<2048xi32, #tpu.memory_space<vmem>>
      %dma_wait3A_436 = tpu.memref_slice %arg2[%add3A_190] : memref<1310720xi32, #tpu.memory_space<hbm>> -> memref<2048xi32, #tpu.memory_space<hbm>>
      %dma_wait3A_437 = arith.constant 36864 : i32
      %dma_wait3A_438 = tpu.memref_slice %arg5[%dma_wait3A_437] : memref<65536xi32, #tpu.memory_space<vmem>> -> memref<2048xi32, #tpu.memory_space<vmem>>
      %dma_wait3A_439 = tpu.memref_slice %arg2[%add3A_190] : memref<1310720xi32, #tpu.memory_space<hbm>> -> memref<2048xi32, #tpu.memory_space<hbm>>
      tpu.wait_dma2 semaphore(%arg10 : memref<!tpu.dma_semaphore, #tpu.memory_space<semaphore_mem>>) src(%dma_wait3A_439 : memref<2048xi32, #tpu.memory_space<hbm>>) dst(%dma_wait3A_438 : memref<2048xi32, #tpu.memory_space<vmem>>)
      %dma_wait3A_440 = arith.constant 38912 : i32
      %dma_wait3A_441 = tpu.memref_slice %arg5[%dma_wait3A_440] : memref<65536xi32, #tpu.memory_space<vmem>> -> memref<2048xi32, #tpu.memory_space<vmem>>
      %dma_wait3A_442 = tpu.memref_slice %arg2[%add3A_200] : memref<1310720xi32, #tpu.memory_space<hbm>> -> memref<2048xi32, #tpu.memory_space<hbm>>
      %dma_wait3A_443 = arith.constant 38912 : i32
      %dma_wait3A_444 = tpu.memref_slice %arg5[%dma_wait3A_443] : memref<65536xi32, #tpu.memory_space<vmem>> -> memref<2048xi32, #tpu.memory_space<vmem>>
      %dma_wait3A_445 = tpu.memref_slice %arg2[%add3A_200] : memref<1310720xi32, #tpu.memory_space<hbm>> -> memref<2048xi32, #tpu.memory_space<hbm>>
      tpu.wait_dma2 semaphore(%arg10 : memref<!tpu.dma_semaphore, #tpu.memory_space<semaphore_mem>>) src(%dma_wait3A_445 : memref<2048xi32, #tpu.memory_space<hbm>>) dst(%dma_wait3A_444 : memref<2048xi32, #tpu.memory_space<vmem>>)
      %dma_wait3A_446 = arith.constant 40960 : i32
      %dma_wait3A_447 = tpu.memref_slice %arg5[%dma_wait3A_446] : memref<65536xi32, #tpu.memory_space<vmem>> -> memref<2048xi32, #tpu.memory_space<vmem>>
      %dma_wait3A_448 = tpu.memref_slice %arg2[%add3A_210] : memref<1310720xi32, #tpu.memory_space<hbm>> -> memref<2048xi32, #tpu.memory_space<hbm>>
      %dma_wait3A_449 = arith.constant 40960 : i32
      %dma_wait3A_450 = tpu.memref_slice %arg5[%dma_wait3A_449] : memref<65536xi32, #tpu.memory_space<vmem>> -> memref<2048xi32, #tpu.memory_space<vmem>>
      %dma_wait3A_451 = tpu.memref_slice %arg2[%add3A_210] : memref<1310720xi32, #tpu.memory_space<hbm>> -> memref<2048xi32, #tpu.memory_space<hbm>>
      tpu.wait_dma2 semaphore(%arg10 : memref<!tpu.dma_semaphore, #tpu.memory_space<semaphore_mem>>) src(%dma_wait3A_451 : memref<2048xi32, #tpu.memory_space<hbm>>) dst(%dma_wait3A_450 : memref<2048xi32, #tpu.memory_space<vmem>>)
      %dma_wait3A_452 = arith.constant 43008 : i32
      %dma_wait3A_453 = tpu.memref_slice %arg5[%dma_wait3A_452] : memref<65536xi32, #tpu.memory_space<vmem>> -> memref<2048xi32, #tpu.memory_space<vmem>>
      %dma_wait3A_454 = tpu.memref_slice %arg2[%add3A_220] : memref<1310720xi32, #tpu.memory_space<hbm>> -> memref<2048xi32, #tpu.memory_space<hbm>>
      %dma_wait3A_455 = arith.constant 43008 : i32
      %dma_wait3A_456 = tpu.memref_slice %arg5[%dma_wait3A_455] : memref<65536xi32, #tpu.memory_space<vmem>> -> memref<2048xi32, #tpu.memory_space<vmem>>
      %dma_wait3A_457 = tpu.memref_slice %arg2[%add3A_220] : memref<1310720xi32, #tpu.memory_space<hbm>> -> memref<2048xi32, #tpu.memory_space<hbm>>
      tpu.wait_dma2 semaphore(%arg10 : memref<!tpu.dma_semaphore, #tpu.memory_space<semaphore_mem>>) src(%dma_wait3A_457 : memref<2048xi32, #tpu.memory_space<hbm>>) dst(%dma_wait3A_456 : memref<2048xi32, #tpu.memory_space<vmem>>)
      %dma_wait3A_458 = arith.constant 45056 : i32
      %dma_wait3A_459 = tpu.memref_slice %arg5[%dma_wait3A_458] : memref<65536xi32, #tpu.memory_space<vmem>> -> memref<2048xi32, #tpu.memory_space<vmem>>
      %dma_wait3A_460 = tpu.memref_slice %arg2[%add3A_230] : memref<1310720xi32, #tpu.memory_space<hbm>> -> memref<2048xi32, #tpu.memory_space<hbm>>
      %dma_wait3A_461 = arith.constant 45056 : i32
      %dma_wait3A_462 = tpu.memref_slice %arg5[%dma_wait3A_461] : memref<65536xi32, #tpu.memory_space<vmem>> -> memref<2048xi32, #tpu.memory_space<vmem>>
      %dma_wait3A_463 = tpu.memref_slice %arg2[%add3A_230] : memref<1310720xi32, #tpu.memory_space<hbm>> -> memref<2048xi32, #tpu.memory_space<hbm>>
      tpu.wait_dma2 semaphore(%arg10 : memref<!tpu.dma_semaphore, #tpu.memory_space<semaphore_mem>>) src(%dma_wait3A_463 : memref<2048xi32, #tpu.memory_space<hbm>>) dst(%dma_wait3A_462 : memref<2048xi32, #tpu.memory_space<vmem>>)
      %dma_wait3A_464 = arith.constant 47104 : i32
      %dma_wait3A_465 = tpu.memref_slice %arg5[%dma_wait3A_464] : memref<65536xi32, #tpu.memory_space<vmem>> -> memref<2048xi32, #tpu.memory_space<vmem>>
      %dma_wait3A_466 = tpu.memref_slice %arg2[%add3A_240] : memref<1310720xi32, #tpu.memory_space<hbm>> -> memref<2048xi32, #tpu.memory_space<hbm>>
      %dma_wait3A_467 = arith.constant 47104 : i32
      %dma_wait3A_468 = tpu.memref_slice %arg5[%dma_wait3A_467] : memref<65536xi32, #tpu.memory_space<vmem>> -> memref<2048xi32, #tpu.memory_space<vmem>>
      %dma_wait3A_469 = tpu.memref_slice %arg2[%add3A_240] : memref<1310720xi32, #tpu.memory_space<hbm>> -> memref<2048xi32, #tpu.memory_space<hbm>>
      tpu.wait_dma2 semaphore(%arg10 : memref<!tpu.dma_semaphore, #tpu.memory_space<semaphore_mem>>) src(%dma_wait3A_469 : memref<2048xi32, #tpu.memory_space<hbm>>) dst(%dma_wait3A_468 : memref<2048xi32, #tpu.memory_space<vmem>>)
      %dma_wait3A_470 = arith.constant 49152 : i32
      %dma_wait3A_471 = tpu.memref_slice %arg5[%dma_wait3A_470] : memref<65536xi32, #tpu.memory_space<vmem>> -> memref<2048xi32, #tpu.memory_space<vmem>>
      %dma_wait3A_472 = tpu.memref_slice %arg2[%add3A_250] : memref<1310720xi32, #tpu.memory_space<hbm>> -> memref<2048xi32, #tpu.memory_space<hbm>>
      %dma_wait3A_473 = arith.constant 49152 : i32
      %dma_wait3A_474 = tpu.memref_slice %arg5[%dma_wait3A_473] : memref<65536xi32, #tpu.memory_space<vmem>> -> memref<2048xi32, #tpu.memory_space<vmem>>
      %dma_wait3A_475 = tpu.memref_slice %arg2[%add3A_250] : memref<1310720xi32, #tpu.memory_space<hbm>> -> memref<2048xi32, #tpu.memory_space<hbm>>
      tpu.wait_dma2 semaphore(%arg10 : memref<!tpu.dma_semaphore, #tpu.memory_space<semaphore_mem>>) src(%dma_wait3A_475 : memref<2048xi32, #tpu.memory_space<hbm>>) dst(%dma_wait3A_474 : memref<2048xi32, #tpu.memory_space<vmem>>)
      %dma_wait3A_476 = arith.constant 51200 : i32
      %dma_wait3A_477 = tpu.memref_slice %arg5[%dma_wait3A_476] : memref<65536xi32, #tpu.memory_space<vmem>> -> memref<2048xi32, #tpu.memory_space<vmem>>
      %dma_wait3A_478 = tpu.memref_slice %arg2[%add3A_260] : memref<1310720xi32, #tpu.memory_space<hbm>> -> memref<2048xi32, #tpu.memory_space<hbm>>
      %dma_wait3A_479 = arith.constant 51200 : i32
      %dma_wait3A_480 = tpu.memref_slice %arg5[%dma_wait3A_479] : memref<65536xi32, #tpu.memory_space<vmem>> -> memref<2048xi32, #tpu.memory_space<vmem>>
      %dma_wait3A_481 = tpu.memref_slice %arg2[%add3A_260] : memref<1310720xi32, #tpu.memory_space<hbm>> -> memref<2048xi32, #tpu.memory_space<hbm>>
      tpu.wait_dma2 semaphore(%arg10 : memref<!tpu.dma_semaphore, #tpu.memory_space<semaphore_mem>>) src(%dma_wait3A_481 : memref<2048xi32, #tpu.memory_space<hbm>>) dst(%dma_wait3A_480 : memref<2048xi32, #tpu.memory_space<vmem>>)
      %dma_wait3A_482 = arith.constant 53248 : i32
      %dma_wait3A_483 = tpu.memref_slice %arg5[%dma_wait3A_482] : memref<65536xi32, #tpu.memory_space<vmem>> -> memref<2048xi32, #tpu.memory_space<vmem>>
      %dma_wait3A_484 = tpu.memref_slice %arg2[%add3A_270] : memref<1310720xi32, #tpu.memory_space<hbm>> -> memref<2048xi32, #tpu.memory_space<hbm>>
      %dma_wait3A_485 = arith.constant 53248 : i32
      %dma_wait3A_486 = tpu.memref_slice %arg5[%dma_wait3A_485] : memref<65536xi32, #tpu.memory_space<vmem>> -> memref<2048xi32, #tpu.memory_space<vmem>>
      %dma_wait3A_487 = tpu.memref_slice %arg2[%add3A_270] : memref<1310720xi32, #tpu.memory_space<hbm>> -> memref<2048xi32, #tpu.memory_space<hbm>>
      tpu.wait_dma2 semaphore(%arg10 : memref<!tpu.dma_semaphore, #tpu.memory_space<semaphore_mem>>) src(%dma_wait3A_487 : memref<2048xi32, #tpu.memory_space<hbm>>) dst(%dma_wait3A_486 : memref<2048xi32, #tpu.memory_space<vmem>>)
      %dma_wait3A_488 = arith.constant 55296 : i32
      %dma_wait3A_489 = tpu.memref_slice %arg5[%dma_wait3A_488] : memref<65536xi32, #tpu.memory_space<vmem>> -> memref<2048xi32, #tpu.memory_space<vmem>>
      %dma_wait3A_490 = tpu.memref_slice %arg2[%add3A_280] : memref<1310720xi32, #tpu.memory_space<hbm>> -> memref<2048xi32, #tpu.memory_space<hbm>>
      %dma_wait3A_491 = arith.constant 55296 : i32
      %dma_wait3A_492 = tpu.memref_slice %arg5[%dma_wait3A_491] : memref<65536xi32, #tpu.memory_space<vmem>> -> memref<2048xi32, #tpu.memory_space<vmem>>
      %dma_wait3A_493 = tpu.memref_slice %arg2[%add3A_280] : memref<1310720xi32, #tpu.memory_space<hbm>> -> memref<2048xi32, #tpu.memory_space<hbm>>
      tpu.wait_dma2 semaphore(%arg10 : memref<!tpu.dma_semaphore, #tpu.memory_space<semaphore_mem>>) src(%dma_wait3A_493 : memref<2048xi32, #tpu.memory_space<hbm>>) dst(%dma_wait3A_492 : memref<2048xi32, #tpu.memory_space<vmem>>)
      %dma_wait3A_494 = arith.constant 57344 : i32
      %dma_wait3A_495 = tpu.memref_slice %arg5[%dma_wait3A_494] : memref<65536xi32, #tpu.memory_space<vmem>> -> memref<2048xi32, #tpu.memory_space<vmem>>
      %dma_wait3A_496 = tpu.memref_slice %arg2[%add3A_290] : memref<1310720xi32, #tpu.memory_space<hbm>> -> memref<2048xi32, #tpu.memory_space<hbm>>
      %dma_wait3A_497 = arith.constant 57344 : i32
      %dma_wait3A_498 = tpu.memref_slice %arg5[%dma_wait3A_497] : memref<65536xi32, #tpu.memory_space<vmem>> -> memref<2048xi32, #tpu.memory_space<vmem>>
      %dma_wait3A_499 = tpu.memref_slice %arg2[%add3A_290] : memref<1310720xi32, #tpu.memory_space<hbm>> -> memref<2048xi32, #tpu.memory_space<hbm>>
      tpu.wait_dma2 semaphore(%arg10 : memref<!tpu.dma_semaphore, #tpu.memory_space<semaphore_mem>>) src(%dma_wait3A_499 : memref<2048xi32, #tpu.memory_space<hbm>>) dst(%dma_wait3A_498 : memref<2048xi32, #tpu.memory_space<vmem>>)
      %dma_wait3A_500 = arith.constant 59392 : i32
      %dma_wait3A_501 = tpu.memref_slice %arg5[%dma_wait3A_500] : memref<65536xi32, #tpu.memory_space<vmem>> -> memref<2048xi32, #tpu.memory_space<vmem>>
      %dma_wait3A_502 = tpu.memref_slice %arg2[%add3A_300] : memref<1310720xi32, #tpu.memory_space<hbm>> -> memref<2048xi32, #tpu.memory_space<hbm>>
      %dma_wait3A_503 = arith.constant 59392 : i32
      %dma_wait3A_504 = tpu.memref_slice %arg5[%dma_wait3A_503] : memref<65536xi32, #tpu.memory_space<vmem>> -> memref<2048xi32, #tpu.memory_space<vmem>>
      %dma_wait3A_505 = tpu.memref_slice %arg2[%add3A_300] : memref<1310720xi32, #tpu.memory_space<hbm>> -> memref<2048xi32, #tpu.memory_space<hbm>>
      tpu.wait_dma2 semaphore(%arg10 : memref<!tpu.dma_semaphore, #tpu.memory_space<semaphore_mem>>) src(%dma_wait3A_505 : memref<2048xi32, #tpu.memory_space<hbm>>) dst(%dma_wait3A_504 : memref<2048xi32, #tpu.memory_space<vmem>>)
      %dma_wait3A_506 = arith.constant 61440 : i32
      %dma_wait3A_507 = tpu.memref_slice %arg5[%dma_wait3A_506] : memref<65536xi32, #tpu.memory_space<vmem>> -> memref<2048xi32, #tpu.memory_space<vmem>>
      %dma_wait3A_508 = tpu.memref_slice %arg2[%add3A_310] : memref<1310720xi32, #tpu.memory_space<hbm>> -> memref<2048xi32, #tpu.memory_space<hbm>>
      %dma_wait3A_509 = arith.constant 61440 : i32
      %dma_wait3A_510 = tpu.memref_slice %arg5[%dma_wait3A_509] : memref<65536xi32, #tpu.memory_space<vmem>> -> memref<2048xi32, #tpu.memory_space<vmem>>
      %dma_wait3A_511 = tpu.memref_slice %arg2[%add3A_310] : memref<1310720xi32, #tpu.memory_space<hbm>> -> memref<2048xi32, #tpu.memory_space<hbm>>
      tpu.wait_dma2 semaphore(%arg10 : memref<!tpu.dma_semaphore, #tpu.memory_space<semaphore_mem>>) src(%dma_wait3A_511 : memref<2048xi32, #tpu.memory_space<hbm>>) dst(%dma_wait3A_510 : memref<2048xi32, #tpu.memory_space<vmem>>)
      %dma_wait3A_512 = arith.constant 63488 : i32
      %dma_wait3A_513 = tpu.memref_slice %arg5[%dma_wait3A_512] : memref<65536xi32, #tpu.memory_space<vmem>> -> memref<2048xi32, #tpu.memory_space<vmem>>
      %dma_wait3A_514 = tpu.memref_slice %arg2[%add3A_320] : memref<1310720xi32, #tpu.memory_space<hbm>> -> memref<2048xi32, #tpu.memory_space<hbm>>
      %dma_wait3A_515 = arith.constant 63488 : i32
      %dma_wait3A_516 = tpu.memref_slice %arg5[%dma_wait3A_515] : memref<65536xi32, #tpu.memory_space<vmem>> -> memref<2048xi32, #tpu.memory_space<vmem>>
      %dma_wait3A_517 = tpu.memref_slice %arg2[%add3A_320] : memref<1310720xi32, #tpu.memory_space<hbm>> -> memref<2048xi32, #tpu.memory_space<hbm>>
      tpu.wait_dma2 semaphore(%arg10 : memref<!tpu.dma_semaphore, #tpu.memory_space<semaphore_mem>>) src(%dma_wait3A_517 : memref<2048xi32, #tpu.memory_space<hbm>>) dst(%dma_wait3A_516 : memref<2048xi32, #tpu.memory_space<vmem>>)
      %scan3A = arith.constant 0 : i32
      %scan3A_518 = arith.constant 128 : i32
      %scan3A_519 = arith.addi %scan3A, %scan3A_518 : i32
      %scan3A_520 = arith.constant 1 : i32
      %scan3A_521 = scf.for %scan3A_560 = %scan3A to %scan3A_519 step %scan3A_520 iter_args(%scan3A_561 = %broadcast_in_dim3A_1) -> (vector<16xi32>)  : i32 {
        %mul3A_562 = arith.constant 16 : i32
        %mul3A_563 = arith.muli %scan3A_560, %mul3A_562 : i32
        %add3A_564 = arith.constant 0 : i32
        %add3A_565 = arith.addi %add3A_564, %mul3A_563 : i32
        %get3A = arith.index_cast %add3A_565 : i32 to index
        %get3A_566 = tpu.vector_load %arg5[%get3A] {strides = array<i32>} : memref<65536xi32, #tpu.memory_space<vmem>>, vector<16xi32>,
        %shift_right_arithmetic3A = arith.constant 16 : i32
        %shift_right_arithmetic3A_567 = vector.broadcast %shift_right_arithmetic3A : i32 to vector<16xi32>
        %shift_right_arithmetic3A_568 = arith.shrsi %get3A_566, %shift_right_arithmetic3A_567 : vector<16xi32>
        %add3A_569 = arith.addi %broadcast_in_dim3A_1, %shift_right_arithmetic3A_568 : vector<16xi32>
        %and3A = arith.constant 65535 : i32
        %and3A_570 = vector.broadcast %and3A : i32 to vector<16xi32>
        %and3A_571 = arith.andi %get3A_566, %and3A_570 : vector<16xi32>
        %add3A_572 = arith.addi %broadcast_in_dim3A_1, %and3A_571 : vector<16xi32>
        %mul3A_573 = arith.constant 16 : i32
        %mul3A_574 = arith.muli %scan3A_560, %mul3A_573 : i32
        %add3A_575 = arith.constant 2048 : i32
        %add3A_576 = arith.addi %add3A_575, %mul3A_574 : i32
        %get3A_577 = arith.index_cast %add3A_576 : i32 to index
        %get3A_578 = tpu.vector_load %arg5[%get3A_577] {strides = array<i32>} : memref<65536xi32, #tpu.memory_space<vmem>>, vector<16xi32>,
        %shift_right_arithmetic3A_579 = arith.constant 16 : i32
        %shift_right_arithmetic3A_580 = vector.broadcast %shift_right_arithmetic3A_579 : i32 to vector<16xi32>
        %shift_right_arithmetic3A_581 = arith.shrsi %get3A_578, %shift_right_arithmetic3A_580 : vector<16xi32>
        %add3A_582 = arith.addi %add3A_569, %shift_right_arithmetic3A_581 : vector<16xi32>
        %and3A_583 = arith.constant 65535 : i32
        %and3A_584 = vector.broadcast %and3A_583 : i32 to vector<16xi32>
        %and3A_585 = arith.andi %get3A_578, %and3A_584 : vector<16xi32>
        %add3A_586 = arith.addi %add3A_572, %and3A_585 : vector<16xi32>
        %mul3A_587 = arith.constant 16 : i32
        %mul3A_588 = arith.muli %scan3A_560, %mul3A_587 : i32
        %add3A_589 = arith.constant 4096 : i32
        %add3A_590 = arith.addi %add3A_589, %mul3A_588 : i32
        %get3A_591 = arith.index_cast %add3A_590 : i32 to index
        %get3A_592 = tpu.vector_load %arg5[%get3A_591] {strides = array<i32>} : memref<65536xi32, #tpu.memory_space<vmem>>, vector<16xi32>,
        %shift_right_arithmetic3A_593 = arith.constant 16 : i32
        %shift_right_arithmetic3A_594 = vector.broadcast %shift_right_arithmetic3A_593 : i32 to vector<16xi32>
        %shift_right_arithmetic3A_595 = arith.shrsi %get3A_592, %shift_right_arithmetic3A_594 : vector<16xi32>
        %add3A_596 = arith.addi %add3A_582, %shift_right_arithmetic3A_595 : vector<16xi32>
        %and3A_597 = arith.constant 65535 : i32
        %and3A_598 = vector.broadcast %and3A_597 : i32 to vector<16xi32>
        %and3A_599 = arith.andi %get3A_592, %and3A_598 : vector<16xi32>
        %add3A_600 = arith.addi %add3A_586, %and3A_599 : vector<16xi32>
        %mul3A_601 = arith.constant 16 : i32
        %mul3A_602 = arith.muli %scan3A_560, %mul3A_601 : i32
        %add3A_603 = arith.constant 6144 : i32
        %add3A_604 = arith.addi %add3A_603, %mul3A_602 : i32
        %get3A_605 = arith.index_cast %add3A_604 : i32 to index
        %get3A_606 = tpu.vector_load %arg5[%get3A_605] {strides = array<i32>} : memref<65536xi32, #tpu.memory_space<vmem>>, vector<16xi32>,
        %shift_right_arithmetic3A_607 = arith.constant 16 : i32
        %shift_right_arithmetic3A_608 = vector.broadcast %shift_right_arithmetic3A_607 : i32 to vector<16xi32>
        %shift_right_arithmetic3A_609 = arith.shrsi %get3A_606, %shift_right_arithmetic3A_608 : vector<16xi32>
        %add3A_610 = arith.addi %add3A_596, %shift_right_arithmetic3A_609 : vector<16xi32>
        %and3A_611 = arith.constant 65535 : i32
        %and3A_612 = vector.broadcast %and3A_611 : i32 to vector<16xi32>
        %and3A_613 = arith.andi %get3A_606, %and3A_612 : vector<16xi32>
        %add3A_614 = arith.addi %add3A_600, %and3A_613 : vector<16xi32>
        %mul3A_615 = arith.constant 16 : i32
        %mul3A_616 = arith.muli %scan3A_560, %mul3A_615 : i32
        %add3A_617 = arith.constant 8192 : i32
        %add3A_618 = arith.addi %add3A_617, %mul3A_616 : i32
        %get3A_619 = arith.index_cast %add3A_618 : i32 to index
        %get3A_620 = tpu.vector_load %arg5[%get3A_619] {strides = array<i32>} : memref<65536xi32, #tpu.memory_space<vmem>>, vector<16xi32>,
        %shift_right_arithmetic3A_621 = arith.constant 16 : i32
        %shift_right_arithmetic3A_622 = vector.broadcast %shift_right_arithmetic3A_621 : i32 to vector<16xi32>
        %shift_right_arithmetic3A_623 = arith.shrsi %get3A_620, %shift_right_arithmetic3A_622 : vector<16xi32>
        %add3A_624 = arith.addi %add3A_610, %shift_right_arithmetic3A_623 : vector<16xi32>
        %and3A_625 = arith.constant 65535 : i32
        %and3A_626 = vector.broadcast %and3A_625 : i32 to vector<16xi32>
        %and3A_627 = arith.andi %get3A_620, %and3A_626 : vector<16xi32>
        %add3A_628 = arith.addi %add3A_614, %and3A_627 : vector<16xi32>
        %mul3A_629 = arith.constant 16 : i32
        %mul3A_630 = arith.muli %scan3A_560, %mul3A_629 : i32
        %add3A_631 = arith.constant 10240 : i32
        %add3A_632 = arith.addi %add3A_631, %mul3A_630 : i32
        %get3A_633 = arith.index_cast %add3A_632 : i32 to index
        %get3A_634 = tpu.vector_load %arg5[%get3A_633] {strides = array<i32>} : memref<65536xi32, #tpu.memory_space<vmem>>, vector<16xi32>,
        %shift_right_arithmetic3A_635 = arith.constant 16 : i32
        %shift_right_arithmetic3A_636 = vector.broadcast %shift_right_arithmetic3A_635 : i32 to vector<16xi32>
        %shift_right_arithmetic3A_637 = arith.shrsi %get3A_634, %shift_right_arithmetic3A_636 : vector<16xi32>
        %add3A_638 = arith.addi %add3A_624, %shift_right_arithmetic3A_637 : vector<16xi32>
        %and3A_639 = arith.constant 65535 : i32
        %and3A_640 = vector.broadcast %and3A_639 : i32 to vector<16xi32>
        %and3A_641 = arith.andi %get3A_634, %and3A_640 : vector<16xi32>
        %add3A_642 = arith.addi %add3A_628, %and3A_641 : vector<16xi32>
        %mul3A_643 = arith.constant 16 : i32
        %mul3A_644 = arith.muli %scan3A_560, %mul3A_643 : i32
        %add3A_645 = arith.constant 12288 : i32
        %add3A_646 = arith.addi %add3A_645, %mul3A_644 : i32
        %get3A_647 = arith.index_cast %add3A_646 : i32 to index
        %get3A_648 = tpu.vector_load %arg5[%get3A_647] {strides = array<i32>} : memref<65536xi32, #tpu.memory_space<vmem>>, vector<16xi32>,
        %shift_right_arithmetic3A_649 = arith.constant 16 : i32
        %shift_right_arithmetic3A_650 = vector.broadcast %shift_right_arithmetic3A_649 : i32 to vector<16xi32>
        %shift_right_arithmetic3A_651 = arith.shrsi %get3A_648, %shift_right_arithmetic3A_650 : vector<16xi32>
        %add3A_652 = arith.addi %add3A_638, %shift_right_arithmetic3A_651 : vector<16xi32>
        %and3A_653 = arith.constant 65535 : i32
        %and3A_654 = vector.broadcast %and3A_653 : i32 to vector<16xi32>
        %and3A_655 = arith.andi %get3A_648, %and3A_654 : vector<16xi32>
        %add3A_656 = arith.addi %add3A_642, %and3A_655 : vector<16xi32>
        %mul3A_657 = arith.constant 16 : i32
        %mul3A_658 = arith.muli %scan3A_560, %mul3A_657 : i32
        %add3A_659 = arith.constant 14336 : i32
        %add3A_660 = arith.addi %add3A_659, %mul3A_658 : i32
        %get3A_661 = arith.index_cast %add3A_660 : i32 to index
        %get3A_662 = tpu.vector_load %arg5[%get3A_661] {strides = array<i32>} : memref<65536xi32, #tpu.memory_space<vmem>>, vector<16xi32>,
        %shift_right_arithmetic3A_663 = arith.constant 16 : i32
        %shift_right_arithmetic3A_664 = vector.broadcast %shift_right_arithmetic3A_663 : i32 to vector<16xi32>
        %shift_right_arithmetic3A_665 = arith.shrsi %get3A_662, %shift_right_arithmetic3A_664 : vector<16xi32>
        %add3A_666 = arith.addi %add3A_652, %shift_right_arithmetic3A_665 : vector<16xi32>
        %and3A_667 = arith.constant 65535 : i32
        %and3A_668 = vector.broadcast %and3A_667 : i32 to vector<16xi32>
        %and3A_669 = arith.andi %get3A_662, %and3A_668 : vector<16xi32>
        %add3A_670 = arith.addi %add3A_656, %and3A_669 : vector<16xi32>
        %mul3A_671 = arith.constant 16 : i32
        %mul3A_672 = arith.muli %scan3A_560, %mul3A_671 : i32
        %add3A_673 = arith.constant 16384 : i32
        %add3A_674 = arith.addi %add3A_673, %mul3A_672 : i32
        %get3A_675 = arith.index_cast %add3A_674 : i32 to index
        %get3A_676 = tpu.vector_load %arg5[%get3A_675] {strides = array<i32>} : memref<65536xi32, #tpu.memory_space<vmem>>, vector<16xi32>,
        %shift_right_arithmetic3A_677 = arith.constant 16 : i32
        %shift_right_arithmetic3A_678 = vector.broadcast %shift_right_arithmetic3A_677 : i32 to vector<16xi32>
        %shift_right_arithmetic3A_679 = arith.shrsi %get3A_676, %shift_right_arithmetic3A_678 : vector<16xi32>
        %add3A_680 = arith.addi %add3A_666, %shift_right_arithmetic3A_679 : vector<16xi32>
        %and3A_681 = arith.constant 65535 : i32
        %and3A_682 = vector.broadcast %and3A_681 : i32 to vector<16xi32>
        %and3A_683 = arith.andi %get3A_676, %and3A_682 : vector<16xi32>
        %add3A_684 = arith.addi %add3A_670, %and3A_683 : vector<16xi32>
        %mul3A_685 = arith.constant 16 : i32
        %mul3A_686 = arith.muli %scan3A_560, %mul3A_685 : i32
        %add3A_687 = arith.constant 18432 : i32
        %add3A_688 = arith.addi %add3A_687, %mul3A_686 : i32
        %get3A_689 = arith.index_cast %add3A_688 : i32 to index
        %get3A_690 = tpu.vector_load %arg5[%get3A_689] {strides = array<i32>} : memref<65536xi32, #tpu.memory_space<vmem>>, vector<16xi32>,
        %shift_right_arithmetic3A_691 = arith.constant 16 : i32
        %shift_right_arithmetic3A_692 = vector.broadcast %shift_right_arithmetic3A_691 : i32 to vector<16xi32>
        %shift_right_arithmetic3A_693 = arith.shrsi %get3A_690, %shift_right_arithmetic3A_692 : vector<16xi32>
        %add3A_694 = arith.addi %add3A_680, %shift_right_arithmetic3A_693 : vector<16xi32>
        %and3A_695 = arith.constant 65535 : i32
        %and3A_696 = vector.broadcast %and3A_695 : i32 to vector<16xi32>
        %and3A_697 = arith.andi %get3A_690, %and3A_696 : vector<16xi32>
        %add3A_698 = arith.addi %add3A_684, %and3A_697 : vector<16xi32>
        %mul3A_699 = arith.constant 16 : i32
        %mul3A_700 = arith.muli %scan3A_560, %mul3A_699 : i32
        %add3A_701 = arith.constant 20480 : i32
        %add3A_702 = arith.addi %add3A_701, %mul3A_700 : i32
        %get3A_703 = arith.index_cast %add3A_702 : i32 to index
        %get3A_704 = tpu.vector_load %arg5[%get3A_703] {strides = array<i32>} : memref<65536xi32, #tpu.memory_space<vmem>>, vector<16xi32>,
        %shift_right_arithmetic3A_705 = arith.constant 16 : i32
        %shift_right_arithmetic3A_706 = vector.broadcast %shift_right_arithmetic3A_705 : i32 to vector<16xi32>
        %shift_right_arithmetic3A_707 = arith.shrsi %get3A_704, %shift_right_arithmetic3A_706 : vector<16xi32>
        %add3A_708 = arith.addi %add3A_694, %shift_right_arithmetic3A_707 : vector<16xi32>
        %and3A_709 = arith.constant 65535 : i32
        %and3A_710 = vector.broadcast %and3A_709 : i32 to vector<16xi32>
        %and3A_711 = arith.andi %get3A_704, %and3A_710 : vector<16xi32>
        %add3A_712 = arith.addi %add3A_698, %and3A_711 : vector<16xi32>
        %mul3A_713 = arith.constant 16 : i32
        %mul3A_714 = arith.muli %scan3A_560, %mul3A_713 : i32
        %add3A_715 = arith.constant 22528 : i32
        %add3A_716 = arith.addi %add3A_715, %mul3A_714 : i32
        %get3A_717 = arith.index_cast %add3A_716 : i32 to index
        %get3A_718 = tpu.vector_load %arg5[%get3A_717] {strides = array<i32>} : memref<65536xi32, #tpu.memory_space<vmem>>, vector<16xi32>,
        %shift_right_arithmetic3A_719 = arith.constant 16 : i32
        %shift_right_arithmetic3A_720 = vector.broadcast %shift_right_arithmetic3A_719 : i32 to vector<16xi32>
        %shift_right_arithmetic3A_721 = arith.shrsi %get3A_718, %shift_right_arithmetic3A_720 : vector<16xi32>
        %add3A_722 = arith.addi %add3A_708, %shift_right_arithmetic3A_721 : vector<16xi32>
        %and3A_723 = arith.constant 65535 : i32
        %and3A_724 = vector.broadcast %and3A_723 : i32 to vector<16xi32>
        %and3A_725 = arith.andi %get3A_718, %and3A_724 : vector<16xi32>
        %add3A_726 = arith.addi %add3A_712, %and3A_725 : vector<16xi32>
        %mul3A_727 = arith.constant 16 : i32
        %mul3A_728 = arith.muli %scan3A_560, %mul3A_727 : i32
        %add3A_729 = arith.constant 24576 : i32
        %add3A_730 = arith.addi %add3A_729, %mul3A_728 : i32
        %get3A_731 = arith.index_cast %add3A_730 : i32 to index
        %get3A_732 = tpu.vector_load %arg5[%get3A_731] {strides = array<i32>} : memref<65536xi32, #tpu.memory_space<vmem>>, vector<16xi32>,
        %shift_right_arithmetic3A_733 = arith.constant 16 : i32
        %shift_right_arithmetic3A_734 = vector.broadcast %shift_right_arithmetic3A_733 : i32 to vector<16xi32>
        %shift_right_arithmetic3A_735 = arith.shrsi %get3A_732, %shift_right_arithmetic3A_734 : vector<16xi32>
        %add3A_736 = arith.addi %add3A_722, %shift_right_arithmetic3A_735 : vector<16xi32>
        %and3A_737 = arith.constant 65535 : i32
        %and3A_738 = vector.broadcast %and3A_737 : i32 to vector<16xi32>
        %and3A_739 = arith.andi %get3A_732, %and3A_738 : vector<16xi32>
        %add3A_740 = arith.addi %add3A_726, %and3A_739 : vector<16xi32>
        %mul3A_741 = arith.constant 16 : i32
        %mul3A_742 = arith.muli %scan3A_560, %mul3A_741 : i32
        %add3A_743 = arith.constant 26624 : i32
        %add3A_744 = arith.addi %add3A_743, %mul3A_742 : i32
        %get3A_745 = arith.index_cast %add3A_744 : i32 to index
        %get3A_746 = tpu.vector_load %arg5[%get3A_745] {strides = array<i32>} : memref<65536xi32, #tpu.memory_space<vmem>>, vector<16xi32>,
        %shift_right_arithmetic3A_747 = arith.constant 16 : i32
        %shift_right_arithmetic3A_748 = vector.broadcast %shift_right_arithmetic3A_747 : i32 to vector<16xi32>
        %shift_right_arithmetic3A_749 = arith.shrsi %get3A_746, %shift_right_arithmetic3A_748 : vector<16xi32>
        %add3A_750 = arith.addi %add3A_736, %shift_right_arithmetic3A_749 : vector<16xi32>
        %and3A_751 = arith.constant 65535 : i32
        %and3A_752 = vector.broadcast %and3A_751 : i32 to vector<16xi32>
        %and3A_753 = arith.andi %get3A_746, %and3A_752 : vector<16xi32>
        %add3A_754 = arith.addi %add3A_740, %and3A_753 : vector<16xi32>
        %mul3A_755 = arith.constant 16 : i32
        %mul3A_756 = arith.muli %scan3A_560, %mul3A_755 : i32
        %add3A_757 = arith.constant 28672 : i32
        %add3A_758 = arith.addi %add3A_757, %mul3A_756 : i32
        %get3A_759 = arith.index_cast %add3A_758 : i32 to index
        %get3A_760 = tpu.vector_load %arg5[%get3A_759] {strides = array<i32>} : memref<65536xi32, #tpu.memory_space<vmem>>, vector<16xi32>,
        %shift_right_arithmetic3A_761 = arith.constant 16 : i32
        %shift_right_arithmetic3A_762 = vector.broadcast %shift_right_arithmetic3A_761 : i32 to vector<16xi32>
        %shift_right_arithmetic3A_763 = arith.shrsi %get3A_760, %shift_right_arithmetic3A_762 : vector<16xi32>
        %add3A_764 = arith.addi %add3A_750, %shift_right_arithmetic3A_763 : vector<16xi32>
        %and3A_765 = arith.constant 65535 : i32
        %and3A_766 = vector.broadcast %and3A_765 : i32 to vector<16xi32>
        %and3A_767 = arith.andi %get3A_760, %and3A_766 : vector<16xi32>
        %add3A_768 = arith.addi %add3A_754, %and3A_767 : vector<16xi32>
        %mul3A_769 = arith.constant 16 : i32
        %mul3A_770 = arith.muli %scan3A_560, %mul3A_769 : i32
        %add3A_771 = arith.constant 30720 : i32
        %add3A_772 = arith.addi %add3A_771, %mul3A_770 : i32
        %get3A_773 = arith.index_cast %add3A_772 : i32 to index
        %get3A_774 = tpu.vector_load %arg5[%get3A_773] {strides = array<i32>} : memref<65536xi32, #tpu.memory_space<vmem>>, vector<16xi32>,
        %shift_right_arithmetic3A_775 = arith.constant 16 : i32
        %shift_right_arithmetic3A_776 = vector.broadcast %shift_right_arithmetic3A_775 : i32 to vector<16xi32>
        %shift_right_arithmetic3A_777 = arith.shrsi %get3A_774, %shift_right_arithmetic3A_776 : vector<16xi32>
        %add3A_778 = arith.addi %add3A_764, %shift_right_arithmetic3A_777 : vector<16xi32>
        %and3A_779 = arith.constant 65535 : i32
        %and3A_780 = vector.broadcast %and3A_779 : i32 to vector<16xi32>
        %and3A_781 = arith.andi %get3A_774, %and3A_780 : vector<16xi32>
        %add3A_782 = arith.addi %add3A_768, %and3A_781 : vector<16xi32>
        %mul3A_783 = arith.constant 16 : i32
        %mul3A_784 = arith.muli %scan3A_560, %mul3A_783 : i32
        %add3A_785 = arith.constant 32768 : i32
        %add3A_786 = arith.addi %add3A_785, %mul3A_784 : i32
        %get3A_787 = arith.index_cast %add3A_786 : i32 to index
        %get3A_788 = tpu.vector_load %arg5[%get3A_787] {strides = array<i32>} : memref<65536xi32, #tpu.memory_space<vmem>>, vector<16xi32>,
        %shift_right_arithmetic3A_789 = arith.constant 16 : i32
        %shift_right_arithmetic3A_790 = vector.broadcast %shift_right_arithmetic3A_789 : i32 to vector<16xi32>
        %shift_right_arithmetic3A_791 = arith.shrsi %get3A_788, %shift_right_arithmetic3A_790 : vector<16xi32>
        %add3A_792 = arith.addi %add3A_778, %shift_right_arithmetic3A_791 : vector<16xi32>
        %and3A_793 = arith.constant 65535 : i32
        %and3A_794 = vector.broadcast %and3A_793 : i32 to vector<16xi32>
        %and3A_795 = arith.andi %get3A_788, %and3A_794 : vector<16xi32>
        %add3A_796 = arith.addi %add3A_782, %and3A_795 : vector<16xi32>
        %mul3A_797 = arith.constant 16 : i32
        %mul3A_798 = arith.muli %scan3A_560, %mul3A_797 : i32
        %add3A_799 = arith.constant 34816 : i32
        %add3A_800 = arith.addi %add3A_799, %mul3A_798 : i32
        %get3A_801 = arith.index_cast %add3A_800 : i32 to index
        %get3A_802 = tpu.vector_load %arg5[%get3A_801] {strides = array<i32>} : memref<65536xi32, #tpu.memory_space<vmem>>, vector<16xi32>,
        %shift_right_arithmetic3A_803 = arith.constant 16 : i32
        %shift_right_arithmetic3A_804 = vector.broadcast %shift_right_arithmetic3A_803 : i32 to vector<16xi32>
        %shift_right_arithmetic3A_805 = arith.shrsi %get3A_802, %shift_right_arithmetic3A_804 : vector<16xi32>
        %add3A_806 = arith.addi %add3A_792, %shift_right_arithmetic3A_805 : vector<16xi32>
        %and3A_807 = arith.constant 65535 : i32
        %and3A_808 = vector.broadcast %and3A_807 : i32 to vector<16xi32>
        %and3A_809 = arith.andi %get3A_802, %and3A_808 : vector<16xi32>
        %add3A_810 = arith.addi %add3A_796, %and3A_809 : vector<16xi32>
        %mul3A_811 = arith.constant 16 : i32
        %mul3A_812 = arith.muli %scan3A_560, %mul3A_811 : i32
        %add3A_813 = arith.constant 36864 : i32
        %add3A_814 = arith.addi %add3A_813, %mul3A_812 : i32
        %get3A_815 = arith.index_cast %add3A_814 : i32 to index
        %get3A_816 = tpu.vector_load %arg5[%get3A_815] {strides = array<i32>} : memref<65536xi32, #tpu.memory_space<vmem>>, vector<16xi32>,
        %shift_right_arithmetic3A_817 = arith.constant 16 : i32
        %shift_right_arithmetic3A_818 = vector.broadcast %shift_right_arithmetic3A_817 : i32 to vector<16xi32>
        %shift_right_arithmetic3A_819 = arith.shrsi %get3A_816, %shift_right_arithmetic3A_818 : vector<16xi32>
        %add3A_820 = arith.addi %add3A_806, %shift_right_arithmetic3A_819 : vector<16xi32>
        %and3A_821 = arith.constant 65535 : i32
        %and3A_822 = vector.broadcast %and3A_821 : i32 to vector<16xi32>
        %and3A_823 = arith.andi %get3A_816, %and3A_822 : vector<16xi32>
        %add3A_824 = arith.addi %add3A_810, %and3A_823 : vector<16xi32>
        %mul3A_825 = arith.constant 16 : i32
        %mul3A_826 = arith.muli %scan3A_560, %mul3A_825 : i32
        %add3A_827 = arith.constant 38912 : i32
        %add3A_828 = arith.addi %add3A_827, %mul3A_826 : i32
        %get3A_829 = arith.index_cast %add3A_828 : i32 to index
        %get3A_830 = tpu.vector_load %arg5[%get3A_829] {strides = array<i32>} : memref<65536xi32, #tpu.memory_space<vmem>>, vector<16xi32>,
        %shift_right_arithmetic3A_831 = arith.constant 16 : i32
        %shift_right_arithmetic3A_832 = vector.broadcast %shift_right_arithmetic3A_831 : i32 to vector<16xi32>
        %shift_right_arithmetic3A_833 = arith.shrsi %get3A_830, %shift_right_arithmetic3A_832 : vector<16xi32>
        %add3A_834 = arith.addi %add3A_820, %shift_right_arithmetic3A_833 : vector<16xi32>
        %and3A_835 = arith.constant 65535 : i32
        %and3A_836 = vector.broadcast %and3A_835 : i32 to vector<16xi32>
        %and3A_837 = arith.andi %get3A_830, %and3A_836 : vector<16xi32>
        %add3A_838 = arith.addi %add3A_824, %and3A_837 : vector<16xi32>
        %mul3A_839 = arith.constant 16 : i32
        %mul3A_840 = arith.muli %scan3A_560, %mul3A_839 : i32
        %add3A_841 = arith.constant 40960 : i32
        %add3A_842 = arith.addi %add3A_841, %mul3A_840 : i32
        %get3A_843 = arith.index_cast %add3A_842 : i32 to index
        %get3A_844 = tpu.vector_load %arg5[%get3A_843] {strides = array<i32>} : memref<65536xi32, #tpu.memory_space<vmem>>, vector<16xi32>,
        %shift_right_arithmetic3A_845 = arith.constant 16 : i32
        %shift_right_arithmetic3A_846 = vector.broadcast %shift_right_arithmetic3A_845 : i32 to vector<16xi32>
        %shift_right_arithmetic3A_847 = arith.shrsi %get3A_844, %shift_right_arithmetic3A_846 : vector<16xi32>
        %add3A_848 = arith.addi %add3A_834, %shift_right_arithmetic3A_847 : vector<16xi32>
        %and3A_849 = arith.constant 65535 : i32
        %and3A_850 = vector.broadcast %and3A_849 : i32 to vector<16xi32>
        %and3A_851 = arith.andi %get3A_844, %and3A_850 : vector<16xi32>
        %add3A_852 = arith.addi %add3A_838, %and3A_851 : vector<16xi32>
        %mul3A_853 = arith.constant 16 : i32
        %mul3A_854 = arith.muli %scan3A_560, %mul3A_853 : i32
        %add3A_855 = arith.constant 43008 : i32
        %add3A_856 = arith.addi %add3A_855, %mul3A_854 : i32
        %get3A_857 = arith.index_cast %add3A_856 : i32 to index
        %get3A_858 = tpu.vector_load %arg5[%get3A_857] {strides = array<i32>} : memref<65536xi32, #tpu.memory_space<vmem>>, vector<16xi32>,
        %shift_right_arithmetic3A_859 = arith.constant 16 : i32
        %shift_right_arithmetic3A_860 = vector.broadcast %shift_right_arithmetic3A_859 : i32 to vector<16xi32>
        %shift_right_arithmetic3A_861 = arith.shrsi %get3A_858, %shift_right_arithmetic3A_860 : vector<16xi32>
        %add3A_862 = arith.addi %add3A_848, %shift_right_arithmetic3A_861 : vector<16xi32>
        %and3A_863 = arith.constant 65535 : i32
        %and3A_864 = vector.broadcast %and3A_863 : i32 to vector<16xi32>
        %and3A_865 = arith.andi %get3A_858, %and3A_864 : vector<16xi32>
        %add3A_866 = arith.addi %add3A_852, %and3A_865 : vector<16xi32>
        %mul3A_867 = arith.constant 16 : i32
        %mul3A_868 = arith.muli %scan3A_560, %mul3A_867 : i32
        %add3A_869 = arith.constant 45056 : i32
        %add3A_870 = arith.addi %add3A_869, %mul3A_868 : i32
        %get3A_871 = arith.index_cast %add3A_870 : i32 to index
        %get3A_872 = tpu.vector_load %arg5[%get3A_871] {strides = array<i32>} : memref<65536xi32, #tpu.memory_space<vmem>>, vector<16xi32>,
        %shift_right_arithmetic3A_873 = arith.constant 16 : i32
        %shift_right_arithmetic3A_874 = vector.broadcast %shift_right_arithmetic3A_873 : i32 to vector<16xi32>
        %shift_right_arithmetic3A_875 = arith.shrsi %get3A_872, %shift_right_arithmetic3A_874 : vector<16xi32>
        %add3A_876 = arith.addi %add3A_862, %shift_right_arithmetic3A_875 : vector<16xi32>
        %and3A_877 = arith.constant 65535 : i32
        %and3A_878 = vector.broadcast %and3A_877 : i32 to vector<16xi32>
        %and3A_879 = arith.andi %get3A_872, %and3A_878 : vector<16xi32>
        %add3A_880 = arith.addi %add3A_866, %and3A_879 : vector<16xi32>
        %mul3A_881 = arith.constant 16 : i32
        %mul3A_882 = arith.muli %scan3A_560, %mul3A_881 : i32
        %add3A_883 = arith.constant 47104 : i32
        %add3A_884 = arith.addi %add3A_883, %mul3A_882 : i32
        %get3A_885 = arith.index_cast %add3A_884 : i32 to index
        %get3A_886 = tpu.vector_load %arg5[%get3A_885] {strides = array<i32>} : memref<65536xi32, #tpu.memory_space<vmem>>, vector<16xi32>,
        %shift_right_arithmetic3A_887 = arith.constant 16 : i32
        %shift_right_arithmetic3A_888 = vector.broadcast %shift_right_arithmetic3A_887 : i32 to vector<16xi32>
        %shift_right_arithmetic3A_889 = arith.shrsi %get3A_886, %shift_right_arithmetic3A_888 : vector<16xi32>
        %add3A_890 = arith.addi %add3A_876, %shift_right_arithmetic3A_889 : vector<16xi32>
        %and3A_891 = arith.constant 65535 : i32
        %and3A_892 = vector.broadcast %and3A_891 : i32 to vector<16xi32>
        %and3A_893 = arith.andi %get3A_886, %and3A_892 : vector<16xi32>
        %add3A_894 = arith.addi %add3A_880, %and3A_893 : vector<16xi32>
        %mul3A_895 = arith.constant 16 : i32
        %mul3A_896 = arith.muli %scan3A_560, %mul3A_895 : i32
        %add3A_897 = arith.constant 49152 : i32
        %add3A_898 = arith.addi %add3A_897, %mul3A_896 : i32
        %get3A_899 = arith.index_cast %add3A_898 : i32 to index
        %get3A_900 = tpu.vector_load %arg5[%get3A_899] {strides = array<i32>} : memref<65536xi32, #tpu.memory_space<vmem>>, vector<16xi32>,
        %shift_right_arithmetic3A_901 = arith.constant 16 : i32
        %shift_right_arithmetic3A_902 = vector.broadcast %shift_right_arithmetic3A_901 : i32 to vector<16xi32>
        %shift_right_arithmetic3A_903 = arith.shrsi %get3A_900, %shift_right_arithmetic3A_902 : vector<16xi32>
        %add3A_904 = arith.addi %add3A_890, %shift_right_arithmetic3A_903 : vector<16xi32>
        %and3A_905 = arith.constant 65535 : i32
        %and3A_906 = vector.broadcast %and3A_905 : i32 to vector<16xi32>
        %and3A_907 = arith.andi %get3A_900, %and3A_906 : vector<16xi32>
        %add3A_908 = arith.addi %add3A_894, %and3A_907 : vector<16xi32>
        %mul3A_909 = arith.constant 16 : i32
        %mul3A_910 = arith.muli %scan3A_560, %mul3A_909 : i32
        %add3A_911 = arith.constant 51200 : i32
        %add3A_912 = arith.addi %add3A_911, %mul3A_910 : i32
        %get3A_913 = arith.index_cast %add3A_912 : i32 to index
        %get3A_914 = tpu.vector_load %arg5[%get3A_913] {strides = array<i32>} : memref<65536xi32, #tpu.memory_space<vmem>>, vector<16xi32>,
        %shift_right_arithmetic3A_915 = arith.constant 16 : i32
        %shift_right_arithmetic3A_916 = vector.broadcast %shift_right_arithmetic3A_915 : i32 to vector<16xi32>
        %shift_right_arithmetic3A_917 = arith.shrsi %get3A_914, %shift_right_arithmetic3A_916 : vector<16xi32>
        %add3A_918 = arith.addi %add3A_904, %shift_right_arithmetic3A_917 : vector<16xi32>
        %and3A_919 = arith.constant 65535 : i32
        %and3A_920 = vector.broadcast %and3A_919 : i32 to vector<16xi32>
        %and3A_921 = arith.andi %get3A_914, %and3A_920 : vector<16xi32>
        %add3A_922 = arith.addi %add3A_908, %and3A_921 : vector<16xi32>
        %mul3A_923 = arith.constant 16 : i32
        %mul3A_924 = arith.muli %scan3A_560, %mul3A_923 : i32
        %add3A_925 = arith.constant 53248 : i32
        %add3A_926 = arith.addi %add3A_925, %mul3A_924 : i32
        %get3A_927 = arith.index_cast %add3A_926 : i32 to index
        %get3A_928 = tpu.vector_load %arg5[%get3A_927] {strides = array<i32>} : memref<65536xi32, #tpu.memory_space<vmem>>, vector<16xi32>,
        %shift_right_arithmetic3A_929 = arith.constant 16 : i32
        %shift_right_arithmetic3A_930 = vector.broadcast %shift_right_arithmetic3A_929 : i32 to vector<16xi32>
        %shift_right_arithmetic3A_931 = arith.shrsi %get3A_928, %shift_right_arithmetic3A_930 : vector<16xi32>
        %add3A_932 = arith.addi %add3A_918, %shift_right_arithmetic3A_931 : vector<16xi32>
        %and3A_933 = arith.constant 65535 : i32
        %and3A_934 = vector.broadcast %and3A_933 : i32 to vector<16xi32>
        %and3A_935 = arith.andi %get3A_928, %and3A_934 : vector<16xi32>
        %add3A_936 = arith.addi %add3A_922, %and3A_935 : vector<16xi32>
        %mul3A_937 = arith.constant 16 : i32
        %mul3A_938 = arith.muli %scan3A_560, %mul3A_937 : i32
        %add3A_939 = arith.constant 55296 : i32
        %add3A_940 = arith.addi %add3A_939, %mul3A_938 : i32
        %get3A_941 = arith.index_cast %add3A_940 : i32 to index
        %get3A_942 = tpu.vector_load %arg5[%get3A_941] {strides = array<i32>} : memref<65536xi32, #tpu.memory_space<vmem>>, vector<16xi32>,
        %shift_right_arithmetic3A_943 = arith.constant 16 : i32
        %shift_right_arithmetic3A_944 = vector.broadcast %shift_right_arithmetic3A_943 : i32 to vector<16xi32>
        %shift_right_arithmetic3A_945 = arith.shrsi %get3A_942, %shift_right_arithmetic3A_944 : vector<16xi32>
        %add3A_946 = arith.addi %add3A_932, %shift_right_arithmetic3A_945 : vector<16xi32>
        %and3A_947 = arith.constant 65535 : i32
        %and3A_948 = vector.broadcast %and3A_947 : i32 to vector<16xi32>
        %and3A_949 = arith.andi %get3A_942, %and3A_948 : vector<16xi32>
        %add3A_950 = arith.addi %add3A_936, %and3A_949 : vector<16xi32>
        %mul3A_951 = arith.constant 16 : i32
        %mul3A_952 = arith.muli %scan3A_560, %mul3A_951 : i32
        %add3A_953 = arith.constant 57344 : i32
        %add3A_954 = arith.addi %add3A_953, %mul3A_952 : i32
        %get3A_955 = arith.index_cast %add3A_954 : i32 to index
        %get3A_956 = tpu.vector_load %arg5[%get3A_955] {strides = array<i32>} : memref<65536xi32, #tpu.memory_space<vmem>>, vector<16xi32>,
        %shift_right_arithmetic3A_957 = arith.constant 16 : i32
        %shift_right_arithmetic3A_958 = vector.broadcast %shift_right_arithmetic3A_957 : i32 to vector<16xi32>
        %shift_right_arithmetic3A_959 = arith.shrsi %get3A_956, %shift_right_arithmetic3A_958 : vector<16xi32>
        %add3A_960 = arith.addi %add3A_946, %shift_right_arithmetic3A_959 : vector<16xi32>
        %and3A_961 = arith.constant 65535 : i32
        %and3A_962 = vector.broadcast %and3A_961 : i32 to vector<16xi32>
        %and3A_963 = arith.andi %get3A_956, %and3A_962 : vector<16xi32>
        %add3A_964 = arith.addi %add3A_950, %and3A_963 : vector<16xi32>
        %mul3A_965 = arith.constant 16 : i32
        %mul3A_966 = arith.muli %scan3A_560, %mul3A_965 : i32
        %add3A_967 = arith.constant 59392 : i32
        %add3A_968 = arith.addi %add3A_967, %mul3A_966 : i32
        %get3A_969 = arith.index_cast %add3A_968 : i32 to index
        %get3A_970 = tpu.vector_load %arg5[%get3A_969] {strides = array<i32>} : memref<65536xi32, #tpu.memory_space<vmem>>, vector<16xi32>,
        %shift_right_arithmetic3A_971 = arith.constant 16 : i32
        %shift_right_arithmetic3A_972 = vector.broadcast %shift_right_arithmetic3A_971 : i32 to vector<16xi32>
        %shift_right_arithmetic3A_973 = arith.shrsi %get3A_970, %shift_right_arithmetic3A_972 : vector<16xi32>
        %add3A_974 = arith.addi %add3A_960, %shift_right_arithmetic3A_973 : vector<16xi32>
        %and3A_975 = arith.constant 65535 : i32
        %and3A_976 = vector.broadcast %and3A_975 : i32 to vector<16xi32>
        %and3A_977 = arith.andi %get3A_970, %and3A_976 : vector<16xi32>
        %add3A_978 = arith.addi %add3A_964, %and3A_977 : vector<16xi32>
        %mul3A_979 = arith.constant 16 : i32
        %mul3A_980 = arith.muli %scan3A_560, %mul3A_979 : i32
        %add3A_981 = arith.constant 61440 : i32
        %add3A_982 = arith.addi %add3A_981, %mul3A_980 : i32
        %get3A_983 = arith.index_cast %add3A_982 : i32 to index
        %get3A_984 = tpu.vector_load %arg5[%get3A_983] {strides = array<i32>} : memref<65536xi32, #tpu.memory_space<vmem>>, vector<16xi32>,
        %shift_right_arithmetic3A_985 = arith.constant 16 : i32
        %shift_right_arithmetic3A_986 = vector.broadcast %shift_right_arithmetic3A_985 : i32 to vector<16xi32>
        %shift_right_arithmetic3A_987 = arith.shrsi %get3A_984, %shift_right_arithmetic3A_986 : vector<16xi32>
        %add3A_988 = arith.addi %add3A_974, %shift_right_arithmetic3A_987 : vector<16xi32>
        %and3A_989 = arith.constant 65535 : i32
        %and3A_990 = vector.broadcast %and3A_989 : i32 to vector<16xi32>
        %and3A_991 = arith.andi %get3A_984, %and3A_990 : vector<16xi32>
        %add3A_992 = arith.addi %add3A_978, %and3A_991 : vector<16xi32>
        %mul3A_993 = arith.constant 16 : i32
        %mul3A_994 = arith.muli %scan3A_560, %mul3A_993 : i32
        %add3A_995 = arith.constant 63488 : i32
        %add3A_996 = arith.addi %add3A_995, %mul3A_994 : i32
        %get3A_997 = arith.index_cast %add3A_996 : i32 to index
        %get3A_998 = tpu.vector_load %arg5[%get3A_997] {strides = array<i32>} : memref<65536xi32, #tpu.memory_space<vmem>>, vector<16xi32>,
        %shift_right_arithmetic3A_999 = arith.constant 16 : i32
        %shift_right_arithmetic3A_1000 = vector.broadcast %shift_right_arithmetic3A_999 : i32 to vector<16xi32>
        %shift_right_arithmetic3A_1001 = arith.shrsi %get3A_998, %shift_right_arithmetic3A_1000 : vector<16xi32>
        %add3A_1002 = arith.addi %add3A_988, %shift_right_arithmetic3A_1001 : vector<16xi32>
        %and3A_1003 = arith.constant 65535 : i32
        %and3A_1004 = vector.broadcast %and3A_1003 : i32 to vector<16xi32>
        %and3A_1005 = arith.andi %get3A_998, %and3A_1004 : vector<16xi32>
        %add3A_1006 = arith.addi %add3A_992, %and3A_1005 : vector<16xi32>
        %mul3A_1007 = arith.constant 16 : i32
        %mul3A_1008 = arith.muli %scan3A_560, %mul3A_1007 : i32
        %swap3A_1009 = arith.index_cast %mul3A_1008 : i32 to index
        %swap3A_1010 = tpu.vector_load %arg6[%swap3A_1009] {strides = array<i32>} : memref<2048xi32, #tpu.memory_space<vmem>>, vector<16xi32>,
        tpu.vector_store %arg6[%swap3A_1009], %add3A_1002 {strides = array<i32>} : memref<2048xi32, #tpu.memory_space<vmem>>, vector<16xi32>,
        %mul3A_1011 = arith.constant 16 : i32
        %mul3A_1012 = arith.muli %scan3A_560, %mul3A_1011 : i32
        %swap3A_1013 = arith.index_cast %mul3A_1012 : i32 to index
        %swap3A_1014 = tpu.vector_load %arg7[%swap3A_1013] {strides = array<i32>} : memref<2048xi32, #tpu.memory_space<vmem>>, vector<16xi32>,
        tpu.vector_store %arg7[%swap3A_1013], %add3A_1006 {strides = array<i32>} : memref<2048xi32, #tpu.memory_space<vmem>>, vector<16xi32>,
        %add3A_1015 = arith.addi %scan3A_561, %add3A_1006 : vector<16xi32>
        scf.yield %add3A_1015 : vector<16xi32>
      }
      %scan3A_522 = arith.constant 128 : i32
      %reduce_sum3A = arith.constant true
      %reduce_sum3A_523 = vector.broadcast %reduce_sum3A : i1 to vector<16xi1>
      %reduce_sum3A_524 = tpu.scan <sum>, %scan3A_521 masked %reduce_sum3A_523 : vector<16xi32>, vector<16xi1> -> vector<16xi32>
      %reduce_sum3A_525 = vector.extract %reduce_sum3A_524[15] : i32 from vector<16xi32>
      %convert_element_type3A_526 = arith.sitofp %reduce_sum3A_525 : i32 to f32
      %broadcast_in_dim3A_527 = arith.constant 0.000000e+00 : f32
      %broadcast_in_dim3A_528 = vector.broadcast %broadcast_in_dim3A_527 : f32 to vector<16xf32>
      %scan3A_529 = arith.constant 0 : i32
      %scan3A_530 = arith.constant 0 : i32
      %scan3A_531 = arith.constant 0 : i32
      %scan3A_532 = arith.constant 128 : i32
      %scan3A_533 = arith.addi %scan3A_531, %scan3A_532 : i32
      %scan3A_534 = arith.constant 1 : i32
      %scan3A_535:3 = scf.for %scan3A_560 = %scan3A_531 to %scan3A_533 step %scan3A_534 iter_args(%scan3A_561 = %scan3A_529, %scan3A_562 = %scan3A_530, %scan3A_563 = %broadcast_in_dim3A_528) -> (i32, i32, vector<16xf32>)  : i32 {
        %sub3A = arith.constant 127 : i32
        %sub3A_564 = arith.subi %sub3A, %scan3A_560 : i32
        %mul3A_565 = arith.constant 16 : i32
        %mul3A_566 = arith.muli %sub3A_564, %mul3A_565 : i32
        %get3A = arith.index_cast %mul3A_566 : i32 to index
        %get3A_567 = tpu.vector_load %arg6[%get3A] {strides = array<i32>} : memref<2048xi32, #tpu.memory_space<vmem>>, vector<16xi32>,
        %rev3A = arith.constant 15 : i32
        %rev3A_568 = vector.broadcast %rev3A : i32 to vector<16xi32>
        %rev3A_569 = tpu.iota {dimensions = array<i32: 0>} : vector<16xi32>
        %rev3A_570 = arith.subi %rev3A_568, %rev3A_569 : vector<16xi32>
        %rev3A_571 = tpu.dynamic_gather %get3A_567[%rev3A_570] in [0] : vector<16xi32>, vector<16xi32> -> vector<16xi32>
        %mul3A_572 = arith.constant 16 : i32
        %mul3A_573 = arith.muli %sub3A_564, %mul3A_572 : i32
        %get3A_574 = arith.index_cast %mul3A_573 : i32 to index
        %get3A_575 = tpu.vector_load %arg7[%get3A_574] {strides = array<i32>} : memref<2048xi32, #tpu.memory_space<vmem>>, vector<16xi32>,
        %rev3A_576 = arith.constant 15 : i32
        %rev3A_577 = vector.broadcast %rev3A_576 : i32 to vector<16xi32>
        %rev3A_578 = tpu.iota {dimensions = array<i32: 0>} : vector<16xi32>
        %rev3A_579 = arith.subi %rev3A_577, %rev3A_578 : vector<16xi32>
        %rev3A_580 = tpu.dynamic_gather %get3A_575[%rev3A_579] in [0] : vector<16xi32>, vector<16xi32> -> vector<16xi32>
        %broadcast_in_dim3A_581 = arith.constant true
        %broadcast_in_dim3A_582 = vector.broadcast %broadcast_in_dim3A_581 : i1 to vector<16xi1>
        %masked_cumsum3A = tpu.scan <sum>, %rev3A_571 masked %broadcast_in_dim3A_582 : vector<16xi32>, vector<16xi1> -> vector<16xi32>
        %add3A_583 = vector.broadcast %scan3A_561 : i32 to vector<16xi32>
        %add3A_584 = arith.addi %masked_cumsum3A, %add3A_583 : vector<16xi32>
        %broadcast_in_dim3A_585 = arith.constant true
        %broadcast_in_dim3A_586 = vector.broadcast %broadcast_in_dim3A_585 : i1 to vector<16xi1>
        %masked_cumsum3A_587 = tpu.scan <sum>, %rev3A_580 masked %broadcast_in_dim3A_586 : vector<16xi32>, vector<16xi1> -> vector<16xi32>
        %add3A_588 = vector.broadcast %scan3A_562 : i32 to vector<16xi32>
        %add3A_589 = arith.addi %masked_cumsum3A_587, %add3A_588 : vector<16xi32>
        %convert_element_type3A_590 = arith.sitofp %add3A_584 : vector<16xi32> to vector<16xf32>
        %convert_element_type3A_591 = arith.sitofp %add3A_589 : vector<16xi32> to vector<16xf32>
        %convert_element_type3A_592 = arith.sitofp %rev3A_571 : vector<16xi32> to vector<16xf32>
        %sub3A_593 = arith.subf %convert_element_type3A_590, %convert_element_type3A_592 : vector<16xf32>
        %convert_element_type3A_594 = arith.sitofp %rev3A_580 : vector<16xi32> to vector<16xf32>
        %sub3A_595 = arith.subf %convert_element_type3A_591, %convert_element_type3A_594 : vector<16xf32>
        %sub3A_596 = vector.broadcast %convert_element_type3A_526 : f32 to vector<16xf32>
        %sub3A_597 = arith.subf %sub3A_596, %convert_element_type3A_591 : vector<16xf32>
        %add3A_598 = vector.broadcast %convert_element_type3A_526 : f32 to vector<16xf32>
        %add3A_599 = arith.addf %add3A_598, %convert_element_type3A_590 : vector<16xf32>
        %sub3A_600 = arith.subf %add3A_599, %convert_element_type3A_591 : vector<16xf32>
        %div3A = arith.divf %sub3A_597, %sub3A_600 : vector<16xf32>
        %sub3A_601 = arith.constant 1.000000e+00 : f32
        %sub3A_602 = vector.broadcast %sub3A_601 : f32 to vector<16xf32>
        %sub3A_603 = arith.subf %sub3A_602, %div3A : vector<16xf32>
        %sub3A_604 = vector.broadcast %convert_element_type3A_526 : f32 to vector<16xf32>
        %sub3A_605 = arith.subf %sub3A_604, %sub3A_595 : vector<16xf32>
        %add3A_606 = vector.broadcast %convert_element_type3A_526 : f32 to vector<16xf32>
        %add3A_607 = arith.addf %add3A_606, %sub3A_593 : vector<16xf32>
        %sub3A_608 = arith.subf %add3A_607, %sub3A_595 : vector<16xf32>
        %div3A_609 = arith.divf %sub3A_605, %sub3A_608 : vector<16xf32>
        %sub3A_610 = arith.constant 1.000000e+00 : f32
        %sub3A_611 = vector.broadcast %sub3A_610 : f32 to vector<16xf32>
        %sub3A_612 = arith.subf %sub3A_611, %div3A_609 : vector<16xf32>
        %mul3A_613 = arith.constant 16 : i32
        %mul3A_614 = arith.muli %sub3A_564, %mul3A_613 : i32
        %add3A_615 = arith.constant 15 : i32
        %add3A_616 = arith.addi %mul3A_614, %add3A_615 : i32
        %sub3A_617 = vector.broadcast %add3A_616 : i32 to vector<16xi32>
        %sub3A_618 = arith.subi %sub3A_617, %iota3A : vector<16xi32>
        %convert_element_type3A_619 = arith.sitofp %sub3A_618 : vector<16xi32> to vector<16xf32>
        %add3A_620 = arith.constant 5.000000e-01 : f32
        %add3A_621 = vector.broadcast %add3A_620 : f32 to vector<16xf32>
        %add3A_622 = arith.addf %convert_element_type3A_619, %add3A_621 : vector<16xf32>
        %mul3A_623 = arith.constant 4.8828125E-4 : f32
        %mul3A_624 = vector.broadcast %mul3A_623 : f32 to vector<16xf32>
        %mul3A_625 = arith.mulf %add3A_622, %mul3A_624 : vector<16xf32>
        %sub3A_626 = arith.subf %sub3A_603, %sub3A_612 : vector<16xf32>
        %mul3A_627 = arith.mulf %mul3A_625, %sub3A_626 : vector<16xf32>
        %add3A_628 = arith.addf %scan3A_563, %mul3A_627 : vector<16xf32>
        %reduce_max3A = arith.constant true
        %reduce_max3A_629 = vector.broadcast %reduce_max3A : i1 to vector<16xi1>
        %reduce_max3A_630 = arith.constant -2147483648 : i32
        %reduce_max3A_631 = vector.broadcast %reduce_max3A_630 : i32 to vector<16xi32>
        %reduce_max3A_632 = arith.xori %add3A_584, %reduce_max3A_631 : vector<16xi32>
        %reduce_max3A_633 = tpu.scan <max>, %reduce_max3A_632 masked %reduce_max3A_629 : vector<16xi32>, vector<16xi1> -> vector<16xi32>
        %reduce_max3A_634 = arith.xori %reduce_max3A_633, %reduce_max3A_631 : vector<16xi32>
        %reduce_max3A_635 = vector.extract %reduce_max3A_634[15] : i32 from vector<16xi32>
        %reduce_max3A_636 = arith.constant true
        %reduce_max3A_637 = vector.broadcast %reduce_max3A_636 : i1 to vector<16xi1>
        %reduce_max3A_638 = arith.constant -2147483648 : i32
        %reduce_max3A_639 = vector.broadcast %reduce_max3A_638 : i32 to vector<16xi32>
        %reduce_max3A_640 = arith.xori %add3A_589, %reduce_max3A_639 : vector<16xi32>
        %reduce_max3A_641 = tpu.scan <max>, %reduce_max3A_640 masked %reduce_max3A_637 : vector<16xi32>, vector<16xi1> -> vector<16xi32>
        %reduce_max3A_642 = arith.xori %reduce_max3A_641, %reduce_max3A_639 : vector<16xi32>
        %reduce_max3A_643 = vector.extract %reduce_max3A_642[15] : i32 from vector<16xi32>
        scf.yield %reduce_max3A_635, %reduce_max3A_643, %add3A_628 : i32, i32, vector<16xf32>
      }
      %scan3A_536 = arith.constant 128 : i32
      %reduce_sum3A_537 = arith.constant true
      %reduce_sum3A_538 = vector.broadcast %reduce_sum3A_537 : i1 to vector<16xi1>
      %reduce_sum3A_539 = tpu.scan <sum>, %scan3A_535#2 masked %reduce_sum3A_538 : vector<16xf32>, vector<16xi1> -> vector<16xf32>
      %reduce_sum3A_540 = vector.extract %reduce_sum3A_539[15] : f32 from vector<16xf32>
      %gt3A = arith.constant 0 : i32
      %gt3A_541 = arith.cmpi sgt, %reduce_sum3A_525, %gt3A : i32
      %jit3A = arith.constant 0.000000e+00 : f32
      %select_n3A = arith.select %gt3A_541, %reduce_sum3A_540, %jit3A : f32
      %jit3A_542 = arith.constant 1.000000e+00 : f32
      %jit3A_543 = arith.constant 0.000000e+00 : f32
      %select_n3A_544 = arith.select %gt3A_541, %jit3A_542, %jit3A_543 : f32
      %eq3A_545 = arith.constant 0 : i32
      %eq3A_546 = vector.broadcast %eq3A_545 : i32 to vector<16xi32>
      %eq3A_547 = arith.cmpi eq, %iota3A, %eq3A_546 : vector<16xi32>
      %eq3A_548 = arith.constant 1 : i32
      %eq3A_549 = vector.broadcast %eq3A_548 : i32 to vector<16xi32>
      %eq3A_550 = arith.cmpi eq, %iota3A, %eq3A_549 : vector<16xi32>
      %jit3A_551 = arith.constant 0.000000e+00 : f32
      %broadcast_in_dim3A_552 = vector.broadcast %select_n3A_544 : f32 to vector<16xf32>
      %broadcast_in_dim3A_553 = vector.broadcast %jit3A_551 : f32 to vector<16xf32>
      %select_n3A_554 = arith.select %eq3A_550, %broadcast_in_dim3A_552, %broadcast_in_dim3A_553 : vector<16xi1>, vector<16xf32>
      %broadcast_in_dim3A_555 = vector.broadcast %select_n3A : f32 to vector<16xf32>
      %select_n3A_556 = arith.select %eq3A_547, %broadcast_in_dim3A_555, %select_n3A_554 : vector<16xi1>, vector<16xf32>
      %swap3A = arith.constant 0 : index
      %swap3A_557 = tpu.vector_load %arg9[%swap3A] {strides = array<i32>} : memref<16xf32, #tpu.memory_space<vmem>>, vector<16xf32>,
      tpu.vector_store %arg9[%swap3A], %select_n3A_556 {strides = array<i32>} : memref<16xf32, #tpu.memory_space<vmem>>, vector<16xf32>,
      %mul3A_558 = arith.constant 16 : i32
      %mul3A_559 = arith.muli %add3A, %mul3A_558 : i32
      "tpu.region"() ({
        %run_scoped3A = tpu.sem_alloc : memref<!tpu.dma_semaphore, #tpu.memory_space<semaphore_mem>>
        %dma_start3A_560 = tpu.memref_slice %arg4[%mul3A_559] : memref<352xf32, #tpu.memory_space<hbm>> -> memref<16xf32, #tpu.memory_space<hbm>>
        %dma_start3A_561 = tpu.memref_slice %arg4[%mul3A_559] : memref<352xf32, #tpu.memory_space<hbm>> -> memref<16xf32, #tpu.memory_space<hbm>>
        tpu.enqueue_dma source(%arg9 : memref<16xf32, #tpu.memory_space<vmem>>) target(%dma_start3A_561 : memref<16xf32, #tpu.memory_space<hbm>>) target_semaphore(%run_scoped3A : memref<!tpu.dma_semaphore, #tpu.memory_space<semaphore_mem>>)
        %dma_wait3A_562 = tpu.memref_slice %arg4[%mul3A_559] : memref<352xf32, #tpu.memory_space<hbm>> -> memref<16xf32, #tpu.memory_space<hbm>>
        %dma_wait3A_563 = tpu.memref_slice %arg4[%mul3A_559] : memref<352xf32, #tpu.memory_space<hbm>> -> memref<16xf32, #tpu.memory_space<hbm>>
        tpu.wait_dma2 semaphore(%run_scoped3A : memref<!tpu.dma_semaphore, #tpu.memory_space<semaphore_mem>>) src(%arg9 : memref<16xf32, #tpu.memory_space<vmem>>) dst(%dma_wait3A_563 : memref<16xf32, #tpu.memory_space<hbm>>)
        tpu.yield
      }) : () -> ()
    } else {
    }
    %eq3A = arith.constant 20 : i32
    %eq3A_4 = arith.cmpi eq, %add3A, %eq3A : i32
    %convert_element_type3A_5 = arith.extui %eq3A_4 : i1 to i32
    %cond3A_6 = arith.constant 0 : i32
    %cond3A_7 = arith.cmpi ne, %convert_element_type3A_5, %cond3A_6 : i32
    scf.if %cond3A_7 {
      "tpu.region"() ({
        %run_scoped3A = tpu.sem_alloc : memref<!tpu.dma_semaphore, #tpu.memory_space<semaphore_mem>>
        tpu.enqueue_dma source(%arg3 : memref<1024xf32, #tpu.memory_space<hbm>>) target(%arg8 : memref<1024xf32, #tpu.memory_space<vmem>>) target_semaphore(%run_scoped3A : memref<!tpu.dma_semaphore, #tpu.memory_space<semaphore_mem>>)
        tpu.wait_dma2 semaphore(%run_scoped3A : memref<!tpu.dma_semaphore, #tpu.memory_space<semaphore_mem>>) src(%arg3 : memref<1024xf32, #tpu.memory_space<hbm>>) dst(%arg8 : memref<1024xf32, #tpu.memory_space<vmem>>)
        tpu.yield
      }) : () -> ()
      %broadcast_in_dim3A_8 = arith.constant 0.000000e+00 : f32
      %broadcast_in_dim3A_9 = vector.broadcast %broadcast_in_dim3A_8 : f32 to vector<16xf32>
      %scan3A = arith.constant 0 : i32
      %scan3A_10 = arith.constant 32 : i32
      %scan3A_11 = arith.addi %scan3A, %scan3A_10 : i32
      %scan3A_12 = arith.constant 1 : i32
      %scan3A_13:2 = scf.for %scan3A_18 = %scan3A to %scan3A_11 step %scan3A_12 iter_args(%scan3A_19 = %broadcast_in_dim3A_9, %scan3A_20 = %broadcast_in_dim3A_9) -> (vector<16xf32>, vector<16xf32>)  : i32 {
        %mul3A_21 = arith.constant 2 : i32
        %mul3A_22 = arith.muli %scan3A_18, %mul3A_21 : i32
        %mul3A_23 = arith.constant 16 : i32
        %mul3A_24 = arith.muli %mul3A_22, %mul3A_23 : i32
        %get3A = arith.index_cast %mul3A_24 : i32 to index
        %get3A_25 = tpu.vector_load %arg8[%get3A] {strides = array<i32>} : memref<1024xf32, #tpu.memory_space<vmem>>, vector<16xf32>,
        %add3A_26 = arith.addf %scan3A_19, %get3A_25 : vector<16xf32>
        %mul3A_27 = arith.constant 2 : i32
        %mul3A_28 = arith.muli %scan3A_18, %mul3A_27 : i32
        %mul3A_29 = arith.constant 16 : i32
        %mul3A_30 = arith.muli %mul3A_28, %mul3A_29 : i32
        %add3A_31 = arith.constant 16 : i32
        %add3A_32 = arith.addi %mul3A_30, %add3A_31 : i32
        %get3A_33 = arith.index_cast %add3A_32 : i32 to index
        %get3A_34 = tpu.vector_load %arg8[%get3A_33] {strides = array<i32>} : memref<1024xf32, #tpu.memory_space<vmem>>, vector<16xf32>,
        %add3A_35 = arith.addf %scan3A_20, %get3A_34 : vector<16xf32>
        scf.yield %add3A_26, %add3A_35 : vector<16xf32>, vector<16xf32>
      }
      %scan3A_14 = arith.constant 32 : i32
      %swap3A = arith.constant 0 : index
      %swap3A_15 = tpu.vector_load %arg9[%swap3A] {strides = array<i32>} : memref<16xf32, #tpu.memory_space<vmem>>, vector<16xf32>,
      tpu.vector_store %arg9[%swap3A], %scan3A_13#0 {strides = array<i32>} : memref<16xf32, #tpu.memory_space<vmem>>, vector<16xf32>,
      "tpu.region"() ({
        %run_scoped3A = tpu.sem_alloc : memref<!tpu.dma_semaphore, #tpu.memory_space<semaphore_mem>>
        %dma_start3A = arith.constant 320 : i32
        %dma_start3A_18 = tpu.memref_slice %arg4[%dma_start3A] : memref<352xf32, #tpu.memory_space<hbm>> -> memref<16xf32, #tpu.memory_space<hbm>>
        %dma_start3A_19 = arith.constant 320 : i32
        %dma_start3A_20 = tpu.memref_slice %arg4[%dma_start3A_19] : memref<352xf32, #tpu.memory_space<hbm>> -> memref<16xf32, #tpu.memory_space<hbm>>
        tpu.enqueue_dma source(%arg9 : memref<16xf32, #tpu.memory_space<vmem>>) target(%dma_start3A_20 : memref<16xf32, #tpu.memory_space<hbm>>) target_semaphore(%run_scoped3A : memref<!tpu.dma_semaphore, #tpu.memory_space<semaphore_mem>>)
        %dma_wait3A = arith.constant 320 : i32
        %dma_wait3A_21 = tpu.memref_slice %arg4[%dma_wait3A] : memref<352xf32, #tpu.memory_space<hbm>> -> memref<16xf32, #tpu.memory_space<hbm>>
        %dma_wait3A_22 = arith.constant 320 : i32
        %dma_wait3A_23 = tpu.memref_slice %arg4[%dma_wait3A_22] : memref<352xf32, #tpu.memory_space<hbm>> -> memref<16xf32, #tpu.memory_space<hbm>>
        tpu.wait_dma2 semaphore(%run_scoped3A : memref<!tpu.dma_semaphore, #tpu.memory_space<semaphore_mem>>) src(%arg9 : memref<16xf32, #tpu.memory_space<vmem>>) dst(%dma_wait3A_23 : memref<16xf32, #tpu.memory_space<hbm>>)
        tpu.yield
      }) : () -> ()
      %swap3A_16 = arith.constant 0 : index
      %swap3A_17 = tpu.vector_load %arg9[%swap3A_16] {strides = array<i32>} : memref<16xf32, #tpu.memory_space<vmem>>, vector<16xf32>,
      tpu.vector_store %arg9[%swap3A_16], %scan3A_13#1 {strides = array<i32>} : memref<16xf32, #tpu.memory_space<vmem>>, vector<16xf32>,
      "tpu.region"() ({
        %run_scoped3A = tpu.sem_alloc : memref<!tpu.dma_semaphore, #tpu.memory_space<semaphore_mem>>
        %dma_start3A = arith.constant 336 : i32
        %dma_start3A_18 = tpu.memref_slice %arg4[%dma_start3A] : memref<352xf32, #tpu.memory_space<hbm>> -> memref<16xf32, #tpu.memory_space<hbm>>
        %dma_start3A_19 = arith.constant 336 : i32
        %dma_start3A_20 = tpu.memref_slice %arg4[%dma_start3A_19] : memref<352xf32, #tpu.memory_space<hbm>> -> memref<16xf32, #tpu.memory_space<hbm>>
        tpu.enqueue_dma source(%arg9 : memref<16xf32, #tpu.memory_space<vmem>>) target(%dma_start3A_20 : memref<16xf32, #tpu.memory_space<hbm>>) target_semaphore(%run_scoped3A : memref<!tpu.dma_semaphore, #tpu.memory_space<semaphore_mem>>)
        %dma_wait3A = arith.constant 336 : i32
        %dma_wait3A_21 = tpu.memref_slice %arg4[%dma_wait3A] : memref<352xf32, #tpu.memory_space<hbm>> -> memref<16xf32, #tpu.memory_space<hbm>>
        %dma_wait3A_22 = arith.constant 336 : i32
        %dma_wait3A_23 = tpu.memref_slice %arg4[%dma_wait3A_22] : memref<352xf32, #tpu.memory_space<hbm>> -> memref<16xf32, #tpu.memory_space<hbm>>
        tpu.wait_dma2 semaphore(%run_scoped3A : memref<!tpu.dma_semaphore, #tpu.memory_space<semaphore_mem>>) src(%arg9 : memref<16xf32, #tpu.memory_space<vmem>>) dst(%dma_wait3A_23 : memref<16xf32, #tpu.memory_space<hbm>>)
        tpu.yield
      }) : () -> ()
    } else {
    }
    return
  }
}

</mosaic_0001>

<sc_bundles>
// kernel: kernel.4.cloned.1.call-start
scs
__scs_entry_jumppad:
0x0: {  	(pc) =	sbr.rel $0x88, $3  }
0x1: {  	(tag) =	ssettag $0x0;
	lr =	simm.s32 $0x1  }
0x2: {  	[smem:$0x3F9F] =	sst lr;
	_ =	strace $0xD0000000  }
0x3: {  	_ = 	snop  }
0x4: {  	_ = 	snop  }
0x5: {  	_ = 	snop  }
0x6: {  	_ = 	snop  }
0x7: {  	_ = 	snop  }
__scs_overlays_trampoline_lowered:
0x8: {  	[smem:$0x3FAE] =	sst s0  }
0x9: {  	[smem:$0x3FAF] =	sst s1  }
0xa: {  	[smem:$0x3FB0] =	sst s2  }
0xb: {  	[smem:$0x3FB1] =	sst s3  }
0xc: {  	[smem:$0x3FB2] =	sst s4  }
0xd: {  	[smem:$0x3FB3] =	sst s5  }
0xe: {  	[smem:$0x3FB4] =	sst s6  }
0xf: {  	[smem:$0x3FB5] =	sst s7  }
0x10: {  	[smem:$0x3FB6] =	sst s8  }
0x11: {  	[smem:$0x3FB7] =	sst s9;
	s0 =	simm.s32 @!p0 $0x0  }
0x12: {  	s1 =	sld [smem:$0x3F9D];
	s0 =	simm.s32 @p0 $0x1  }
0x13: {  	[smem:$0x3FB8] =	sst s0;
	s0 =	simm.s32 @!p1 $0x0  }
0x14: {  	s2 =	sld [smem:$0x3F9C];
	s0 =	simm.s32 @p1 $0x1  }
0x15: {  	[smem:$0x3FB9] =	sst s0;
	s0 =	simm.s32 @!p2 $0x0  }
0x16: {  	s3 =	sld [smem:$0x3FDB];
	s0 =	simm.s32 @p2 $0x1  }
0x17: {  	s4 =	simm.s32 $0x1BF5;
	[smem:$0x3FBB] =	sst s0  }
0x18: {  	s0 =	sld [smem:$0x3F9E];
	_ =	swait.ge [sflag:s4], $0x0  }
0x19: {  	s7 =	sld [smem:$0x3F9F]  }
0x1a: {  	s8 =	sadd.s32 $0xFFFFE003, lr  }
0x1b: {  	s9 =	sadd.s32 $0xFFFFFEF7, lr;
	s5 =	simm.s32 $0xFFFFFFFF;
	p2 =	slt.u32 s8, $0xFFFFF086  }
0x1c: {  	p1 =	slt.u32 s9, $0xF7A;
	s5 =	simm.s32 @!p2 $0x0  }
0x1d: {  	s5 =	simm.s32 @p1 $0x1;
	p0 =	seq.s32 s7, s2  }
0x1e: {  	s7 =	smul.u32 @!p0 $0xF7A, s2;
	p2 =	seq.s32 @!p0 s5, $0x0  }
0x1f: {  	s9 =	smul.u32 $0xF7A, s1;
	s8 =	simm.s32 @!p0 $0x1BF5;
	p2 =	por !p2, p0  }
0x20: {  	[sflag:s8] =	ssyncset.s32 @!p0 $0xFFFFF086;
	s6 =	sadd.s32 @!p0 s3, s7;
	s7 =	simm.s32 @!p0 $0x108  }
0x21: {  	s3 =	sadd.s32 s3, s9;
	s6 =	sadd.s32 @!p0 $0x88, s6;
	s7 =	simm.s32 @p2 $0x1082  }
0x22: {  	[simem:s7], [sflag:s8] =	dma.local @!p0 [hbm:s6], $0xF7A  }
0x23: {  	s9 =	sor.u32 $0xD0000000, s2;
	s6 =	simm.s32 $0x108;
	_ =	swait.ge @!p0 [sflag:s8], $0x0  }
0x24: {  	s3 =	sadd.s32 $0x88, s3;
	s6 =	simm.s32 @!p1 $0x1082;
	[sflag:s4] =	ssyncset.s32 $0xFFFFF086  }
0x25: {  	[simem:s6], [sflag:s4] =	dma.local [hbm:s3], $0xF7A  }
0x26: {  	[smem:$0x3F9F] =	sst s1;
	(tag) =	ssettag s2;
	_ =	strace s9  }
0x27: {  	s1 =	sld [smem:$0x3FAF]  }
0x28: {  	s2 =	sld [smem:$0x3FB0]  }
0x29: {  	s4 =	sld [smem:$0x3FB2]  }
0x2a: {  	p0 =	seq.s32 s5, $0x0;
	s5 =	sld [smem:$0x3FB3]  }
0x2b: {  	s6 =	sld [smem:$0x3FB4]  }
0x2c: {  	s7 =	sld [smem:$0x3FB5]  }
0x2d: {  	s3 =	simm.s32 $0x108;
	s8 =	sld [smem:$0x3FB6]  }
0x2e: {  	s3 =	simm.s32 @!p0 $0x1082;
	s9 =	sld [smem:$0x3FB7]  }
0x2f: {  	lr =	sadd.s32 s0, s3;
	s0 =	sld [smem:$0x3FAE]  }
0x30: {  	s3 =	sld [smem:$0x3FB1]  }
0x31: {  	[smem:$0x3FBA] =	sst s10  }
0x32: {  	s10 =	sld [smem:$0x3FB8];
	_ =	sdelay $0x3  }
0x33: {  	p0 =	seq.s32 s10, $0x1;
	s10 =	sld [smem:$0x3FBA];
	_ =	sdelay $0x3  }
0x34: {  	[smem:$0x3FBA] =	sst s10  }
0x35: {  	s10 =	sld [smem:$0x3FB9];
	_ =	sdelay $0x3  }
0x36: {  	p1 =	seq.s32 s10, $0x1;
	s10 =	sld [smem:$0x3FBA];
	_ =	sdelay $0x3  }
0x37: {  	[smem:$0x3FBA] =	sst s10  }
0x38: {  	s10 =	sld [smem:$0x3FBB]  }
0x39: {  	_ = 	snop;
	(pc) =	sbr.ind lr, $3  }
0x3a: {  	_ = 	snop  }
0x3b: {  	_ = 	snop  }
0x3c: {  	p2 =	seq.s32 s10, $0x1;
	s10 =	sld [smem:$0x3FBA]  }
0x3d: {  	_ =	shalt  }
0x3e: {  	_ =	shalt  }
0x3f: {  	_ =	shalt  }
0x40: {  	_ =	shalt  }
0x41: {  	_ =	shalt  }
0x42: {  	_ =	shalt  }
0x43: {  	_ =	shalt  }
0x44: {  	_ =	shalt  }
0x45: {  	_ =	shalt  }
0x46: {  	_ =	shalt  }
0x47: {  	_ =	shalt  }
0x48: {  	_ =	shalt  }
0x49: {  	_ =	shalt  }
0x4a: {  	_ =	shalt  }
0x4b: {  	_ =	shalt  }
0x4c: {  	_ =	shalt  }
0x4d: {  	_ =	shalt  }
0x4e: {  	_ =	shalt  }
0x4f: {  	_ =	shalt  }
0x50: {  	_ =	shalt  }
0x51: {  	_ =	shalt  }
0x52: {  	_ =	shalt  }
0x53: {  	_ =	shalt  }
0x54: {  	_ =	shalt  }
0x55: {  	_ =	shalt  }
0x56: {  	_ =	shalt  }
0x57: {  	_ =	shalt  }
0x58: {  	_ =	shalt  }
0x59: {  	_ =	shalt  }
0x5a: {  	_ =	shalt  }
0x5b: {  	_ =	shalt  }
0x5c: {  	_ =	shalt  }
0x5d: {  	_ =	shalt  }
0x5e: {  	_ =	shalt  }
0x5f: {  	_ =	shalt  }
0x60: {  	_ =	shalt  }
0x61: {  	_ =	shalt  }
0x62: {  	_ =	shalt  }
0x63: {  	_ =	shalt  }
0x64: {  	_ =	shalt  }
0x65: {  	_ =	shalt  }
0x66: {  	_ =	shalt  }
0x67: {  	_ =	shalt  }
0x68: {  	_ =	shalt  }
0x69: {  	_ =	shalt  }
0x6a: {  	_ =	shalt  }
0x6b: {  	_ =	shalt  }
0x6c: {  	_ =	shalt  }
0x6d: {  	_ =	shalt  }
0x6e: {  	_ =	shalt  }
0x6f: {  	_ =	shalt  }
0x70: {  	_ =	shalt  }
0x71: {  	_ =	shalt  }
0x72: {  	_ =	shalt  }
0x73: {  	_ =	shalt  }
0x74: {  	_ =	shalt  }
0x75: {  	_ =	shalt  }
0x76: {  	_ =	shalt  }
0x77: {  	_ =	shalt  }
0x78: {  	_ =	shalt  }
0x79: {  	_ =	shalt  }
0x7a: {  	_ =	shalt  }
0x7b: {  	_ =	shalt  }
0x7c: {  	_ =	shalt  }
0x7d: {  	_ =	shalt  }
0x7e: {  	_ =	shalt  }
0x7f: {  	_ =	shalt  }
0x80: {  	_ =	shalt  }
0x81: {  	_ =	shalt  }
0x82: {  	_ =	shalt  }
0x83: {  	_ =	shalt  }
0x84: {  	_ =	shalt  }
0x85: {  	_ =	shalt  }
0x86: {  	_ =	shalt  }
0x87: {  	_ =	shalt  }
.Lfunc_end0:
.L_simem_size_0:
called_computation_lowered:
.L_overlay_start_0:
0x88: {  	s2 =	sld [smem:$0x3FD9]  }
0x89: {  	s3 =	sld [smem:$0x3FFE];
	_ =	sdelay $0x1  }
0x8a: {  	s1 =	srdreg.scid  }
0x8b: {  	s0 =	sand.u32 $0x1, s1  }
0x8c: {  	s17 =	sshll.u32 s0, $0xA;
	s2 =	sadd.s32 s3, s2  }
0x8d: {  	s2 =	sadd.s32 s2, s17  }
0x8e: {  	[smem:$0x3FC6] =	sst s2  }
0x8f: {  	_ = 	snop  }
0x90: {  	s2 =	sld [smem:$0x3FC8];
	(tm) =	ssettm $0x1  }
0x91: {  	s18 =	sld [smem:$0x3FFB];
	_ =	sdelay $0x3  }
0x92: {  	_ =	strace s18  }
0x93: {  	s3 =	sld [smem:$0x3FFC];
	_ =	sdelay $0x3  }
0x94: {  	_ =	strace s3  }
0x95: {  	s3 =	sld [smem:$0x3FFD];
	_ =	sdelay $0x3  }
0x96: {  	_ =	strace s3  }
0x97: {  	_ =	strace $0x8FFFFFFF  }
0x98: {  	s19 =	sld [smem:$0x3FDB];
	_ =	sdelay $0x1  }
0x99: {  	s4 =	simm.s32 $_scs_section_size  }
0x9a: {  	s5 =	simm.s32 $_size__tile_overlayer_lowered;
	s6 =	simm.s32 $_tile_overlayer_lowered  }
0x9b: {  	s22 =	simm.s32 $0x1BFF;
	s21 =	sshll.u32 s6, $0x1;
	s3 =	sadd.s32 s4, s19  }
0x9c: {  	s7 =	simm.s32 $0x0;
	s20 =	sshll.u32 s5, $0x1;
	s5 =	sadd.s32 s21, s3  }
0x9d: {  	[timem:s7], [sflag:s22] =	dma.local [hbm:s5], s20  }
0x9e: {  	_ =	swait.ge [sflag:s22], s20  }
0x9f: {  	s4 =	ssub.s32 $0x0, s20;
	[sflag:s22] =	ssyncset.done $0x0  }
0xa0: {  	[sflag:s22] =	ssyncadd.s32 s4;
	_ =	sdelay $0x1  }
0xa1: {  	s23 =	simm.s32 $0x1B8B  }
0xa2: {  	_ =	swait.ge [sflag:s23], $0x1  }
0xa3: {  	[sflag:s23] =	ssyncset.done $0x0  }
0xa4: {  	s25 =	simm.s32 $0x1B8E;
	s24 =	sld [smem:$0x3FFE];
	[sflag:s23] =	ssyncadd.s32 $0xFFFFFFFF  }
0xa5: {  	s26 =	simm.s32 $execute0_lowered;
	[smem:$0x3FD2] =	sst s25  }
0xa6: {  	s5 =	sshll.u32 s26, $0x1;
	_ =	strace $0x80000046;
	[dreg:$0x1] =	wrdreg $0xFFFFFFFF  }
0xa7: {  	s28 =	simm.s32 $_size_execute0_lowered;
	s3 =	sadd.s32 s3, s5;
	[dreg:$0x0] =	wrdreg $0x0  }
0xa8: {  	s5 =	sshll.u32 s28, $0x1;
	[dreg:$0x2] =	wrdreg s3  }
0xa9: {  	[dreg:$0x3] =	wrdreg s5  }
0xaa: {  	[dreg:$0x4] =	wrdreg $0xC0  }
0xab: {  	_ =	task [dreg:s7], $0x5FFFF  }
0xac: {  	[dreg:$0x1] =	wrdreg $0xFFFFFFFF  }
0xad: {  	[dreg:$0x0] =	wrdreg $0x60  }
0xae: {  	[dreg:$0x2] =	wrdreg s24  }
0xaf: {  	[dreg:$0x3] =	wrdreg s2  }
0xb0: {  	[dreg:$0x4] =	wrdreg $0x9  }
0xb1: {  	_ =	task.clear_ibuf [dreg:s7], $0x5FFFF;
	_ =	strace $0x90000046  }
0xb2: {  	s29 =	simm.s32 $0x9;
	_ =	strace $0x80000048  }
0xb3: {  	_ =	swait.ge [sflag:s29], $0x1  }
0xb4: {  	[sflag:s29] =	ssyncadd.s32 $0xFFFFFFFF  }
0xb5: {  	_ =	strace $0x90000048  }
0xb6: {  	_ =	sfence  }
0xb7: {  	s30 =	sld [smem:$0x0];
	_ =	sdelay $0x2  }
0xb8: {  	s31 =	sshll.u32 s1, $0xD;
	s1 =	sshrl.u32 s1, $0x2  }
0xb9: {  	s3 =	sand.u32 $0x4000, s31;
	s1 =	sadd.s32 s1, s30  }
0xba: {  	s0 =	sor.u32 s3, s0;
	s1 =	sshll.u32 s1, $0x11  }
0xbb: {  	s0 =	sor.u32 s1, s0  }
0xbc: {  	s0 =	sadd.s32 $0x8F2B, s0  }
0xbd: {  	[sflag:s0] =	ssyncadd.remote.s32 $0x1  }
0xbe: {  	_ =	sfence.sel $0xFFFF  }
0xbf: {  	[dreg:$0x0] =	wrdreg $0xFFFFFFFF;
	(pc) =	sbr.abs _section_cstart, $3  }
0xc0: {  	[dreg:$0x1] =	wrdreg $0xFFFFFFFF  }
0xc1: {  	_ =	task.clear_ibuf [dreg:s7], $0x2FFFF;
	_ =	strace $0x9FFFFFFF  }
0xc2: {  	(tm) =	ssettm $0x7FFFFFFF  }
0xc3: {  	_ =	shalt  }
tec
execute0_lowered:
.L_overlay_start_1:
0x0: {  	(tag) =	ssettag $0x1  }
0x1: {  	s6 =	rddreg [dreg:$0x0];
	v0 =	vlaneseq.u32  }
0x2: {  	s1 =	rddreg [dreg:$0x1];
	v0 =	vmul.u32 $0x14, v0  }
0x3: {  	s0 =	rddreg [dreg:$0x2];
	s3 =	simm.s32 $0x0;
	s4 =	srdreg.scid;
	v1 =	vimm.s32 $0x0;
	v21 =	vimm.f32 $1.000000000e+00;
	v22 =	vimm.s32 $0x10000  }
0x4: {  	s2 =	stileid.u32;
	v23 =	vimm.s32 $0xFFFF0000;
	v24 =	vimm.s32 $0x10001;
	s11 =	simm.s32 $0x14800;
	s12 =	simm.s32 $0x0;
	v2 =	vor.u32 $0x1, v0  }
0x5: {  	[smem:$0x7FF] =	sst s3;
	s4 =	sand.u32 $0x1, s4;
	s5 =	sshll.u32 s2, $0x1;
	v3 =	vor.u32 $0x2, v0;
	v4 =	vor.u32 $0x3, v0;
	v5 =	vadd.s32 $0x4, v0  }
0x6: {  	_ =	strace $0x80000047;
	s5 =	sor.u32 s4, s5;
	s8 =	ssub.s32 $0x2, s4;
	v6 =	vadd.s32 $0x5, v0;
	v7 =	vadd.s32 $0x6, v0;
	v8 =	vadd.s32 $0x7, v0  }
0x7: {  	s4 =	sadd.s32 $0x800000, s6;
	v9 =	vadd.s32 $0x8, v0;
	s7 =	sshll.u32 s5, $0x2;
	s9 =	smul.u32 $0x1400, s5;
	v10 =	vadd.s32 $0x9, v0;
	v11 =	vadd.s32 $0xA, v0  }
0x8: {  	v12 =	vadd.s32 $0xB, v0;
	s10 =	sshrl.u32 s8, $0x1;
	v13 =	vadd.s32 $0xC, v0;
	v14 =	vadd.s32 $0xD, v0;
	s5 =	sshll.u32 s5, $0xE;
	s7 =	sadd.s32 s7, s6  }
0x9: {  	v15 =	vadd.s32 $0xE, v0;
	v16 =	vadd.s32 $0xF, v0;
	v17 =	vadd.s32 $0x10, v0;
	s8 =	ssub.s32 s8, s10;
	s10 =	simm.s32 $0x1;
	s6 =	sadd.s32 s6, s9  }
0xa: {  	v18 =	vadd.s32 $0x11, v0;
	v19 =	vadd.s32 $0x12, v0;
	v20 =	vadd.s32 $0x13, v0;
	s7 =	sadd.s32 $0x28000, s7;
	s8 =	smax.u32 s8, $0x1;
	s9 =	simm.s32 $0xA000  }
.LBB2_1:
0xb: {  	s13 =	simm.s32 $0x0  }
.LBB2_2:
0xc: {  	p0 =	sne.s32 s13, $0x27FC0  }
.Ltmp0:
0xd: {  	_ = 	snop;
	(pc) =	sbr.rel @p0 .LBB2_2-.Ltmp0, $3  }
0xe: {  	_ =	sdelay $0x1  }
0xf: {  	s14 =	sshra.s32 s13, $0x2  }
0x10: {  	s13 =	sadd.s32 $0x40, s13;
	[tilespmem:s14+$0x0] =	vst v1  }
0x11: {  	s13 =	simm.s32 $0x0;
	v25 =	vimm.f32 $0.0e+00;
	v26 =	vimm.f32 $0.0e+00;
	s14 =	simm.s32 $0x0  }
.LBB2_4:
0x12: {  	s15 =	sshll.u32 s14, $0xB  }
0x13: {  	s15 =	sadd.s32 s5, s15  }
0x14: {  	s16 =	smul.u32 $0x14, s15;
	_ =	sdelay $0x1  }
0x15: {  	s16 =	sshrl.u32 s16, $0x3  }
0x16: {  	s16 =	sadd.s32 s4, s16  }
0x17: {  	[tilespmem:s9], [sflag:$0x1] =	stream.linear.gather [hbm4b:s16+s13], $0xA000, $0x38;
	[tilespmem:$0x14880] =	vst v63  }
0x18: {  	_ =	swait.ge [sflag:s10], $0xA000  }
0x19: {  	s15 =	sshrl.u32 s15, $0x3;
	[sflag:s10] =	ssyncset.done $0x0  }
0x1a: {  	s31 =	sadd.s32 s1, s15;
	s15 =	simm.s32 $0x14000;
	[sflag:s10] =	ssyncadd.s32 $0xFFFF6000  }
0x1b: {  	[tilespmem:s15], [sflag:$0x1] =	stream.linear.gather [hbm4b:s31+s13], $0x800, $0x38;
	[tilespmem:$0x14880] =	vst v63  }
0x1c: {  	_ =	swait.ge [sflag:s10], $0x800  }
0x1d: {  	[sflag:s10] =	ssyncset.done $0x0  }
0x1e: {  	s16 =	simm.s32 $0x0;
	[sflag:s10] =	ssyncadd.s32 $0xFFFFF800  }
.LBB2_5:
0x1f: {  	v27 =	vmov s16  }
0x20: {  	v27 =	vmul.u32 $0x14, v27;
	_ =	sdelay $0x1  }
0x21: {  	v27 =	vbroadcast v27, $0x0;
	_ =	sdelay $0x1  }
0x22: {  	v28 =	vadd.s32 v0, v27  }
0x23: {  	v29 =	vadd.s32 v2, v27  }
0x24: {  	v30 =	vadd.s32 v3, v27  }
0x25: {  	v31 =	vadd.s32 v4, v27  }
0x26: {  	v32 =	vadd.s32 v5, v27  }
0x27: {  	v34 =	vadd.s32 v6, v27;
	v33 =	vld.idx.msk [tilespmem:v28+s9+$0x0], $0xffff  }
0x28: {  	v35 =	vadd.s32 v7, v27;
	v29 =	vld.idx.msk [tilespmem:v29+s9+$0x0], $0xffff  }
0x29: {  	v36 =	vadd.s32 v8, v27;
	v30 =	vld.idx.msk [tilespmem:v30+s9+$0x0], $0xffff  }
0x2a: {  	v37 =	vadd.s32 v9, v27;
	v31 =	vld.idx.msk [tilespmem:v31+s9+$0x0], $0xffff  }
0x2b: {  	v38 =	vadd.s32 v10, v27;
	v32 =	vld.idx.msk [tilespmem:v32+s9+$0x0], $0xffff  }
0x2c: {  	v39 =	vadd.s32 v11, v27;
	v34 =	vld.idx.msk [tilespmem:v34+s9+$0x0], $0xffff  }
0x2d: {  	v40 =	vadd.s32 v12, v27;
	v35 =	vld.idx.msk [tilespmem:v35+s9+$0x0], $0xffff;
	v41 =	vmax.f32 v33, v29  }
0x2e: {  	v42 =	vadd.s32 v13, v27;
	v36 =	vld.idx.msk [tilespmem:v36+s9+$0x0], $0xffff;
	v41 =	vmax.f32 v41, v30  }
0x2f: {  	v43 =	vadd.s32 v14, v27;
	v37 =	vld.idx.msk [tilespmem:v37+s9+$0x0], $0xffff;
	v41 =	vmax.f32 v41, v31  }
0x30: {  	v44 =	vadd.s32 v15, v27;
	v38 =	vld.idx.msk [tilespmem:v38+s9+$0x0], $0xffff;
	v41 =	vmax.f32 v41, v32  }
0x31: {  	v45 =	vadd.s32 v16, v27;
	v39 =	vld.idx.msk [tilespmem:v39+s9+$0x0], $0xffff;
	v41 =	vmax.f32 v41, v34  }
0x32: {  	v46 =	vadd.s32 v17, v27;
	v40 =	vld.idx.msk [tilespmem:v40+s9+$0x0], $0xffff;
	v41 =	vmax.f32 v41, v35  }
0x33: {  	v47 =	vadd.s32 v18, v27;
	v42 =	vld.idx.msk [tilespmem:v42+s9+$0x0], $0xffff;
	v41 =	vmax.f32 v41, v36  }
0x34: {  	v48 =	vadd.s32 v19, v27;
	v43 =	vld.idx.msk [tilespmem:v43+s9+$0x0], $0xffff;
	v41 =	vmax.f32 v41, v37  }
0x35: {  	v27 =	vadd.s32 v20, v27;
	v44 =	vld.idx.msk [tilespmem:v44+s9+$0x0], $0xffff;
	v41 =	vmax.f32 v41, v38  }
0x36: {  	v45 =	vld.idx.msk [tilespmem:v45+s9+$0x0], $0xffff;
	v41 =	vmax.f32 v41, v39  }
0x37: {  	v46 =	vld.idx.msk [tilespmem:v46+s9+$0x0], $0xffff;
	v41 =	vmax.f32 v41, v40  }
0x38: {  	v47 =	vld.idx.msk [tilespmem:v47+s9+$0x0], $0xffff;
	v41 =	vmax.f32 v41, v42  }
0x39: {  	v48 =	vld.idx.msk [tilespmem:v48+s9+$0x0], $0xffff;
	v41 =	vmax.f32 v41, v43  }
0x3a: {  	v49 =	vld.idx.msk [tilespmem:v27+s9+$0x0], $0xffff;
	v27 =	vmax.f32 v41, v44  }
0x3b: {  	v27 =	vmax.f32 v27, v45  }
0x3c: {  	v27 =	vmax.f32 v27, v46  }
0x3d: {  	v27 =	vmax.f32 v27, v47  }
0x3e: {  	v27 =	vmax.f32 v27, v48  }
0x3f: {  	v27 =	vmax.f32 v27, v49  }
0x40: {  	v33 =	vsub.f32 v33, v27  }
0x41: {  	v29 =	vsub.f32 v29, v27  }
0x42: {  	v33 =	vmul.f32 $1.442695020e+00, v33  }
0x43: {  	v30 =	vsub.f32 v30, v27;
	v29 =	vmul.f32 $1.442695020e+00, v29  }
0x44: {  	(erf) = vpow2.f32 v33  }
0x45: {  	v63 =	vsub.f32 v31, v27;
	v62 =	vmul.f32 $1.442695020e+00, v30;
	(erf) = vpow2.f32 v29;
	_ =	sdelay $0x1  }
0x46: {  	v41 =	vsub.f32 v32, v27;
	v33 =	vmul.f32 $1.442695020e+00, v63;
	(erf) = vpow2.f32 v62;
	_ =	sdelay $0x1  }
0x47: {  	v51 =	vsub.f32 v34, v27;
	v50 =	vmul.f32 $1.442695020e+00, v41;
	(erf) = vpow2.f32 v33;
	_ =	sdelay $0x1  }
0x48: {  	v53 =	vsub.f32 v35, v27;
	v52 =	vmul.f32 $1.442695020e+00, v51;
	(erf) = vpow2.f32 v50;
	_ =	sdelay $0x1  }
0x49: {  	v55 =	vsub.f32 v36, v27;
	v54 =	vmul.f32 $1.442695020e+00, v53;
	v33 =	vpop (erf);
	(erf) = vpow2.f32 v52  }
0x4a: {  	v56 =	vsub.f32 v37, v27;
	v34 =	vpop (erf)  }
0x4b: {  	v57 =	vmul.f32 $1.442695020e+00, v55;
	(erf) = vpow2.f32 v54;
	v58 =	vadd.f32 v34, v33  }
0x4c: {  	v59 =	vsub.f32 v38, v27;
	v35 =	vpop (erf)  }
0x4d: {  	v31 =	vmul.f32 $1.442695020e+00, v56;
	(erf) = vpow2.f32 v57;
	v30 =	vadd.f32 v58, v35  }
0x4e: {  	v60 =	vsub.f32 v39, v27;
	v36 =	vpop (erf)  }
0x4f: {  	v29 =	vmul.f32 $1.442695020e+00, v59;
	(erf) = vpow2.f32 v31;
	v30 =	vadd.f32 v30, v36  }
0x50: {  	v61 =	vsub.f32 v40, v27;
	v37 =	vpop (erf)  }
0x51: {  	v62 =	vmul.f32 $1.442695020e+00, v60;
	(erf) = vpow2.f32 v29;
	v30 =	vadd.f32 v30, v37  }
0x52: {  	v42 =	vsub.f32 v42, v27;
	v38 =	vpop (erf)  }
0x53: {  	v63 =	vmul.f32 $1.442695020e+00, v61;
	(erf) = vpow2.f32 v62;
	v30 =	vadd.f32 v30, v38  }
0x54: {  	v50 =	vsub.f32 v43, v27;
	v39 =	vpop (erf)  }
0x55: {  	v29 =	vmul.f32 $1.442695020e+00, v42;
	(erf) = vpow2.f32 v63;
	v30 =	vadd.f32 v30, v39  }
0x56: {  	v51 =	vsub.f32 v44, v27;
	v40 =	vpop (erf)  }
0x57: {  	v52 =	vmul.f32 $1.442695020e+00, v50;
	(erf) = vpow2.f32 v29;
	v30 =	vadd.f32 v30, v40  }
0x58: {  	v53 =	vmul.f32 $1.442695020e+00, v51;
	v41 =	vpop (erf)  }
0x59: {  	v54 =	vsub.f32 v45, v27;
	(erf) = vpow2.f32 v52;
	v30 =	vadd.f32 v30, v41  }
0x5a: {  	v55 =	vsub.f32 v46, v27;
	v42 =	vpop (erf)  }
0x5b: {  	v29 =	vmul.f32 $1.442695020e+00, v54;
	(erf) = vpow2.f32 v53;
	v30 =	vadd.f32 v30, v42  }
0x5c: {  	v56 =	vsub.f32 v47, v27;
	v43 =	vpop (erf)  }
0x5d: {  	v57 =	vmul.f32 $1.442695020e+00, v55;
	(erf) = vpow2.f32 v29;
	v30 =	vadd.f32 v30, v43  }
0x5e: {  	v59 =	vsub.f32 v48, v27;
	v44 =	vpop (erf)  }
0x5f: {  	v58 =	vmul.f32 $1.442695020e+00, v56;
	(erf) = vpow2.f32 v57;
	v30 =	vadd.f32 v30, v44  }
0x60: {  	v60 =	vsub.f32 v49, v27;
	v45 =	vpop (erf)  }
0x61: {  	v29 =	vmul.f32 $1.442695020e+00, v59;
	(erf) = vpow2.f32 v58;
	v30 =	vadd.f32 v30, v45  }
0x62: {  	v46 =	vpop (erf)  }
0x63: {  	v61 =	vmul.f32 $1.442695020e+00, v60;
	(erf) = vpow2.f32 v29;
	v30 =	vadd.f32 v30, v46  }
0x64: {  	v47 =	vpop (erf)  }
0x65: {  	(erf) = vpow2.f32 v61;
	v62 =	vadd.f32 v30, v47  }
0x66: {  	v63 =	vpop (erf)  }
0x67: {  	v29 =	vadd.f32 v62, v63  }
0x68: {  	v56 =	vpop (erf)  }
0x69: {  	v29 =	vadd.f32 v29, v56  }
0x6a: {  	v57 =	vpop (erf)  }
0x6b: {  	v29 =	vadd.f32 v29, v57  }
0x6c: {  	v58 =	vpop (erf)  }
0x6d: {  	v29 =	vadd.f32 v29, v58  }
0x6e: {  	v59 =	vpop (erf)  }
0x6f: {  	v29 =	vadd.f32 v29, v59;
	_ =	sdelay $0x1  }
0x70: {  	v50 =	vand.u32 $0x7FFFFF, v29  }
0x71: {  	v50 =	vor.u32 $0x3F800000, v50  }
0x72: {  	v51 =	vadd.f32 $1.000000000e+00, v50;
	_ =	sdelay $0x1  }
0x73: {  	(erf) = vrcp.f32 v51;
	_ =	sdelay $0x7  }
0x74: {  	v50 =	vadd.f32 $-1.000000000e+00, v50  }
0x75: {  	v51 =	vpop (erf)  }
0x76: {  	v50 =	vmul.f32 v51, v50;
	_ =	sdelay $0x1  }
0x77: {  	v51 =	vmul.f32 v50, v50;
	_ =	sdelay $0x1  }
0x78: {  	v52 =	vmul.f32 $1.111111120e-01, v51;
	_ =	sdelay $0x1  }
0x79: {  	(erf) = vrcp.f32 v29;
	v52 =	vadd.f32 $1.428571490e-01, v52;
	_ =	sdelay $0x1  }
0x7a: {  	v52 =	vmul.f32 v52, v51;
	_ =	sdelay $0x1  }
0x7b: {  	v52 =	vadd.f32 $2.000000030e-01, v52;
	_ =	sdelay $0x1  }
0x7c: {  	v29 =	vshrl.u32 v29, $0x17;
	v52 =	vmul.f32 v52, v51  }
0x7d: {  	v53 =	vand.u32 $0xFF, v29  }
0x7e: {  	v53 =	vadd.s32 $0xFFFFFF81, v53;
	v52 =	vadd.f32 $3.333333430e-01, v52  }
0x7f: {  	v53 =	vcvt.s32.f32 v53;
	v60 =	vpop (erf)  }
0x80: {  	v51 =	vmul.f32 v52, v51;
	v52 =	vmul.f32 $2.048000000e+03, v60  }
0x81: {  	v53 =	vmul.f32 $6.931471820e-01, v53  }
0x82: {  	v33 =	vmul.f32 v52, v33;
	v34 =	vmul.f32 v52, v34  }
0x83: {  	v35 =	vmul.f32 v52, v35;
	v36 =	vmul.f32 v52, v36  }
0x84: {  	v37 =	vmul.f32 v52, v37;
	v38 =	vmul.f32 v52, v38  }
0x85: {  	v39 =	vmul.f32 v52, v39;
	v40 =	vmul.f32 v52, v40  }
0x86: {  	v41 =	vmul.f32 v52, v41;
	v42 =	vmul.f32 v52, v42  }
0x87: {  	v43 =	vmul.f32 v52, v43;
	v44 =	vmul.f32 v52, v44  }
0x88: {  	v50 =	vadd.f32 v50, v50;
	v45 =	vmul.f32 v52, v45;
	v46 =	vmul.f32 v52, v46  }
0x89: {  	v51 =	vadd.f32 $1.000000000e+00, v51;
	v47 =	vmul.f32 v52, v47;
	v48 =	vmul.f32 v52, v63  }
0x8a: {  	v32 =	vmul.f32 v52, v57;
	v31 =	vmul.f32 v52, v58  }
0x8b: {  	v30 =	vmul.f32 v52, v59;
	v50 =	vmul.f32 v51, v50  }
0x8c: {  	v33 =	vtrunc.f32 v33;
	v34 =	vtrunc.f32 v34  }
0x8d: {  	v35 =	vtrunc.f32 v35;
	v36 =	vtrunc.f32 v36  }
0x8e: {  	v37 =	vtrunc.f32 v37;
	v38 =	vtrunc.f32 v38  }
0x8f: {  	v39 =	vtrunc.f32 v39;
	v40 =	vtrunc.f32 v40  }
0x90: {  	v41 =	vtrunc.f32 v41;
	v42 =	vtrunc.f32 v42  }
0x91: {  	v43 =	vtrunc.f32 v43;
	v44 =	vtrunc.f32 v44  }
0x92: {  	v45 =	vtrunc.f32 v45;
	v46 =	vtrunc.f32 v46  }
0x93: {  	v29 =	vld [tilespmem:s15+$0x0];
	v47 =	vtrunc.f32 v47;
	v63 =	vtrunc.f32 v48  }
0x94: {  	v32 =	vtrunc.f32 v32;
	v31 =	vtrunc.f32 v31  }
0x95: {  	v30 =	vtrunc.f32 v30;
	v33 =	vcvt.f32.s32 v33  }
0x96: {  	v34 =	vcvt.f32.s32 v34;
	v35 =	vcvt.f32.s32 v35  }
0x97: {  	v36 =	vcvt.f32.s32 v36;
	v37 =	vcvt.f32.s32 v37  }
0x98: {  	v61 =	vadd.s32 v28, v29;
	v38 =	vcvt.f32.s32 v38;
	v39 =	vcvt.f32.s32 v39  }
0x99: {  	v40 =	vcvt.f32.s32 v40;
	v41 =	vcvt.f32.s32 v41  }
0x9a: {  	v42 =	vcvt.f32.s32 v42;
	v43 =	vcvt.f32.s32 v43  }
0x9b: {  	v44 =	vcvt.f32.s32 v44;
	v45 =	vcvt.f32.s32 v45  }
0x9c: {  	v46 =	vcvt.f32.s32 v46;
	v47 =	vcvt.f32.s32 v47  }
0x9d: {  	v32 =	vcvt.f32.s32 v32;
	v31 =	vcvt.f32.s32 v31;
	v62 =	vadd.f32 v50, v53;
	v50 =	vld.idx.msk [tilespmem:v61+s9+$0x0], $0xffff  }
0x9e: {  	v30 =	vcvt.f32.s32 v30;
	v53 =	vmul.f32 v52, v56  }
0x9f: {  	v61 =	vshll.u32 v29, $0xB;
	vm0 =	vlt.s32 v33, $0x7FF;
	vm6 =	vlt.s32 v34, $0x7FF  }
0xa0: {  	vm7 =	vlt.s32 v35, $0x7FF;
	vm8 =	vlt.s32 v36, $0x7FF;
	vm9 =	vlt.s32 v37, $0x7FF  }
0xa1: {  	vm10 =	vlt.s32 v38, $0x7FF;
	vm11 =	vlt.s32 v39, $0x7FF;
	vm12 =	vlt.s32 v40, $0x7FF  }
0xa2: {  	vm13 =	vlt.s32 v41, $0x7FF;
	vm14 =	vlt.s32 v42, $0x7FF;
	v51 =	vsub.f32 v50, v27  }
0xa3: {  	vm15 =	vlt.s32 v43, $0x7FF;
	vm4 =	vlt.s32 v44, $0x7FF;
	vm5 =	vlt.s32 v45, $0x7FF  }
0xa4: {  	v33 =	vnsel vm0, $0x7FF, v33;
	v34 =	vnsel vm6, $0x7FF, v34;
	v51 =	vmul.f32 $1.442695020e+00, v51  }
0xa5: {  	v35 =	vnsel vm7, $0x7FF, v35;
	v36 =	vnsel vm8, $0x7FF, v36;
	v34 =	vadd.s32 $0x800, v34  }
0xa6: {  	v37 =	vnsel vm9, $0x7FF, v37;
	v35 =	vadd.s32 $0x1000, v35;
	(erf) = vpow2.f32 v51  }
0xa7: {  	v38 =	vnsel vm10, $0x7FF, v38;
	v39 =	vnsel vm11, $0x7FF, v39;
	v36 =	vadd.s32 $0x1800, v36  }
0xa8: {  	v40 =	vnsel vm12, $0x7FF, v40;
	v41 =	vnsel vm13, $0x7FF, v41;
	v37 =	vadd.s32 $0x2000, v37  }
0xa9: {  	v42 =	vnsel vm14, $0x7FF, v42;
	v43 =	vnsel vm15, $0x7FF, v43;
	v38 =	vadd.s32 $0x2800, v38;
	[tilespmem:v33+s3+$0x0] =	vst.idx.add.s32.msk $0xffff, v22  }
0xaa: {  	v44 =	vnsel vm4, $0x7FF, v44;
	v45 =	vnsel vm5, $0x7FF, v45;
	v39 =	vadd.s32 $0x3000, v39;
	[tilespmem:v34+s3+$0x0] =	vst.idx.add.s32.msk $0xffff, v22  }
0xab: {  	vm6 =	vlt.s32 v46, $0x7FF;
	vm7 =	vlt.s32 v47, $0x7FF;
	v40 =	vadd.s32 $0x3800, v40;
	[tilespmem:v35+s3+$0x0] =	vst.idx.add.s32.msk $0xffff, v22  }
0xac: {  	v56 =	vtrunc.f32 v53;
	vm10 =	vlt.s32 v32, $0x7FF;
	v41 =	vadd.s32 $0x4000, v41;
	[tilespmem:v36+s3+$0x0] =	vst.idx.add.s32.msk $0xffff, v22  }
0xad: {  	vm11 =	vlt.s32 v31, $0x7FF;
	vm12 =	vlt.s32 v30, $0x7FF;
	v42 =	vadd.s32 $0x4800, v42;
	[tilespmem:v37+s3+$0x0] =	vst.idx.add.s32.msk $0xffff, v22  }
0xae: {  	v43 =	vadd.s32 $0x5000, v43;
	v44 =	vadd.s32 $0x5800, v44;
	v45 =	vadd.s32 $0x6000, v45;
	[tilespmem:v38+s3+$0x0] =	vst.idx.add.s32.msk $0xffff, v22  }
0xaf: {  	v54 =	vnsel vm6, $0x7FF, v46;
	v57 =	vcvt.f32.s32 v56;
	v33 =	vcvt.f32.s32 v63;
	[tilespmem:v39+s3+$0x0] =	vst.idx.add.s32.msk $0xffff, v22;
	v58 =	vpop (erf)  }
0xb0: {  	v55 =	vnsel vm7, $0x7FF, v47;
	v32 =	vnsel vm10, $0x7FF, v32;
	[tilespmem:v40+s3+$0x0] =	vst.idx.add.s32.msk $0xffff, v22;
	v37 =	vmul.f32 v52, v58  }
0xb1: {  	vm9 =	vlt.s32 v57, $0x7FF;
	v34 =	vadd.s32 $0x6800, v54;
	vm8 =	vlt.s32 v33, $0x7FF;
	[tilespmem:v41+s3+$0x0] =	vst.idx.add.s32.msk $0xffff, v22  }
0xb2: {  	v35 =	vadd.s32 $0x7000, v55;
	v33 =	vnsel vm8, $0x7FF, v33;
	[tilespmem:v42+s3+$0x0] =	vst.idx.add.s32.msk $0xffff, v22;
	v59 =	vsub.f32 $2.048000000e+03, v37  }
0xb3: {  	v36 =	vnsel vm9, $0x7FF, v57;
	v33 =	vadd.s32 $0x7800, v33;
	[tilespmem:v43+s3+$0x0] =	vst.idx.add.s32.msk $0xffff, v22;
	v37 =	vtrunc.f32 v37  }
0xb4: {  	v36 =	vadd.s32 $0x8000, v36;
	[tilespmem:v44+s3+$0x0] =	vst.idx.add.s32.msk $0xffff, v22;
	v37 =	vcvt.f32.s32 v37;
	v38 =	vtrunc.f32 v59  }
0xb5: {  	v31 =	vnsel vm11, $0x7FF, v31;
	v32 =	vadd.s32 $0x8800, v32;
	[tilespmem:v45+s3+$0x0] =	vst.idx.add.s32.msk $0xffff, v22;
	v38 =	vcvt.f32.s32 v38  }
0xb6: {  	v30 =	vnsel vm12, $0x7FF, v30;
	v31 =	vadd.s32 $0x9000, v31;
	[tilespmem:v34+s3+$0x0] =	vst.idx.add.s32.msk $0xffff, v22;
	vm13 =	vlt.s32 v37, $0x7FF  }
0xb7: {  	v30 =	vadd.s32 $0x9800, v30;
	[tilespmem:v35+s3+$0x0] =	vst.idx.add.s32.msk $0xffff, v22;
	v60 =	vnsel vm13, $0x7FF, v37;
	vm14 =	vlt.s32 v38, $0x7FF  }
0xb8: {  	v27 =	vadd.f32 v62, v27;
	[tilespmem:v33+s3+$0x0] =	vst.idx.add.s32.msk $0xffff, v22;
	v63 =	vadd.s32 v61, v60;
	v62 =	vnsel vm14, $0x7FF, v38  }
0xb9: {  	p0 =	sne.s32 s16, $0x7F0;
	[tilespmem:v36+s3+$0x0] =	vst.idx.add.s32.msk $0xffff, v22;
	v28 =	vadd.s32 v61, v62  }
.Ltmp1:
0xba: {  	vm15 =	veq.s32 v29, $0x0;
	v27 =	vsub.f32 v27, v50;
	[tilespmem:v32+s3+$0x0] =	vst.idx.add.s32.msk $0xffff, v22;
	(pc) =	sbr.rel @p0 .LBB2_5-.Ltmp1, $4  }
0xbb: {  	v29 =	vsel vm15, $0x0, v21;
	[tilespmem:v31+s3+$0x0] =	vst.idx.add.s32.msk $0xffff, v22  }
0xbc: {  	v27 =	vmul.f32 v27, v29;
	[tilespmem:v30+s3+$0x0] =	vst.idx.add.s32.msk $0xffff, v22  }
0xbd: {  	[tilespmem:v63+s3+$0x0] =	vst.idx.add.s32.msk $0xffff, v23  }
0xbe: {  	s16 =	sadd.s32 $0x10, s16;
	s15 =	sadd.s32 $0x10, s15;
	v25 =	vadd.f32 v29, v25;
	v26 =	vadd.f32 v27, v26;
	[tilespmem:v28+s3+$0x0] =	vst.idx.add.s32.msk $0xffff, v24  }
0xbf: {  	s14 =	sadd.s32 $0x1, s14  }
0xc0: {  	p0 =	sne.s32 s14, $0x8  }
.Ltmp2:
0xc1: {  	_ = 	snop;
	(pc) =	sbr.rel @p0 .LBB2_4-.Ltmp2, $1  }
0xc2: {  	_ =	sdelay $0x3  }
0xc3: {  	[tilespmem:$0x14800] =	vst v26  }
0xc4: {  	[tilespmem:$0x14810] =	vst v25  }
0xc5: {  	[hbm4b:s6+s3] =	stream.linear.scatter [tilespmem:s3], [sflag:$0x1], $0xA000, $0x38;
	[tilespmem:$0x14880] =	vst v63  }
0xc6: {  	s12 =	sadd.s32 $0x1, s12;
	_ =	swait.ge [sflag:s10], $0xA000  }
0xc7: {  	p0 =	sne.s32 s12, s8;
	[sflag:s10] =	ssyncset.done $0x0  }
.Ltmp3:
0xc8: {  	[sflag:s10] =	ssyncadd.s32 $0xFFFF6000;
	(pc) =	sbr.rel @p0 .LBB2_1-.Ltmp3, $4  }
0xc9: {  	[hbm4b:s7+s3] =	stream.linear.scatter [tilespmem:s11], [sflag:$0x1], $0x20, $0x38;
	[tilespmem:$0x14880] =	vst v63  }
0xca: {  	_ =	swait.ge [sflag:s10], $0x20  }
0xcb: {  	[sflag:s10] =	ssyncset.done $0x0  }
0xcc: {  	[sflag:s10] =	ssyncadd.s32 $0xFFFFFFE0  }
0xcd: {  	_ =	sfence.sel $0x180000  }
0xce: {  	[bflag:$0x0] =	sbarrier.arrive $0xFFFF  }
0xcf: {  	p0 =	sne.s32 s2, $0x0;
	_ =	strace $0x90000047  }
0xd0: {  	s0 =	sadd.s32 @!p0 $0x100000, s0;
	[bflag:$0x2] =	sbarrier.arrive $0xFFFF  }
0xd1: {  	[sflag:s0] =	ssyncadd.tile.s32 @!p0 $0x1;
	_ =	shalt  }
.Lfunc_end2:
_tile_overlayer_lowered:
.L_overlay_start_2:
0xd2: {  	(tag) =	ssettag $0x2  }
0xd3: {  	s0 =	rddreg [dreg:$0x0];
	s2 =	stileid.u32  }
0xd4: {  	s1 =	rddreg [dreg:$0x1];
	p0 =	sne.s32 s2, $0x0  }
0xd5: {  	s3 =	rddreg [dreg:$0x2];
	[bflag:$0x3] =	sbarrier.arrive $0xFFFF;
	s2 =	simm.s32 @!p0 $0x1C01  }
0xd6: {  	[timem:s3], [sflag:s2] =	dma.local @!p0 [hbm:s0], s1  }
0xd7: {  	s0 =	simm.s32 @!p0 $0x1  }
0xd8: {  	_ =	swait.ge @!p0 [sflag:s0], s1  }
0xd9: {  	s1 =	ssub.s32 @!p0 $0x0, s1;
	[sflag:s0] =	ssyncset.done @!p0 $0x0  }
0xda: {  	[sflag:s0] =	ssyncadd.s32 @!p0 s1  }
0xdb: {  	[bflag:$0x3] =	sbarrier.arrive $0xFFFF  }
0xdc: {  	_ =	shalt  }

// kernel: kernel.7.cloned.1.call-start
scs
__scs_entry_jumppad:
0x0: {  	(pc) =	sbr.rel $0x88, $3  }
0x1: {  	(tag) =	ssettag $0x0;
	lr =	simm.s32 $0x1  }
0x2: {  	[smem:$0x3F9F] =	sst lr;
	_ =	strace $0xD0000000  }
0x3: {  	_ = 	snop  }
0x4: {  	_ = 	snop  }
0x5: {  	_ = 	snop  }
0x6: {  	_ = 	snop  }
0x7: {  	_ = 	snop  }
__scs_overlays_trampoline_lowered:
0x8: {  	[smem:$0x3FAE] =	sst s0  }
0x9: {  	[smem:$0x3FAF] =	sst s1  }
0xa: {  	[smem:$0x3FB0] =	sst s2  }
0xb: {  	[smem:$0x3FB1] =	sst s3  }
0xc: {  	[smem:$0x3FB2] =	sst s4  }
0xd: {  	[smem:$0x3FB3] =	sst s5  }
0xe: {  	[smem:$0x3FB4] =	sst s6  }
0xf: {  	[smem:$0x3FB5] =	sst s7  }
0x10: {  	[smem:$0x3FB6] =	sst s8  }
0x11: {  	[smem:$0x3FB7] =	sst s9;
	s0 =	simm.s32 @!p0 $0x0  }
0x12: {  	s1 =	sld [smem:$0x3F9D];
	s0 =	simm.s32 @p0 $0x1  }
0x13: {  	[smem:$0x3FB8] =	sst s0;
	s0 =	simm.s32 @!p1 $0x0  }
0x14: {  	s2 =	sld [smem:$0x3F9C];
	s0 =	simm.s32 @p1 $0x1  }
0x15: {  	[smem:$0x3FB9] =	sst s0;
	s0 =	simm.s32 @!p2 $0x0  }
0x16: {  	s3 =	sld [smem:$0x3FDB];
	s0 =	simm.s32 @p2 $0x1  }
0x17: {  	s4 =	simm.s32 $0x1BF5;
	[smem:$0x3FBB] =	sst s0  }
0x18: {  	s0 =	sld [smem:$0x3F9E];
	_ =	swait.ge [sflag:s4], $0x0  }
0x19: {  	s7 =	sld [smem:$0x3F9F]  }
0x1a: {  	s8 =	sadd.s32 $0xFFFFE003, lr  }
0x1b: {  	s9 =	sadd.s32 $0xFFFFFEF7, lr;
	s5 =	simm.s32 $0xFFFFFFFF;
	p2 =	slt.u32 s8, $0xFFFFF086  }
0x1c: {  	p1 =	slt.u32 s9, $0xF7A;
	s5 =	simm.s32 @!p2 $0x0  }
0x1d: {  	s5 =	simm.s32 @p1 $0x1;
	p0 =	seq.s32 s7, s2  }
0x1e: {  	s7 =	smul.u32 @!p0 $0xF7A, s2;
	p2 =	seq.s32 @!p0 s5, $0x0  }
0x1f: {  	s9 =	smul.u32 $0xF7A, s1;
	s8 =	simm.s32 @!p0 $0x1BF5;
	p2 =	por !p2, p0  }
0x20: {  	[sflag:s8] =	ssyncset.s32 @!p0 $0xFFFFF086;
	s6 =	sadd.s32 @!p0 s3, s7;
	s7 =	simm.s32 @!p0 $0x108  }
0x21: {  	s3 =	sadd.s32 s3, s9;
	s6 =	sadd.s32 @!p0 $0x88, s6;
	s7 =	simm.s32 @p2 $0x1082  }
0x22: {  	[simem:s7], [sflag:s8] =	dma.local @!p0 [hbm:s6], $0xF7A  }
0x23: {  	s9 =	sor.u32 $0xD0000000, s2;
	s6 =	simm.s32 $0x108;
	_ =	swait.ge @!p0 [sflag:s8], $0x0  }
0x24: {  	s3 =	sadd.s32 $0x88, s3;
	s6 =	simm.s32 @!p1 $0x1082;
	[sflag:s4] =	ssyncset.s32 $0xFFFFF086  }
0x25: {  	[simem:s6], [sflag:s4] =	dma.local [hbm:s3], $0xF7A  }
0x26: {  	[smem:$0x3F9F] =	sst s1;
	(tag) =	ssettag s2;
	_ =	strace s9  }
0x27: {  	s1 =	sld [smem:$0x3FAF]  }
0x28: {  	s2 =	sld [smem:$0x3FB0]  }
0x29: {  	s4 =	sld [smem:$0x3FB2]  }
0x2a: {  	p0 =	seq.s32 s5, $0x0;
	s5 =	sld [smem:$0x3FB3]  }
0x2b: {  	s6 =	sld [smem:$0x3FB4]  }
0x2c: {  	s7 =	sld [smem:$0x3FB5]  }
0x2d: {  	s3 =	simm.s32 $0x108;
	s8 =	sld [smem:$0x3FB6]  }
0x2e: {  	s3 =	simm.s32 @!p0 $0x1082;
	s9 =	sld [smem:$0x3FB7]  }
0x2f: {  	lr =	sadd.s32 s0, s3;
	s0 =	sld [smem:$0x3FAE]  }
0x30: {  	s3 =	sld [smem:$0x3FB1]  }
0x31: {  	[smem:$0x3FBA] =	sst s10  }
0x32: {  	s10 =	sld [smem:$0x3FB8];
	_ =	sdelay $0x3  }
0x33: {  	p0 =	seq.s32 s10, $0x1;
	s10 =	sld [smem:$0x3FBA];
	_ =	sdelay $0x3  }
0x34: {  	[smem:$0x3FBA] =	sst s10  }
0x35: {  	s10 =	sld [smem:$0x3FB9];
	_ =	sdelay $0x3  }
0x36: {  	p1 =	seq.s32 s10, $0x1;
	s10 =	sld [smem:$0x3FBA];
	_ =	sdelay $0x3  }
0x37: {  	[smem:$0x3FBA] =	sst s10  }
0x38: {  	s10 =	sld [smem:$0x3FBB]  }
0x39: {  	_ = 	snop;
	(pc) =	sbr.ind lr, $3  }
0x3a: {  	_ = 	snop  }
0x3b: {  	_ = 	snop  }
0x3c: {  	p2 =	seq.s32 s10, $0x1;
	s10 =	sld [smem:$0x3FBA]  }
0x3d: {  	_ =	shalt  }
0x3e: {  	_ =	shalt  }
0x3f: {  	_ =	shalt  }
0x40: {  	_ =	shalt  }
0x41: {  	_ =	shalt  }
0x42: {  	_ =	shalt  }
0x43: {  	_ =	shalt  }
0x44: {  	_ =	shalt  }
0x45: {  	_ =	shalt  }
0x46: {  	_ =	shalt  }
0x47: {  	_ =	shalt  }
0x48: {  	_ =	shalt  }
0x49: {  	_ =	shalt  }
0x4a: {  	_ =	shalt  }
0x4b: {  	_ =	shalt  }
0x4c: {  	_ =	shalt  }
0x4d: {  	_ =	shalt  }
0x4e: {  	_ =	shalt  }
0x4f: {  	_ =	shalt  }
0x50: {  	_ =	shalt  }
0x51: {  	_ =	shalt  }
0x52: {  	_ =	shalt  }
0x53: {  	_ =	shalt  }
0x54: {  	_ =	shalt  }
0x55: {  	_ =	shalt  }
0x56: {  	_ =	shalt  }
0x57: {  	_ =	shalt  }
0x58: {  	_ =	shalt  }
0x59: {  	_ =	shalt  }
0x5a: {  	_ =	shalt  }
0x5b: {  	_ =	shalt  }
0x5c: {  	_ =	shalt  }
0x5d: {  	_ =	shalt  }
0x5e: {  	_ =	shalt  }
0x5f: {  	_ =	shalt  }
0x60: {  	_ =	shalt  }
0x61: {  	_ =	shalt  }
0x62: {  	_ =	shalt  }
0x63: {  	_ =	shalt  }
0x64: {  	_ =	shalt  }
0x65: {  	_ =	shalt  }
0x66: {  	_ =	shalt  }
0x67: {  	_ =	shalt  }
0x68: {  	_ =	shalt  }
0x69: {  	_ =	shalt  }
0x6a: {  	_ =	shalt  }
0x6b: {  	_ =	shalt  }
0x6c: {  	_ =	shalt  }
0x6d: {  	_ =	shalt  }
0x6e: {  	_ =	shalt  }
0x6f: {  	_ =	shalt  }
0x70: {  	_ =	shalt  }
0x71: {  	_ =	shalt  }
0x72: {  	_ =	shalt  }
0x73: {  	_ =	shalt  }
0x74: {  	_ =	shalt  }
0x75: {  	_ =	shalt  }
0x76: {  	_ =	shalt  }
0x77: {  	_ =	shalt  }
0x78: {  	_ =	shalt  }
0x79: {  	_ =	shalt  }
0x7a: {  	_ =	shalt  }
0x7b: {  	_ =	shalt  }
0x7c: {  	_ =	shalt  }
0x7d: {  	_ =	shalt  }
0x7e: {  	_ =	shalt  }
0x7f: {  	_ =	shalt  }
0x80: {  	_ =	shalt  }
0x81: {  	_ =	shalt  }
0x82: {  	_ =	shalt  }
0x83: {  	_ =	shalt  }
0x84: {  	_ =	shalt  }
0x85: {  	_ =	shalt  }
0x86: {  	_ =	shalt  }
0x87: {  	_ =	shalt  }
.Lfunc_end0:
.L_simem_size_0:
called_computation.1_lowered:
.L_overlay_start_0:
0x88: {  	s2 =	sld [smem:$0x3FD9]  }
0x89: {  	s3 =	sld [smem:$0x3FFE];
	_ =	sdelay $0x1  }
0x8a: {  	s1 =	srdreg.scid  }
0x8b: {  	s0 =	sand.u32 $0x1, s1  }
0x8c: {  	s16 =	sshll.u32 s0, $0xA;
	s2 =	sadd.s32 s3, s2  }
0x8d: {  	s2 =	sadd.s32 s2, s16  }
0x8e: {  	[smem:$0x3FC6] =	sst s2  }
0x8f: {  	_ = 	snop  }
0x90: {  	(tm) =	ssettm $0x1  }
0x91: {  	s17 =	sld [smem:$0x3FFB];
	_ =	sdelay $0x3  }
0x92: {  	_ =	strace s17  }
0x93: {  	s2 =	sld [smem:$0x3FFC];
	_ =	sdelay $0x3  }
0x94: {  	_ =	strace s2  }
0x95: {  	s2 =	sld [smem:$0x3FFD];
	_ =	sdelay $0x3  }
0x96: {  	_ =	strace s2  }
0x97: {  	_ =	strace $0x8FFFFFFF  }
0x98: {  	s18 =	sld [smem:$0x3FDB];
	_ =	sdelay $0x1  }
0x99: {  	s19 =	simm.s32 $_scs_section_size  }
0x9a: {  	s4 =	simm.s32 $_size__tile_overlayer_lowered;
	s5 =	simm.s32 $_tile_overlayer_lowered  }
0x9b: {  	s22 =	simm.s32 $0x1BFF;
	s21 =	sshll.u32 s5, $0x1;
	s2 =	sadd.s32 s19, s18  }
0x9c: {  	s6 =	simm.s32 $0x0;
	s20 =	sshll.u32 s4, $0x1;
	s4 =	sadd.s32 s21, s2  }
0x9d: {  	[timem:s6], [sflag:s22] =	dma.local [hbm:s4], s20  }
0x9e: {  	_ =	swait.ge [sflag:s22], s20  }
0x9f: {  	s3 =	ssub.s32 $0x0, s20;
	[sflag:s22] =	ssyncset.done $0x0  }
0xa0: {  	[sflag:s22] =	ssyncadd.s32 s3;
	_ =	sdelay $0x1  }
0xa1: {  	s23 =	simm.s32 $0x1B8B  }
0xa2: {  	_ =	swait.ge [sflag:s23], $0x1  }
0xa3: {  	[sflag:s23] =	ssyncset.done $0x0  }
0xa4: {  	s25 =	simm.s32 $0x1B8E;
	s24 =	sld [smem:$0x3FFE];
	[sflag:s23] =	ssyncadd.s32 $0xFFFFFFFF  }
0xa5: {  	s26 =	simm.s32 $execute0_lowered;
	[smem:$0x3FD2] =	sst s25  }
0xa6: {  	s4 =	sshll.u32 s26, $0x1;
	_ =	strace $0x80000049;
	[dreg:$0x1] =	wrdreg $0xFFFFFFFF  }
0xa7: {  	s28 =	simm.s32 $_size_execute0_lowered;
	s2 =	sadd.s32 s2, s4;
	[dreg:$0x0] =	wrdreg $0x0  }
0xa8: {  	s4 =	sshll.u32 s28, $0x1;
	[dreg:$0x2] =	wrdreg s2  }
0xa9: {  	[dreg:$0x3] =	wrdreg s4  }
0xaa: {  	[dreg:$0x4] =	wrdreg $0xC0  }
0xab: {  	_ =	task [dreg:s6], $0x5FFFF  }
0xac: {  	[dreg:$0x1] =	wrdreg $0xFFFFFFFF  }
0xad: {  	[dreg:$0x0] =	wrdreg $0x60  }
0xae: {  	[dreg:$0x2] =	wrdreg s24  }
0xaf: {  	[dreg:$0x3] =	wrdreg $0x9  }
0xb0: {  	_ =	task.clear_ibuf [dreg:s6], $0x4FFFF;
	_ =	strace $0x90000049  }
0xb1: {  	s29 =	simm.s32 $0x9;
	_ =	strace $0x8000004B  }
0xb2: {  	_ =	swait.ge [sflag:s29], $0x1  }
0xb3: {  	[sflag:s29] =	ssyncadd.s32 $0xFFFFFFFF  }
0xb4: {  	_ =	strace $0x9000004B  }
0xb5: {  	_ =	sfence  }
0xb6: {  	s30 =	sld [smem:$0x0];
	_ =	sdelay $0x2  }
0xb7: {  	s31 =	sshll.u32 s1, $0xD;
	s1 =	sshrl.u32 s1, $0x2  }
0xb8: {  	s3 =	sand.u32 $0x4000, s31;
	s1 =	sadd.s32 s1, s30  }
0xb9: {  	s0 =	sor.u32 s3, s0;
	s1 =	sshll.u32 s1, $0x11  }
0xba: {  	s0 =	sor.u32 s1, s0  }
0xbb: {  	s0 =	sadd.s32 $0x8F2B, s0  }
0xbc: {  	[sflag:s0] =	ssyncadd.remote.s32 $0x1  }
0xbd: {  	_ =	sfence.sel $0xFFFF  }
0xbe: {  	[dreg:$0x0] =	wrdreg $0xFFFFFFFF;
	(pc) =	sbr.abs _section_cstart, $3  }
0xbf: {  	[dreg:$0x1] =	wrdreg $0xFFFFFFFF  }
0xc0: {  	_ =	task.clear_ibuf [dreg:s6], $0x2FFFF;
	_ =	strace $0x9FFFFFFF  }
0xc1: {  	(tm) =	ssettm $0x7FFFFFFF  }
tec
execute0_lowered:
.L_overlay_start_1:
0x0: {  	(tag) =	ssettag $0x1  }
0x1: {  	s1 =	srdreg.scid;
	s7 =	stileid.u32  }
0x2: {  	s1 =	sand.u32 $0x1, s1;
	s3 =	sshll.u32 s7, $0x1  }
0x3: {  	s0 =	rddreg [dreg:$0x0];
	s2 =	simm.s32 $0x0;
	s3 =	sor.u32 s1, s3  }
0x4: {  	[smem:$0x7FF] =	sst s2;
	s4 =	sadd.s32 $0x28000, s0;
	s9 =	sshll.u32 s3, $0x8  }
0x5: {  	_ =	strace $0x8000004A;
	[dreg:$0x2] =	wrdreg s4;
	s4 =	sadd.s32 s0, s9  }
0x6: {  	s10 =	sadd.s32 $0x1400, s4  }
0x7: {  	s11 =	sadd.s32 $0x2800, s4;
	[dreg:$0x3] =	wrdreg s10  }
0x8: {  	s12 =	sadd.s32 $0x3C00, s4;
	[dreg:$0x4] =	wrdreg s11  }
0x9: {  	p1 =	sgt.u32 s7, $0x9;
	s13 =	sadd.s32 $0x5000, s4;
	[dreg:$0x5] =	wrdreg s12  }
0xa: {  	s1 =	ssub.s32 $0x2, s1;
	s14 =	sadd.s32 $0x6400, s4;
	[dreg:$0x6] =	wrdreg s13  }
0xb: {  	s5 =	sshll.u32 s3, $0x1;
	s15 =	sadd.s32 $0x7800, s4;
	[dreg:$0x7] =	wrdreg s14  }
0xc: {  	s6 =	sshrl.u32 s1, $0x1;
	s16 =	sadd.s32 $0x8C00, s4;
	[dreg:$0x8] =	wrdreg s15  }
0xd: {  	p0 =	sne.s32 s3, $0x14;
	s17 =	sadd.s32 $0xA000, s4;
	[dreg:$0x9] =	wrdreg s16  }
0xe: {  	s5 =	sadd.s32 s5, s0;
	s18 =	sadd.s32 $0xB400, s4;
	[dreg:$0xa] =	wrdreg s17  }
0xf: {  	s1 =	ssub.s32 s1, s6;
	s19 =	sadd.s32 $0xC800, s4;
	[dreg:$0xb] =	wrdreg s18  }
0x10: {  	s20 =	sadd.s32 $0xDC00, s4;
	s21 =	sadd.s32 $0xF000, s4;
	[dreg:$0xc] =	wrdreg s19  }
0x11: {  	s22 =	sadd.s32 $0x10400, s4;
	s23 =	sadd.s32 $0x11800, s4;
	[dreg:$0xd] =	wrdreg s20  }
0x12: {  	s24 =	sadd.s32 $0x12C00, s4;
	s25 =	sadd.s32 $0x14000, s4;
	[dreg:$0xe] =	wrdreg s21  }
0x13: {  	s26 =	sadd.s32 $0x15400, s4;
	s5 =	sadd.s32 $0x28200, s5;
	[dreg:$0xf] =	wrdreg s22  }
0x14: {  	s28 =	sadd.s32 $0x17C00, s4;
	s29 =	sadd.s32 $0x19000, s4;
	[dreg:$0x10] =	wrdreg s23  }
0x15: {  	s30 =	sadd.s32 $0x1A400, s4;
	s31 =	sadd.s32 $0x1B800, s4;
	[dreg:$0x11] =	wrdreg s24  }
0x16: {  	s3 =	sadd.s32 $0x1F400, s4;
	s6 =	sadd.s32 $0x21C00, s4;
	[dreg:$0x12] =	wrdreg s25  }
0x17: {  	s7 =	sadd.s32 $0x23000, s4;
	s8 =	sadd.s32 $0x24400, s4;
	[dreg:$0x13] =	wrdreg s26  }
.Ltmp0:
0x18: {  	s9 =	sadd.s32 $0x25800, s4;
	[dreg:$0x14] =	wrdreg s5;
	(pc) =	sbr.rel .LBB2_1-.Ltmp0, $4  }
0x19: {  	v0 =	vlaneseq.u32;
	s23 =	sadd.s32 $0x28228, s0;
	s24 =	sadd.s32 $0x2822A, s0;
	s25 =	smax.u32 s1, $0x1  }
0x1a: {  	v0 =	vmul.u32 $0xFFFFFFFF, v0;
	s26 =	sadd.s32 $0x16800, s4;
	s0 =	sadd.s32 $0x1CC00, s4;
	s1 =	sadd.s32 $0x1E000, s4  }
0x1b: {  	s5 =	sadd.s32 $0x20800, s4;
	s10 =	sadd.s32 $0x26C00, s4;
	s11 =	simm.s32 $0x1  }
0x1c: {  	vm0 =	vcmask $0x300;
	vm1 =	vcmask $0x704;
	v1 =	vadd.s32 $0xF, v0;
	s12 =	simm.s32 $0x11400;
	s13 =	simm.s32 $0x2;
	s14 =	simm.s32 $0x0  }
.LBB2_10:
0x1d: {  	v4 =	vadd.f32 v5, v4;
	_ =	sdelay $0x1  }
0x1e: {  	[tilespmem:$0x11400] =	vst v4  }
0x1f: {  	[hbm4b:s23+s2] =	stream.linear.scatter [tilespmem:s12], [sflag:$0x2], $0x10, $0x38;
	[tilespmem:$0x11480] =	vst v63  }
0x20: {  	_ =	swait.ge [sflag:s13], $0x10  }
0x21: {  	v2 =	vadd.f32 v3, v2;
	[sflag:s13] =	ssyncset.done $0x0  }
0x22: {  	[sflag:s13] =	ssyncadd.s32 $0xFFFFFFF0  }
0x23: {  	[tilespmem:$0x11400] =	vst v2  }
0x24: {  	[hbm4b:s24+s2] =	stream.linear.scatter [tilespmem:s12], [sflag:$0x2], $0x10, $0x38;
	[tilespmem:$0x11480] =	vst v63  }
0x25: {  	_ =	swait.ge [sflag:s13], $0x10  }
0x26: {  	[sflag:s13] =	ssyncset.done $0x0  }
0x27: {  	[sflag:s13] =	ssyncadd.s32 $0xFFFFFFF0  }
.LBB2_11:
0x28: {  	s14 =	sadd.s32 $0x1, s14  }
0x29: {  	p2 =	sne.s32 s14, s25  }
.Ltmp1:
0x2a: {  	_ = 	snop;
	(pc) =	sbr.rel @!p2 .LBB2_12-.Ltmp1, $1  }
0x2b: {  	_ =	sdelay $0x3  }
.LBB2_1:
.Ltmp2:
0x2c: {  	(pc) =	sbr.rel @p1 .LBB2_7-.Ltmp2, $1  }
0x2d: {  	_ =	sdelay $0x3  }
0x2e: {  	s17 =	simm.s32 $0x0  }
0x2f: {  	[tilespmem:s17], [sflag:$0x1] =	stream.linear.gather [hbm4b:s4+s17], $0x800, $0x38;
	[tilespmem:$0x11480] =	vst v63  }
0x30: {  	s15 =	rddreg [dreg:$0x3];
	s16 =	simm.s32 $0x800  }
0x31: {  	[tilespmem:s16], [sflag:$0x1] =	stream.linear.gather [hbm4b:s15+s17], $0x800, $0x38;
	[tilespmem:$0x11480] =	vst v63  }
0x32: {  	s19 =	rddreg [dreg:$0x4];
	s20 =	simm.s32 $0x1000  }
0x33: {  	[tilespmem:s20], [sflag:$0x1] =	stream.linear.gather [hbm4b:s19+s17], $0x800, $0x38;
	[tilespmem:$0x11480] =	vst v63  }
0x34: {  	s21 =	rddreg [dreg:$0x5];
	s22 =	simm.s32 $0x1800  }
0x35: {  	[tilespmem:s22], [sflag:$0x1] =	stream.linear.gather [hbm4b:s21+s17], $0x800, $0x38;
	[tilespmem:$0x11480] =	vst v63  }
0x36: {  	s18 =	simm.s32 $0x2000;
	s16 =	rddreg [dreg:$0x6]  }
0x37: {  	[tilespmem:s18], [sflag:$0x1] =	stream.linear.gather [hbm4b:s16+s17], $0x800, $0x38;
	[tilespmem:$0x11480] =	vst v63  }
0x38: {  	s19 =	rddreg [dreg:$0x7];
	s20 =	simm.s32 $0x2800  }
0x39: {  	[tilespmem:s20], [sflag:$0x1] =	stream.linear.gather [hbm4b:s19+s17], $0x800, $0x38;
	[tilespmem:$0x11480] =	vst v63  }
0x3a: {  	s21 =	rddreg [dreg:$0x8];
	s22 =	simm.s32 $0x3000  }
0x3b: {  	[tilespmem:s22], [sflag:$0x1] =	stream.linear.gather [hbm4b:s21+s17], $0x800, $0x38;
	[tilespmem:$0x11480] =	vst v63  }
0x3c: {  	s16 =	rddreg [dreg:$0x9];
	s18 =	simm.s32 $0x3800  }
0x3d: {  	[tilespmem:s18], [sflag:$0x1] =	stream.linear.gather [hbm4b:s16+s17], $0x800, $0x38;
	[tilespmem:$0x11480] =	vst v63  }
0x3e: {  	s19 =	rddreg [dreg:$0xa];
	s20 =	simm.s32 $0x4000  }
0x3f: {  	[tilespmem:s20], [sflag:$0x1] =	stream.linear.gather [hbm4b:s19+s17], $0x800, $0x38;
	[tilespmem:$0x11480] =	vst v63  }
0x40: {  	s21 =	rddreg [dreg:$0xb];
	s22 =	simm.s32 $0x4800  }
0x41: {  	[tilespmem:s22], [sflag:$0x1] =	stream.linear.gather [hbm4b:s21+s17], $0x800, $0x38;
	[tilespmem:$0x11480] =	vst v63  }
0x42: {  	s16 =	rddreg [dreg:$0xc];
	s18 =	simm.s32 $0x5000  }
0x43: {  	[tilespmem:s18], [sflag:$0x1] =	stream.linear.gather [hbm4b:s16+s17], $0x800, $0x38;
	[tilespmem:$0x11480] =	vst v63  }
0x44: {  	s19 =	rddreg [dreg:$0xd];
	s20 =	simm.s32 $0x5800  }
0x45: {  	[tilespmem:s20], [sflag:$0x1] =	stream.linear.gather [hbm4b:s19+s17], $0x800, $0x38;
	[tilespmem:$0x11480] =	vst v63  }
0x46: {  	s21 =	rddreg [dreg:$0xe];
	s22 =	simm.s32 $0x6000  }
0x47: {  	[tilespmem:s22], [sflag:$0x1] =	stream.linear.gather [hbm4b:s21+s17], $0x800, $0x38;
	[tilespmem:$0x11480] =	vst v63  }
0x48: {  	s16 =	rddreg [dreg:$0xf];
	s18 =	simm.s32 $0x6800  }
0x49: {  	[tilespmem:s18], [sflag:$0x1] =	stream.linear.gather [hbm4b:s16+s17], $0x800, $0x38;
	[tilespmem:$0x11480] =	vst v63  }
0x4a: {  	s19 =	rddreg [dreg:$0x10];
	s20 =	simm.s32 $0x7000  }
0x4b: {  	[tilespmem:s20], [sflag:$0x1] =	stream.linear.gather [hbm4b:s19+s17], $0x800, $0x38;
	[tilespmem:$0x11480] =	vst v63  }
0x4c: {  	s21 =	rddreg [dreg:$0x11];
	s22 =	simm.s32 $0x7800  }
0x4d: {  	[tilespmem:s22], [sflag:$0x1] =	stream.linear.gather [hbm4b:s21+s17], $0x800, $0x38;
	[tilespmem:$0x11480] =	vst v63  }
0x4e: {  	s16 =	rddreg [dreg:$0x12];
	s18 =	simm.s32 $0x8000  }
0x4f: {  	[tilespmem:s18], [sflag:$0x1] =	stream.linear.gather [hbm4b:s16+s17], $0x800, $0x38;
	[tilespmem:$0x11480] =	vst v63  }
0x50: {  	s19 =	rddreg [dreg:$0x13];
	s20 =	simm.s32 $0x8800  }
0x51: {  	[tilespmem:s20], [sflag:$0x1] =	stream.linear.gather [hbm4b:s19+s17], $0x800, $0x38;
	[tilespmem:$0x11480] =	vst v63  }
0x52: {  	s21 =	simm.s32 $0x9000  }
0x53: {  	[tilespmem:s21], [sflag:$0x1] =	stream.linear.gather [hbm4b:s26+s17], $0x800, $0x38;
	[tilespmem:$0x11480] =	vst v63  }
0x54: {  	s22 =	simm.s32 $0x9800  }
0x55: {  	[tilespmem:s22], [sflag:$0x1] =	stream.linear.gather [hbm4b:s28+s17], $0x800, $0x38;
	[tilespmem:$0x11480] =	vst v63  }
0x56: {  	s16 =	simm.s32 $0xA000  }
0x57: {  	[tilespmem:s16], [sflag:$0x1] =	stream.linear.gather [hbm4b:s29+s17], $0x800, $0x38;
	[tilespmem:$0x11480] =	vst v63  }
0x58: {  	s18 =	simm.s32 $0xA800  }
0x59: {  	[tilespmem:s18], [sflag:$0x1] =	stream.linear.gather [hbm4b:s30+s17], $0x800, $0x38;
	[tilespmem:$0x11480] =	vst v63  }
0x5a: {  	s19 =	simm.s32 $0xB000  }
0x5b: {  	[tilespmem:s19], [sflag:$0x1] =	stream.linear.gather [hbm4b:s31+s17], $0x800, $0x38;
	[tilespmem:$0x11480] =	vst v63  }
0x5c: {  	s20 =	simm.s32 $0xB800  }
0x5d: {  	[tilespmem:s20], [sflag:$0x1] =	stream.linear.gather [hbm4b:s0+s17], $0x800, $0x38;
	[tilespmem:$0x11480] =	vst v63  }
0x5e: {  	s21 =	simm.s32 $0xC000  }
0x5f: {  	[tilespmem:s21], [sflag:$0x1] =	stream.linear.gather [hbm4b:s1+s17], $0x800, $0x38;
	[tilespmem:$0x11480] =	vst v63  }
0x60: {  	s22 =	simm.s32 $0xC800  }
0x61: {  	[tilespmem:s22], [sflag:$0x1] =	stream.linear.gather [hbm4b:s3+s17], $0x800, $0x38;
	[tilespmem:$0x11480] =	vst v63  }
0x62: {  	s16 =	simm.s32 $0xD000  }
0x63: {  	[tilespmem:s16], [sflag:$0x1] =	stream.linear.gather [hbm4b:s5+s17], $0x800, $0x38;
	[tilespmem:$0x11480] =	vst v63  }
0x64: {  	s18 =	simm.s32 $0xD800  }
0x65: {  	[tilespmem:s18], [sflag:$0x1] =	stream.linear.gather [hbm4b:s6+s17], $0x800, $0x38;
	[tilespmem:$0x11480] =	vst v63  }
0x66: {  	s19 =	simm.s32 $0xE000  }
0x67: {  	[tilespmem:s19], [sflag:$0x1] =	stream.linear.gather [hbm4b:s7+s17], $0x800, $0x38;
	[tilespmem:$0x11480] =	vst v63  }
0x68: {  	s20 =	simm.s32 $0xE800  }
0x69: {  	[tilespmem:s20], [sflag:$0x1] =	stream.linear.gather [hbm4b:s8+s17], $0x800, $0x38;
	[tilespmem:$0x11480] =	vst v63  }
0x6a: {  	s21 =	simm.s32 $0xF000  }
0x6b: {  	[tilespmem:s21], [sflag:$0x1] =	stream.linear.gather [hbm4b:s9+s17], $0x800, $0x38;
	[tilespmem:$0x11480] =	vst v63  }
0x6c: {  	s22 =	simm.s32 $0xF800  }
0x6d: {  	[tilespmem:s22], [sflag:$0x1] =	stream.linear.gather [hbm4b:s10+s17], $0x800, $0x38;
	[tilespmem:$0x11480] =	vst v63  }
0x6e: {  	_ =	swait.ge [sflag:s11], $0x800  }
0x6f: {  	[sflag:s11] =	ssyncset.done $0x0  }
0x70: {  	[sflag:s11] =	ssyncadd.s32 $0xFFFFF800  }
0x71: {  	_ =	swait.ge [sflag:s11], $0x800  }
0x72: {  	[sflag:s11] =	ssyncset.done $0x0  }
0x73: {  	[sflag:s11] =	ssyncadd.s32 $0xFFFFF800  }
0x74: {  	_ =	swait.ge [sflag:s11], $0x800  }
0x75: {  	[sflag:s11] =	ssyncset.done $0x0  }
0x76: {  	[sflag:s11] =	ssyncadd.s32 $0xFFFFF800  }
0x77: {  	_ =	swait.ge [sflag:s11], $0x800  }
0x78: {  	[sflag:s11] =	ssyncset.done $0x0  }
0x79: {  	[sflag:s11] =	ssyncadd.s32 $0xFFFFF800  }
0x7a: {  	_ =	swait.ge [sflag:s11], $0x800  }
0x7b: {  	[sflag:s11] =	ssyncset.done $0x0  }
0x7c: {  	[sflag:s11] =	ssyncadd.s32 $0xFFFFF800  }
0x7d: {  	_ =	swait.ge [sflag:s11], $0x800  }
0x7e: {  	[sflag:s11] =	ssyncset.done $0x0  }
0x7f: {  	[sflag:s11] =	ssyncadd.s32 $0xFFFFF800  }
0x80: {  	_ =	swait.ge [sflag:s11], $0x800  }
0x81: {  	[sflag:s11] =	ssyncset.done $0x0  }
0x82: {  	[sflag:s11] =	ssyncadd.s32 $0xFFFFF800  }
0x83: {  	_ =	swait.ge [sflag:s11], $0x800  }
0x84: {  	[sflag:s11] =	ssyncset.done $0x0  }
0x85: {  	[sflag:s11] =	ssyncadd.s32 $0xFFFFF800  }
0x86: {  	_ =	swait.ge [sflag:s11], $0x800  }
0x87: {  	[sflag:s11] =	ssyncset.done $0x0  }
0x88: {  	[sflag:s11] =	ssyncadd.s32 $0xFFFFF800  }
0x89: {  	_ =	swait.ge [sflag:s11], $0x800  }
0x8a: {  	[sflag:s11] =	ssyncset.done $0x0  }
0x8b: {  	[sflag:s11] =	ssyncadd.s32 $0xFFFFF800  }
0x8c: {  	_ =	swait.ge [sflag:s11], $0x800  }
0x8d: {  	[sflag:s11] =	ssyncset.done $0x0  }
0x8e: {  	[sflag:s11] =	ssyncadd.s32 $0xFFFFF800  }
0x8f: {  	_ =	swait.ge [sflag:s11], $0x800  }
0x90: {  	[sflag:s11] =	ssyncset.done $0x0  }
0x91: {  	[sflag:s11] =	ssyncadd.s32 $0xFFFFF800  }
0x92: {  	_ =	swait.ge [sflag:s11], $0x800  }
0x93: {  	[sflag:s11] =	ssyncset.done $0x0  }
0x94: {  	[sflag:s11] =	ssyncadd.s32 $0xFFFFF800  }
0x95: {  	_ =	swait.ge [sflag:s11], $0x800  }
0x96: {  	[sflag:s11] =	ssyncset.done $0x0  }
0x97: {  	[sflag:s11] =	ssyncadd.s32 $0xFFFFF800  }
0x98: {  	_ =	swait.ge [sflag:s11], $0x800  }
0x99: {  	[sflag:s11] =	ssyncset.done $0x0  }
0x9a: {  	[sflag:s11] =	ssyncadd.s32 $0xFFFFF800  }
0x9b: {  	_ =	swait.ge [sflag:s11], $0x800  }
0x9c: {  	[sflag:s11] =	ssyncset.done $0x0  }
0x9d: {  	[sflag:s11] =	ssyncadd.s32 $0xFFFFF800  }
0x9e: {  	_ =	swait.ge [sflag:s11], $0x800  }
0x9f: {  	[sflag:s11] =	ssyncset.done $0x0  }
0xa0: {  	[sflag:s11] =	ssyncadd.s32 $0xFFFFF800  }
0xa1: {  	_ =	swait.ge [sflag:s11], $0x800  }
0xa2: {  	[sflag:s11] =	ssyncset.done $0x0  }
0xa3: {  	[sflag:s11] =	ssyncadd.s32 $0xFFFFF800  }
0xa4: {  	_ =	swait.ge [sflag:s11], $0x800  }
0xa5: {  	[sflag:s11] =	ssyncset.done $0x0  }
0xa6: {  	[sflag:s11] =	ssyncadd.s32 $0xFFFFF800  }
0xa7: {  	_ =	swait.ge [sflag:s11], $0x800  }
0xa8: {  	[sflag:s11] =	ssyncset.done $0x0  }
0xa9: {  	[sflag:s11] =	ssyncadd.s32 $0xFFFFF800  }
0xaa: {  	_ =	swait.ge [sflag:s11], $0x800  }
0xab: {  	[sflag:s11] =	ssyncset.done $0x0  }
0xac: {  	[sflag:s11] =	ssyncadd.s32 $0xFFFFF800  }
0xad: {  	_ =	swait.ge [sflag:s11], $0x800  }
0xae: {  	[sflag:s11] =	ssyncset.done $0x0  }
0xaf: {  	[sflag:s11] =	ssyncadd.s32 $0xFFFFF800  }
0xb0: {  	_ =	swait.ge [sflag:s11], $0x800  }
0xb1: {  	[sflag:s11] =	ssyncset.done $0x0  }
0xb2: {  	[sflag:s11] =	ssyncadd.s32 $0xFFFFF800  }
0xb3: {  	_ =	swait.ge [sflag:s11], $0x800  }
0xb4: {  	[sflag:s11] =	ssyncset.done $0x0  }
0xb5: {  	[sflag:s11] =	ssyncadd.s32 $0xFFFFF800  }
0xb6: {  	_ =	swait.ge [sflag:s11], $0x800  }
0xb7: {  	[sflag:s11] =	ssyncset.done $0x0  }
0xb8: {  	[sflag:s11] =	ssyncadd.s32 $0xFFFFF800  }
0xb9: {  	_ =	swait.ge [sflag:s11], $0x800  }
0xba: {  	[sflag:s11] =	ssyncset.done $0x0  }
0xbb: {  	[sflag:s11] =	ssyncadd.s32 $0xFFFFF800  }
0xbc: {  	_ =	swait.ge [sflag:s11], $0x800  }
0xbd: {  	[sflag:s11] =	ssyncset.done $0x0  }
0xbe: {  	[sflag:s11] =	ssyncadd.s32 $0xFFFFF800  }
0xbf: {  	_ =	swait.ge [sflag:s11], $0x800  }
0xc0: {  	[sflag:s11] =	ssyncset.done $0x0  }
0xc1: {  	[sflag:s11] =	ssyncadd.s32 $0xFFFFF800  }
0xc2: {  	_ =	swait.ge [sflag:s11], $0x800  }
0xc3: {  	[sflag:s11] =	ssyncset.done $0x0  }
0xc4: {  	[sflag:s11] =	ssyncadd.s32 $0xFFFFF800  }
0xc5: {  	_ =	swait.ge [sflag:s11], $0x800  }
0xc6: {  	[sflag:s11] =	ssyncset.done $0x0  }
0xc7: {  	[sflag:s11] =	ssyncadd.s32 $0xFFFFF800  }
0xc8: {  	_ =	swait.ge [sflag:s11], $0x800  }
0xc9: {  	[sflag:s11] =	ssyncset.done $0x0  }
0xca: {  	[sflag:s11] =	ssyncadd.s32 $0xFFFFF800  }
0xcb: {  	_ =	swait.ge [sflag:s11], $0x800  }
0xcc: {  	[sflag:s11] =	ssyncset.done $0x0  }
0xcd: {  	s18 =	sand.u32 $0x7F0, s17;
	[sflag:s11] =	ssyncadd.s32 $0xFFFFF800  }
0xce: {  	v10 =	vld [tilespmem:s18+$0xC000]  }
0xcf: {  	v3 =	vld [tilespmem:s18+$0x2800]  }
0xd0: {  	v7 =	vld [tilespmem:s18+$0x1800]  }
0xd1: {  	v11 =	vld [tilespmem:s18+$0x1000]  }
0xd2: {  	v8 =	vld [tilespmem:s18+$0x800]  }
0xd3: {  	v9 =	vld [tilespmem:s17+$0x0]  }
0xd4: {  	v4 =	vld [tilespmem:s18+$0xC800]  }
0xd5: {  	s15 =	simm.s32 $0x10800;
	s16 =	simm.s32 $0x10000;
	v5 =	vld [tilespmem:s18+$0xD000]  }
0xd6: {  	v2 =	vimm.s32 $0x0;
	s19 =	simm.s32 $0x10000;
	s20 =	simm.s32 $0x10800;
	s21 =	simm.s32 $0x10;
	v14 =	vand.u32 $0xFFFF, v3;
	v15 =	vshra.s32 v3, $0x10;
	v3 =	vld [tilespmem:s18+$0xD800]  }
.LBB2_3:
0xd7: {  	v12 =	vshra.s32 v11, $0x10;
	v11 =	vand.u32 $0xFFFF, v11;
	v13 =	vld [tilespmem:s18+$0xE000];
	s17 =	sadd.s32 $0x10, s17;
	s19 =	sadd.s32 $0x10, s19;
	s20 =	sadd.s32 $0x10, s20  }
0xd8: {  	p2 =	sne.s32 s21, $0x7F0;
	v17 =	vand.u32 $0xFFFF, v7;
	v6 =	vshra.s32 v10, $0x10;
	s22 =	smov.u32 s21;
	s21 =	sadd.s32 $0x10, s21;
	v16 =	vand.u32 $0xFFFF, v9;
	v18 =	vld [tilespmem:s18+$0x2000]  }
0xd9: {  	v19 =	vand.u32 $0xFFFF, v8;
	v20 =	vshra.s32 v7, $0x10;
	v21 =	vld [tilespmem:s18+$0x3000];
	v7 =	vshra.s32 v4, $0x10  }
0xda: {  	v22 =	vshra.s32 v8, $0x10;
	v9 =	vshra.s32 v9, $0x10;
	v23 =	vld [tilespmem:s18+$0x3800];
	v8 =	vand.u32 $0xFFFF, v5  }
0xdb: {  	v22 =	vadd.s32 v9, v22;
	v9 =	vand.u32 $0xFFFF, v4;
	v4 =	vshra.s32 v5, $0x10  }
0xdc: {  	v22 =	vadd.s32 v12, v22;
	v12 =	vand.u32 $0xFFFF, v10;
	v5 =	vshra.s32 v3, $0x10;
	v24 =	vld [tilespmem:s18+$0x4000]  }
0xdd: {  	v10 =	vadd.s32 v16, v19;
	v16 =	vadd.s32 v20, v22;
	v3 =	vand.u32 $0xFFFF, v3;
	v19 =	vld [tilespmem:s18+$0xF000]  }
0xde: {  	v20 =	vadd.s32 v11, v10;
	v10 =	vshra.s32 v13, $0x10;
	v11 =	vand.u32 $0xFFFF, v13;
	v22 =	vld [tilespmem:s18+$0xF800]  }
0xdf: {  	v13 =	vshra.s32 v18, $0x10;
	v25 =	vshra.s32 v21, $0x10;
	v21 =	vand.u32 $0xFFFF, v21;
	v26 =	vld [tilespmem:s18+$0x4800]  }
0xe0: {  	v17 =	vadd.s32 v17, v20;
	v20 =	vshra.s32 v23, $0x10;
	v23 =	vand.u32 $0xFFFF, v23;
	v27 =	vld [tilespmem:s18+$0x5000]  }
0xe1: {  	v16 =	vadd.s32 v13, v16;
	v13 =	vand.u32 $0xFFFF, v18;
	v18 =	vshra.s32 v24, $0x10;
	v28 =	vld [tilespmem:s18+$0x5800]  }
0xe2: {  	v17 =	vadd.s32 v13, v17;
	v24 =	vand.u32 $0xFFFF, v24;
	v13 =	vand.u32 $0xFFFF, v19  }
0xe3: {  	v16 =	vadd.s32 v15, v16;
	v19 =	vshra.s32 v19, $0x10;
	v29 =	vld [tilespmem:s18+$0xB800];
	v15 =	vshra.s32 v22, $0x10  }
0xe4: {  	v16 =	vadd.s32 v25, v16;
	v22 =	vand.u32 $0xFFFF, v22;
	v25 =	vand.u32 $0xFFFF, v26;
	v30 =	vld [tilespmem:s18+$0x6000]  }
0xe5: {  	v16 =	vadd.s32 v20, v16;
	v20 =	vshra.s32 v26, $0x10;
	v26 =	vand.u32 $0xFFFF, v27;
	v31 =	vld [tilespmem:s18+$0x6800]  }
0xe6: {  	v14 =	vadd.s32 v14, v17;
	v16 =	vadd.s32 v18, v16;
	v17 =	vand.u32 $0xFFFF, v28;
	v18 =	vld [tilespmem:s18+$0x7000]  }
0xe7: {  	s22 =	sand.u32 $0x7F0, s22;
	v16 =	vadd.s32 v20, v16;
	v20 =	vshra.s32 v27, $0x10;
	v27 =	vshra.s32 v28, $0x10  }
0xe8: {  	v14 =	vadd.s32 v21, v14;
	v16 =	vadd.s32 v20, v16;
	v20 =	vld [tilespmem:s18+$0x7800];
	v21 =	vshra.s32 v29, $0x10  }
0xe9: {  	v14 =	vadd.s32 v23, v14;
	v16 =	vadd.s32 v27, v16;
	v23 =	vshra.s32 v30, $0x10;
	v27 =	vld [tilespmem:s18+$0x8000]  }
0xea: {  	v14 =	vadd.s32 v24, v14;
	v16 =	vadd.s32 v23, v16;
	v23 =	vshra.s32 v31, $0x10  }
0xeb: {  	v14 =	vadd.s32 v25, v14;
	v24 =	vand.u32 $0xFFFF, v30;
	v25 =	vand.u32 $0xFFFF, v31;
	v28 =	vld [tilespmem:s18+$0x8800]  }
0xec: {  	v14 =	vadd.s32 v26, v14;
	v26 =	vshra.s32 v18, $0x10;
	v18 =	vand.u32 $0xFFFF, v18;
	v30 =	vld [tilespmem:s18+$0x9000]  }
0xed: {  	v14 =	vadd.s32 v17, v14;
	v16 =	vadd.s32 v23, v16;
	v17 =	vand.u32 $0xFFFF, v20  }
0xee: {  	v14 =	vadd.s32 v24, v14;
	v20 =	vshra.s32 v20, $0x10;
	v23 =	vshra.s32 v27, $0x10;
	v24 =	vld [tilespmem:s18+$0x9800]  }
0xef: {  	v14 =	vadd.s32 v25, v14;
	v16 =	vadd.s32 v26, v16;
	v25 =	vand.u32 $0xFFFF, v27  }
0xf0: {  	v14 =	vadd.s32 v18, v14;
	v16 =	vadd.s32 v20, v16;
	v18 =	vshra.s32 v28, $0x10;
	v20 =	vld [tilespmem:s18+$0xA000]  }
0xf1: {  	v14 =	vadd.s32 v17, v14;
	v16 =	vadd.s32 v23, v16;
	v17 =	vand.u32 $0xFFFF, v28;
	v23 =	vld [tilespmem:s18+$0xA800]  }
0xf2: {  	v14 =	vadd.s32 v25, v14;
	v25 =	vshra.s32 v30, $0x10;
	v26 =	vand.u32 $0xFFFF, v30;
	v27 =	vld [tilespmem:s18+$0xB000]  }
0xf3: {  	v16 =	vadd.s32 v18, v16;
	v14 =	vadd.s32 v17, v14;
	v17 =	vand.u32 $0xFFFF, v24  }
0xf4: {  	v16 =	vadd.s32 v25, v16;
	v14 =	vadd.s32 v26, v14;
	v18 =	vshra.s32 v24, $0x10  }
0xf5: {  	v16 =	vadd.s32 v18, v16;
	v14 =	vadd.s32 v17, v14;
	v17 =	vand.u32 $0xFFFF, v20  }
0xf6: {  	v18 =	vshra.s32 v20, $0x10;
	v14 =	vadd.s32 v17, v14;
	v17 =	vshra.s32 v23, $0x10  }
0xf7: {  	v16 =	vadd.s32 v18, v16;
	v18 =	vand.u32 $0xFFFF, v23;
	v20 =	vand.u32 $0xFFFF, v27  }
0xf8: {  	v16 =	vadd.s32 v17, v16;
	v14 =	vadd.s32 v18, v14;
	v17 =	vshra.s32 v27, $0x10  }
0xf9: {  	v16 =	vadd.s32 v17, v16;
	v14 =	vadd.s32 v20, v14;
	v17 =	vand.u32 $0xFFFF, v29;
	v18 =	vld [tilespmem:s18+$0xE800];
	s18 =	smov.u32 s22  }
0xfa: {  	v16 =	vadd.s32 v21, v16;
	v14 =	vadd.s32 v17, v14  }
0xfb: {  	v6 =	vadd.s32 v6, v16;
	v12 =	vadd.s32 v12, v14  }
0xfc: {  	v6 =	vadd.s32 v7, v6;
	v7 =	vadd.s32 v9, v12  }
0xfd: {  	v4 =	vadd.s32 v4, v6;
	v6 =	vadd.s32 v8, v7  }
0xfe: {  	v4 =	vadd.s32 v5, v4;
	v3 =	vadd.s32 v3, v6;
	v5 =	vshra.s32 v18, $0x10  }
0xff: {  	v4 =	vadd.s32 v10, v4;
	v3 =	vadd.s32 v11, v3;
	v6 =	vand.u32 $0xFFFF, v18  }
0x100: {  	v4 =	vadd.s32 v5, v4;
	v3 =	vadd.s32 v6, v3  }
0x101: {  	v4 =	vadd.s32 v19, v4;
	v3 =	vadd.s32 v13, v3  }
0x102: {  	v4 =	vadd.s32 v15, v4;
	v3 =	vadd.s32 v22, v3  }
0x103: {  	v2 =	vadd.s32 v2, v3;
	[tilespmem:s16+$0x0] =	vst v4;
	s16 =	smov.u32 s19  }
0x104: {  	[tilespmem:s15+$0x0] =	vst v3;
	s15 =	smov.u32 s20  }
0x105: {  	v10 =	vld [tilespmem:s18+$0xC000]  }
0x106: {  	v3 =	vld [tilespmem:s18+$0x2800]  }
0x107: {  	v7 =	vld [tilespmem:s18+$0x1800]  }
0x108: {  	v11 =	vld [tilespmem:s18+$0x1000]  }
.Ltmp3:
0x109: {  	v8 =	vld [tilespmem:s18+$0x800];
	(pc) =	sbr.rel @p2 .LBB2_3-.Ltmp3, $4  }
0x10a: {  	v9 =	vld [tilespmem:s17+$0x0]  }
0x10b: {  	v4 =	vld [tilespmem:s18+$0xC800]  }
0x10c: {  	v14 =	vand.u32 $0xFFFF, v3;
	v5 =	vld [tilespmem:s18+$0xD000]  }
0x10d: {  	v15 =	vshra.s32 v3, $0x10;
	v3 =	vld [tilespmem:s18+$0xD800]  }
0x10e: {  	v6 =	vld [tilespmem:s18+$0xE000]  }
0x10f: {  	v16 =	vld [tilespmem:s18+$0x2000]  }
0x110: {  	v12 =	vshra.s32 v11, $0x10;
	v49 =	vand.u32 $0xFFFF, v11;
	v20 =	vld [tilespmem:s18+$0x3000]  }
0x111: {  	v17 =	vand.u32 $0xFFFF, v7;
	v18 =	vshra.s32 v10, $0x10;
	v19 =	vand.u32 $0xFFFF, v8;
	v21 =	vld [tilespmem:s18+$0x3800]  }
0x112: {  	v7 =	vshra.s32 v7, $0x10;
	v8 =	vshra.s32 v8, $0x10;
	v51 =	vld [tilespmem:s18+$0x4000];
	v50 =	vshra.s32 v9, $0x10  }
0x113: {  	v10 =	vand.u32 $0xFFFF, v10;
	v24 =	vld [tilespmem:s18+$0x4800];
	v13 =	vand.u32 $0xFFFF, v9;
	v8 =	vadd.s32 v50, v8  }
0x114: {  	v25 =	vld [tilespmem:s18+$0x5000];
	v9 =	vand.u32 $0xFFFF, v4;
	v13 =	vadd.s32 v13, v19;
	v4 =	vshra.s32 v4, $0x10  }
0x115: {  	v54 =	vld [tilespmem:s18+$0x5800];
	v22 =	vand.u32 $0xFFFF, v5;
	v8 =	vadd.s32 v12, v8;
	v11 =	vadd.s32 v49, v13  }
0x116: {  	v56 =	vld [tilespmem:s18+$0x6000];
	v7 =	vadd.s32 v7, v8;
	v8 =	vand.u32 $0xFFFF, v3;
	v11 =	vadd.s32 v17, v11  }
0x117: {  	v59 =	vld [tilespmem:s18+$0x6800];
	v13 =	vand.u32 $0xFFFF, v6;
	v52 =	vshra.s32 v16, $0x10;
	v23 =	vshra.s32 v20, $0x10  }
0x118: {  	v61 =	vld [tilespmem:s18+$0x7000];
	v20 =	vand.u32 $0xFFFF, v20;
	v53 =	vshra.s32 v21, $0x10;
	v21 =	vand.u32 $0xFFFF, v21  }
0x119: {  	v63 =	vld [tilespmem:s18+$0x7800];
	v16 =	vand.u32 $0xFFFF, v16;
	v26 =	vshra.s32 v51, $0x10;
	v12 =	vand.u32 $0xFFFF, v51  }
0x11a: {  	v28 =	vld [tilespmem:s18+$0x8000];
	v55 =	vand.u32 $0xFFFF, v24;
	v57 =	vshra.s32 v24, $0x10;
	v11 =	vadd.s32 v16, v11  }
0x11b: {  	v30 =	vld [tilespmem:s18+$0x8800];
	v58 =	vand.u32 $0xFFFF, v25;
	v60 =	vand.u32 $0xFFFF, v54;
	v11 =	vadd.s32 v14, v11  }
0x11c: {  	v32 =	vld [tilespmem:s18+$0x9000];
	v62 =	vshra.s32 v25, $0x10;
	v27 =	vshra.s32 v54, $0x10;
	v11 =	vadd.s32 v20, v11  }
0x11d: {  	v34 =	vld [tilespmem:s18+$0x9800];
	v29 =	vand.u32 $0xFFFF, v56;
	v31 =	vand.u32 $0xFFFF, v59;
	v11 =	vadd.s32 v21, v11  }
0x11e: {  	v37 =	vld [tilespmem:s18+$0xA000];
	v33 =	vand.u32 $0xFFFF, v61;
	v35 =	vshra.s32 v59, $0x10;
	v11 =	vadd.s32 v12, v11  }
0x11f: {  	v39 =	vld [tilespmem:s18+$0xA800];
	v36 =	vand.u32 $0xFFFF, v63;
	v38 =	vand.u32 $0xFFFF, v28;
	v11 =	vadd.s32 v55, v11  }
0x120: {  	v40 =	vand.u32 $0xFFFF, v30;
	v7 =	vadd.s32 v52, v7;
	v11 =	vadd.s32 v58, v11  }
0x121: {  	v41 =	vld [tilespmem:s18+$0xB000];
	v43 =	vand.u32 $0xFFFF, v32;
	v7 =	vadd.s32 v15, v7;
	v11 =	vadd.s32 v60, v11  }
0x122: {  	v44 =	vand.u32 $0xFFFF, v34;
	v7 =	vadd.s32 v23, v7;
	v11 =	vadd.s32 v29, v11  }
0x123: {  	v42 =	vld [tilespmem:s18+$0xB800];
	v45 =	vand.u32 $0xFFFF, v37;
	v7 =	vadd.s32 v53, v7;
	v11 =	vadd.s32 v31, v11  }
0x124: {  	v46 =	vand.u32 $0xFFFF, v39;
	v7 =	vadd.s32 v26, v7;
	v11 =	vadd.s32 v33, v11  }
0x125: {  	v17 =	vshra.s32 v30, $0x10;
	v7 =	vadd.s32 v57, v7;
	v11 =	vadd.s32 v36, v11  }
0x126: {  	v47 =	vand.u32 $0xFFFF, v41;
	v7 =	vadd.s32 v62, v7;
	v11 =	vadd.s32 v38, v11  }
0x127: {  	v15 =	vshra.s32 v56, $0x10;
	v7 =	vadd.s32 v27, v7;
	v11 =	vadd.s32 v40, v11  }
0x128: {  	v49 =	vand.u32 $0xFFFF, v42;
	v7 =	vadd.s32 v15, v7;
	v11 =	vadd.s32 v43, v11  }
0x129: {  	v23 =	vshra.s32 v61, $0x10;
	v7 =	vadd.s32 v35, v7;
	v11 =	vadd.s32 v44, v11  }
0x12a: {  	v16 =	vshra.s32 v63, $0x10;
	v7 =	vadd.s32 v23, v7;
	v11 =	vadd.s32 v45, v11  }
0x12b: {  	v12 =	vshra.s32 v28, $0x10;
	v7 =	vadd.s32 v16, v7;
	v11 =	vadd.s32 v46, v11  }
0x12c: {  	v50 =	vshra.s32 v32, $0x10;
	v7 =	vadd.s32 v12, v7;
	v11 =	vadd.s32 v47, v11  }
0x12d: {  	v51 =	vld [tilespmem:s18+$0xE800];
	v54 =	vshra.s32 v37, $0x10;
	v7 =	vadd.s32 v17, v7;
	v11 =	vadd.s32 v49, v11  }
0x12e: {  	v48 =	vld [tilespmem:s18+$0xF000];
	v52 =	vshra.s32 v34, $0x10;
	v7 =	vadd.s32 v50, v7;
	v10 =	vadd.s32 v10, v11  }
0x12f: {  	v59 =	vshra.s32 v42, $0x10;
	v53 =	vld [tilespmem:s18+$0xF800];
	v7 =	vadd.s32 v52, v7;
	v9 =	vadd.s32 v9, v10  }
0x130: {  	v55 =	vshra.s32 v39, $0x10;
	v7 =	vadd.s32 v54, v7;
	v9 =	vadd.s32 v22, v9  }
0x131: {  	v57 =	vshra.s32 v41, $0x10;
	v7 =	vadd.s32 v55, v7;
	v8 =	vadd.s32 v8, v9  }
0x132: {  	v58 =	vand.u32 $0xFFFF, v51;
	v7 =	vadd.s32 v57, v7;
	v8 =	vadd.s32 v13, v8  }
0x133: {  	v56 =	vand.u32 $0xFFFF, v48;
	v7 =	vadd.s32 v59, v7;
	v8 =	vadd.s32 v58, v8  }
0x134: {  	v60 =	vand.u32 $0xFFFF, v53;
	v7 =	vadd.s32 v18, v7;
	v8 =	vadd.s32 v56, v8  }
0x135: {  	v5 =	vshra.s32 v5, $0x10;
	v4 =	vadd.s32 v4, v7;
	v8 =	vadd.s32 v60, v8  }
0x136: {  	v3 =	vshra.s32 v3, $0x10;
	v4 =	vadd.s32 v5, v4;
	v2 =	vadd.s32 v2, v8  }
0x137: {  	v3 =	vadd.s32 v3, v4;
	(xrf0) =	vadd.scan.msk.s32 $0xffff, v2;
	v2 =	vshra.s32 v6, $0x10  }
0x138: {  	v4 =	vshra.s32 v51, $0x10;
	v2 =	vadd.s32 v2, v3  }
0x139: {  	v3 =	vshra.s32 v48, $0x10;
	v2 =	vadd.s32 v4, v2  }
0x13a: {  	v4 =	vshra.s32 v53, $0x10;
	v2 =	vadd.s32 v3, v2  }
0x13b: {  	v2 =	vadd.s32 v4, v2;
	_ =	sdelay $0x1  }
0x13c: {  	[tilespmem:s16+$0x0] =	vst v2  }
0x13d: {  	s18 =	simm.s32 $0x107F0;
	[tilespmem:s15+$0x0] =	vst v8;
	v2, _, _ =	vpop (xrf0)  }
0x13e: {  	(v2sf) =	vpush v2, $0xF;
	v2 =	vld [tilespmem:s18+$0x0];
	_ =	sdelay $0x1  }
0x13f: {  	s19 =	simm.s32 $0x10FF0  }
0x140: {  	v3 =	vld [tilespmem:s19+$0x0];
	_ =	sdelay $0x1  }
0x141: {  	v2 =	vperm.xlane v2, v1;
	_ =	sdelay $0x1  }
0x142: {  	(xrf0) =	vadd.scan.msk.s32 $0xffff, v2  }
0x143: {  	v3 =	vperm.xlane v3, v1;
	_ =	sdelay $0x1  }
0x144: {  	(xrf0) =	vadd.scan.msk.s32 $0xffff, v3;
	_ =	sdelay $0x2  }
0x145: {  	s20 =	simm.s32 $0x0;
	v4, _, _ =	vpop (xrf0)  }
0x146: {  	v4 =	vadd.s32 s20, v4  }
0x147: {  	v5 =	vxor.u32 $0x80000000, v4  }
0x148: {  	v7, _, _ =	vpop (xrf0);
	(xrf0) =	vmax.scan.msk.u32 $0xffff, v5;
	_ =	sdelay $0x5  }
0x149: {  	v8, _, _ =	vpop (xrf0)  }
0x14a: {  	s15 =	spop (v2sf);
	(v2sf) =	vpush v8, $0xF;
	_ =	sdelay $0x3  }
0x14b: {  	v6 =	vcvt.s32.f32 v2;
	v4 =	vcvt.s32.f32 v4;
	s17 =	scvt.s32.f32 s15  }
0x14c: {  	v3 =	vcvt.s32.f32 v3;
	v5 =	vadd.s32 s20, v7  }
0x14d: {  	v6 =	vsub.f32 v4, v6;
	v7 =	vcvt.s32.f32 v5;
	v2 =	vmov s17  }
0x14e: {  	v5 =	vxor.u32 $0x80000000, v5;
	v4 =	vadd.f32 v4, v2  }
0x14f: {  	(xrf0) =	vmax.scan.msk.u32 $0xffff, v5;
	v6 =	vadd.f32 v6, v2;
	v3 =	vsub.f32 v7, v3  }
0x150: {  	v4 =	vsub.f32 v4, v7  }
0x151: {  	v6 =	vsub.f32 v6, v3  }
0x152: {  	(erf) = vrcp.f32 v4  }
0x153: {  	(erf) = vrcp.f32 v6  }
0x154: {  	s16 =	simm.s32 $0x107E0  }
0x155: {  	v4 =	vld [tilespmem:s16+$0x0];
	v62, _, _ =	vpop (xrf0)  }
0x156: {  	s22 =	spop (v2sf);
	(v2sf) =	vpush v62, $0xF;
	_ =	sdelay $0x1  }
0x157: {  	s17 =	simm.s32 $0x10FE0  }
0x158: {  	v8 =	vld [tilespmem:s17+$0x0]  }
0x159: {  	s21 =	simm.s32 $0x7FF;
	v6 =	vperm.xlane v4, v1;
	v4 =	vsub.f32 v2, v7  }
0x15a: {  	v3 =	vsub.f32 v2, v3;
	v7 =	vadd.s32 s21, v0;
	v5 =	vpop (erf)  }
0x15b: {  	v7 =	vcvt.s32.f32 v7;
	(xrf0) =	vadd.scan.msk.s32 $0xffff, v6;
	v61 =	vpop (erf);
	v4 =	vmul.f32 v5, v4  }
0x15c: {  	v3 =	vmul.f32 v61, v3  }
0x15d: {  	v5 =	vadd.f32 $5.000000000e-01, v7;
	v7 =	vsub.f32 $1.000000000e+00, v4;
	v4 =	vperm.xlane v8, v1  }
0x15e: {  	v3 =	vadd.f32 $-1.000000000e+00, v3  }
0x15f: {  	(xrf0) =	vadd.scan.msk.s32 $0xffff, v4  }
0x160: {  	v8 =	vmul.f32 $4.882812500e-04, v5;
	v63 =	vadd.f32 v3, v7  }
0x161: {  	v5 =	vcvt.s32.f32 v6;
	v7, _, _ =	vpop (xrf0);
	s20 =	sxor.u32 $0x80000000, s22  }
0x162: {  	s19 =	simm.s32 $0x7DF;
	s18 =	simm.s32 $0x7EF;
	v3 =	vimm.f32 $0.0e+00;
	v7 =	vadd.s32 s20, v7;
	v6 =	vmul.f32 v63, v8  }
.LBB2_5:
0x163: {  	p2 =	sne.s32 s19, $0xF  }
0x164: {  	v8 =	vcvt.s32.f32 v7;
	v7 =	vxor.u32 $0x80000000, v7;
	s20 =	spop (v2sf);
	s21 =	smov.u32 s19;
	s19 =	sadd.s32 $0xFFFFFFF0, s19  }
0x165: {  	v9, _, _ =	vpop (xrf0);
	(xrf0) =	vmax.scan.msk.u32 $0xffff, v7;
	v3 =	vadd.f32 v6, v3;
	s20 =	sxor.u32 $0x80000000, s20  }
0x166: {  	v6 =	vadd.s32 s20, v9;
	v5 =	vsub.f32 v8, v5;
	v7 =	vadd.f32 v8, v2  }
0x167: {  	v4 =	vcvt.s32.f32 v4;
	v8 =	vcvt.s32.f32 v6;
	v6 =	vxor.u32 $0x80000000, v6  }
0x168: {  	v5 =	vadd.f32 v5, v2;
	(xrf0) =	vmax.scan.msk.u32 $0xffff, v6  }
0x169: {  	v4 =	vsub.f32 v8, v4;
	v7 =	vsub.f32 v7, v8;
	_ =	sdelay $0x1  }
0x16a: {  	v9 =	vsub.f32 v5, v4;
	(erf) = vrcp.f32 v7;
	v6, _, _ =	vpop (xrf0)  }
0x16b: {  	(v2sf) =	vpush v6, $0xF  }
0x16c: {  	(erf) = vrcp.f32 v9  }
0x16d: {  	s16 =	sadd.s32 $0xFFFFFFF0, s16;
	v5, _, _ =	vpop (xrf0)  }
0x16e: {  	v6 =	vld [tilespmem:s16+$0x0];
	(v2sf) =	vpush v5, $0xF  }
0x16f: {  	s17 =	sadd.s32 $0xFFFFFFF0, s17  }
0x170: {  	v7 =	vld [tilespmem:s17+$0x0];
	_ =	sdelay $0x1  }
0x171: {  	v5 =	vsub.f32 v2, v8  }
0x172: {  	v6 =	vperm.xlane v6, v1;
	v8 =	vpop (erf)  }
0x173: {  	v9 =	vsub.f32 v2, v4;
	v4 =	vadd.s32 s18, v0;
	s18 =	smov.u32 s21;
	v8 =	vmul.f32 v8, v5  }
0x174: {  	v5 =	vcvt.s32.f32 v6;
	(xrf0) =	vadd.scan.msk.s32 $0xffff, v6;
	v6 =	vcvt.s32.f32 v4;
	v10 =	vpop (erf)  }
0x175: {  	v4 =	vperm.xlane v7, v1;
	v7 =	vmul.f32 v10, v9  }
0x176: {  	v6 =	vadd.f32 $5.000000000e-01, v6  }
.Ltmp4:
0x177: {  	v8 =	vsub.f32 $1.000000000e+00, v8;
	(xrf0) =	vadd.scan.msk.s32 $0xffff, v4;
	v9 =	vadd.f32 $-1.000000000e+00, v7;
	(pc) =	sbr.rel @p2 .LBB2_5-.Ltmp4, $4  }
0x178: {  	_ = 	snop  }
0x179: {  	v6 =	vmul.f32 $4.882812500e-04, v6;
	v8 =	vadd.f32 v9, v8;
	s20 =	spop (v2sf)  }
0x17a: {  	v7, _, _ =	vpop (xrf0);
	s20 =	sxor.u32 $0x80000000, s20  }
0x17b: {  	v7 =	vadd.s32 s20, v7;
	v6 =	vmul.f32 v8, v6  }
0x17c: {  	s16 =	spop (v2sf)  }
0x17d: {  	v8 =	vcvt.s32.f32 v7;
	v9, _, _ =	vpop (xrf0);
	s16 =	sxor.u32 $0x80000000, s16  }
0x17e: {  	v9 =	vadd.s32 s16, v9  }
0x17f: {  	v4 =	vcvt.s32.f32 v4;
	v5 =	vsub.f32 v8, v5;
	v10 =	vcvt.s32.f32 v9  }
0x180: {  	v8 =	vadd.f32 v8, v2  }
0x181: {  	v5 =	vadd.f32 v5, v2;
	v4 =	vsub.f32 v10, v4  }
0x182: {  	v8 =	vsub.f32 v8, v10  }
0x183: {  	v5 =	vsub.f32 v5, v4  }
0x184: {  	(erf) = vrcp.f32 v8  }
0x185: {  	(erf) = vrcp.f32 v5;
	_ =	sdelay $0x7  }
0x186: {  	v62 =	vadd.s32 s18, v0;
	v61 =	vsub.f32 v2, v10;
	v2 =	vsub.f32 v2, v4;
	v8 =	vpop (erf)  }
0x187: {  	v4 =	vcvt.s32.f32 v62;
	v63 =	vpop (erf)  }
0x188: {  	v5 =	vmul.f32 v8, v61;
	v2 =	vmul.f32 v63, v2  }
0x189: {  	v4 =	vadd.f32 $5.000000000e-01, v4  }
0x18a: {  	v5 =	vsub.f32 $1.000000000e+00, v5;
	v2 =	vadd.f32 $-1.000000000e+00, v2;
	_ =	sdelay $0x1  }
0x18b: {  	v4 =	vmul.f32 $4.882812500e-04, v4;
	v2 =	vadd.f32 v2, v5;
	_ =	sdelay $0x1  }
0x18c: {  	v3 =	vadd.f32 v6, v3;
	v2 =	vmul.f32 v2, v4;
	_ =	sdelay $0x1  }
0x18d: {  	v2 =	vadd.f32 v2, v3;
	_ =	sdelay $0x1  }
0x18e: {  	(xrf2) =	vadd.scan.msk.f32 $0xffff, v2  }
0x18f: {  	v2 =	vxor.u32 $0x80000000, v7  }
0x190: {  	(xrf0) =	vmax.scan.msk.u32 $0xffff, v2;
	v2 =	vxor.u32 $0x80000000, v9  }
0x191: {  	(xrf0) =	vmax.scan.msk.u32 $0xffff, v2;
	_ =	sdelay $0x4  }
0x192: {  	v2, _, _ =	vpop (xrf0)  }
0x193: {  	(v2sf) =	vpush v2, $0xF;
	v2, _, _ =	vpop (xrf0)  }
0x194: {  	(v2sf) =	vpush v2, $0xF;
	v2, _, _ =	vpop (xrf2)  }
0x195: {  	(v2sf) =	vpush v2, $0xF;
	_ =	sdelay $0xc  }
0x196: {  	s20 =	spop (v2sf)  }
0x197: {  	s21 =	spop (v2sf)  }
0x198: {  	p2 =	sgt.s32 s15, $0x0;
	s16 =	spop (v2sf)  }
0x199: {  	s16 =	simm.s32 @!p2 $0x0  }
0x19a: {  	s15 =	simm.f32 $1.000000000e+00;
	v2 =	vmov s16  }
0x19b: {  	s15 =	simm.s32 @!p2 $0x0;
	v2 =	vnsel vm0, $0x0, v2  }
0x19c: {  	v2 =	vsel vm1, s15, v2  }
0x19d: {  	s22 =	rddreg [dreg:$0x14];
	[tilespmem:$0x11400] =	vst v2  }
0x19e: {  	[hbm4b:s22+s2] =	stream.linear.scatter [tilespmem:s12], [sflag:$0x2], $0x10, $0x38;
	[tilespmem:$0x11480] =	vst v63  }
0x19f: {  	_ =	swait.ge [sflag:s13], $0x10  }
0x1a0: {  	[sflag:s13] =	ssyncset.done $0x0  }
0x1a1: {  	[sflag:s13] =	ssyncadd.s32 $0xFFFFFFF0  }
.LBB2_7:
.Ltmp5:
0x1a2: {  	(pc) =	sbr.rel @p0 .LBB2_11-.Ltmp5, $1  }
0x1a3: {  	_ =	sdelay $0x3  }
0x1a4: {  	s15 =	simm.s32 $0x0;
	s16 =	rddreg [dreg:$0x2];
	s17 =	simm.s32 $0x11000  }
0x1a5: {  	[tilespmem:s17], [sflag:$0x2] =	stream.linear.gather [hbm4b:s16+s15], $0x400, $0x38;
	[tilespmem:$0x11480] =	vst v63  }
0x1a6: {  	_ =	swait.ge [sflag:s13], $0x400  }
0x1a7: {  	[sflag:s13] =	ssyncset.done $0x0  }
0x1a8: {  	s22 =	simm.s32 $0x0;
	[sflag:s13] =	ssyncadd.s32 $0xFFFFFC00  }
0x1a9: {  	v3 =	vld [tilespmem:s22+$0x11010]  }
0x1aa: {  	v2 =	vimm.f32 $0.0e+00;
	v4 =	vimm.f32 $0.0e+00;
	s15 =	simm.s32 $0x80;
	v5 =	vld [tilespmem:s22+$0x11000]  }
.LBB2_9:
0x1ab: {  	p2 =	sne.s32 s15, $0xF80  }
.Ltmp6:
0x1ac: {  	_ = 	snop;
	(pc) =	sbr.rel @p2 .LBB2_9-.Ltmp6, $4  }
0x1ad: {  	_ = 	snop  }
0x1ae: {  	s16 =	sshra.s32 s15, $0x2;
	s15 =	sadd.s32 $0x80, s15;
	v2 =	vadd.f32 v3, v2  }
0x1af: {  	v4 =	vadd.f32 v5, v4;
	v3 =	vld [tilespmem:s16+$0x11010]  }
0x1b0: {  	v5 =	vld [tilespmem:s16+$0x11000]  }
.Ltmp7:
0x1b1: {  	_ = 	snop;
	(pc) =	sbr.rel .LBB2_10-.Ltmp7, $1  }
0x1b2: {  	_ =	sdelay $0x3  }
.LBB2_12:
0x1b3: {  	_ =	sfence.sel $0x180000  }
0x1b4: {  	[bflag:$0x0] =	sbarrier.arrive $0xFFFF  }
0x1b5: {  	_ =	strace $0x9000004A  }
0x1b6: {  	s0 =	stileid.u32;
	[bflag:$0x2] =	sbarrier.arrive $0xFFFF  }
0x1b7: {  	p0 =	sne.s32 s0, $0x0;
	s0 =	rddreg [dreg:$0x1]  }
0x1b8: {  	s0 =	sadd.s32 @!p0 $0x100000, s0  }
0x1b9: {  	[sflag:s0] =	ssyncadd.tile.s32 @!p0 $0x1;
	_ =	shalt  }
.Lfunc_end2:
_tile_overlayer_lowered:
.L_overlay_start_2:
0x1ba: {  	(tag) =	ssettag $0x2  }
0x1bb: {  	s0 =	rddreg [dreg:$0x0];
	s2 =	stileid.u32  }
0x1bc: {  	s1 =	rddreg [dreg:$0x1];
	p0 =	sne.s32 s2, $0x0  }
0x1bd: {  	s3 =	rddreg [dreg:$0x2];
	[bflag:$0x3] =	sbarrier.arrive $0xFFFF;
	s2 =	simm.s32 @!p0 $0x1C02  }
0x1be: {  	[timem:s3], [sflag:s2] =	dma.local @!p0 [hbm:s0], s1  }
0x1bf: {  	s0 =	simm.s32 @!p0 $0x2  }
0x1c0: {  	_ =	swait.ge @!p0 [sflag:s0], s1  }
0x1c1: {  	s1 =	ssub.s32 @!p0 $0x0, s1;
	[sflag:s0] =	ssyncset.done @!p0 $0x0  }
0x1c2: {  	[sflag:s0] =	ssyncadd.s32 @!p0 s1  }
0x1c3: {  	[bflag:$0x3] =	sbarrier.arrive $0xFFFF  }
0x1c4: {  	_ =	shalt  }

</sc_bundles>
